<compile_context>
chip_gen: v7x
topology: tpu7x:2x2x1
jax: 0.10.2.dev20260603
libtpu: 0.0.44.dev20260713+nightly
codegen_flags: <defaults>
</compile_context>

<pallas_src>
import functools

import jax
import jax.numpy as jnp
from jax import lax
from jax.experimental import pallas as pl
from jax.experimental.pallas import tpu as pltpu
from jax.experimental.pallas import tpu_sc as plsc

N_NODES = 100000
NPAD = 100096
N_EDGES = 6400000
NC = 2
NS = 16
NW = NC * NS
EW = N_EDGES // NW
K = 1600
G = 80
NG = K // G
R = EW // K

L = 16
ZCHUNK = NPAD // NS

_mesh = plsc.VectorSubcoreMesh(
    core_axis_name="c", subcore_axis_name="s", num_cores=NC, num_subcores=NS
)


@functools.partial(
    pl.kernel,
    out_type=jax.ShapeDtypeStruct((NC * NPAD,), jnp.float32),
    mesh=_mesh,
    compiler_params=pltpu.CompilerParams(needs_layout_passes=False),
    scratch_types=[
        pltpu.VMEM((NPAD,), jnp.float32),
        pltpu.VMEM((K,), jnp.int32),
        pltpu.VMEM((K,), jnp.int32),
        pltpu.VMEM((K,), jnp.float32),
        pltpu.VMEM((K,), jnp.int32),
        pltpu.VMEM((K,), jnp.int32),
        pltpu.VMEM((K,), jnp.float32),
        pltpu.VMEM((NG, G), jnp.float32),
        pltpu.VMEM((NG, G), jnp.float32),
        pltpu.VMEM((NG, G), jnp.int32),
        pltpu.VMEM((NG, G), jnp.int32),
        pltpu.VMEM_SHARED((NPAD,), jnp.float32),
        pltpu.SemaphoreType.DMA,
        pltpu.SemaphoreType.DMA,
        pltpu.SemaphoreType.DMA,
    ],
)
def _sc_potential(charges_hbm, ai_hbm, aj_hbm, dist_hbm, out_hbm,
                  table_v, aiA, ajA, ddA, aiB, ajB, ddB,
                  vi_v, vj_v, si_v, sj_v, acc_sh,
                  semA, semB, sc_sem):
    c = lax.axis_index("c")
    s = lax.axis_index("s")
    w = c * NS + s

    zeros = jnp.zeros((L,), jnp.float32)

    def _zfill(t, carry):
        table_v[pl.ds(t * L, L)] = zeros
        return carry

    lax.fori_loop(0, ZCHUNK // L, _zfill, 0)
    pltpu.sync_copy(table_v.at[pl.ds(0, ZCHUNK)],
                    acc_sh.at[pl.ds(s * ZCHUNK, ZCHUNK)])

    pltpu.sync_copy(charges_hbm, table_v)
    plsc.subcore_barrier()

    ebase = w * EW

    def _fetch(r, ai_b, aj_b, dd_b, sem):
        base = ebase + r * K
        pltpu.async_copy(ai_hbm.at[pl.ds(base, K)], ai_b, sem)
        pltpu.async_copy(aj_hbm.at[pl.ds(base, K)], aj_b, sem)
        pltpu.async_copy(dist_hbm.at[pl.ds(base, K)], dd_b, sem)

    def _wait_inputs(ai_b, aj_b, dd_b, sem):
        pltpu.make_async_copy(ai_hbm.at[pl.ds(0, K)], ai_b, sem).wait()
        pltpu.make_async_copy(aj_hbm.at[pl.ds(0, K)], aj_b, sem).wait()
        pltpu.make_async_copy(dist_hbm.at[pl.ds(0, K)], dd_b, sem).wait()

    def _drain_scatter(n):
        for _ in range(n):
            pltpu.make_async_copy(vi_v.at[0], acc_sh.at[si_v.at[0]],
                                  sc_sem).wait()
            pltpu.make_async_copy(vj_v.at[0], acc_sh.at[sj_v.at[0]],
                                  sc_sem).wait()

    def _process(ai_b, aj_b, dd_b):
        def _group(g, carry):
            for u in range(G // L):
                e0 = g * G + u * L
                ii = ai_b[pl.ds(e0, L)]
                jj = aj_b[pl.ds(e0, L)]
                dd = dd_b[pl.ds(e0, L)]
                ci = plsc.load_gather(table_v, [ii])
                cj = plsc.load_gather(table_v, [jj])
                p = 0.5 / dd
                vi_v[g, pl.ds(u * L, L)] = cj * p
                vj_v[g, pl.ds(u * L, L)] = ci * p
                si_v[g, pl.ds(u * L, L)] = ii
                sj_v[g, pl.ds(u * L, L)] = jj
            pltpu.async_copy(vi_v.at[g], acc_sh.at[si_v.at[g]], sc_sem,
                             add=True)
            pltpu.async_copy(vj_v.at[g], acc_sh.at[sj_v.at[g]], sc_sem,
                             add=True)
            return carry

        lax.fori_loop(0, NG, _group, 0)
        _drain_scatter(NG)

    _fetch(0, aiA, ajA, ddA, semA)

    def _pair(t, carry):
        r = 2 * t
        _wait_inputs(aiA, ajA, ddA, semA)
        _fetch(r + 1, aiB, ajB, ddB, semB)
        _process(aiA, ajA, ddA)
        _wait_inputs(aiB, ajB, ddB, semB)

        @pl.when(r + 2 < R)
        def _():
            _fetch(r + 2, aiA, ajA, ddA, semA)

        _process(aiB, ajB, ddB)
        return carry

    lax.fori_loop(0, R // 2, _pair, 0)
    if R % 2:
        _wait_inputs(aiA, ajA, ddA, semA)
        _process(aiA, ajA, ddA)

    plsc.subcore_barrier()
    pltpu.sync_copy(acc_sh.at[pl.ds(s * ZCHUNK, ZCHUNK)],
                    table_v.at[pl.ds(0, ZCHUNK)])
    pltpu.sync_copy(table_v.at[pl.ds(0, ZCHUNK)],
                    out_hbm.at[pl.ds(c * NPAD + s * ZCHUNK, ZCHUNK)])


def kernel(charges, neighbor_indices, neighbor_distances):
    ch = jnp.pad(charges[:, 0], (0, NPAD - N_NODES))
    idx = neighbor_indices.astype(jnp.int32)
    parts = _sc_potential(ch, idx[:, 0], idx[:, 1], neighbor_distances)
    return (parts[:N_NODES] + parts[NPAD:NPAD + N_NODES]).reshape(N_NODES, 1)

# --- scband reference (transcript-rebuilt; emitter-appended) ---
"""Pipeline reference for scband-calculator-base-torch-3607772529447 (READ-ONLY COPY).

The authoritative reference and input builder live on the scoring server;
editing this copy changes nothing except your own understanding.
"""

import jax, jax.numpy as jnp
import numpy as np

N_NODES = 100000
N_EDGES = 6400000


def potential_from_dist(dist):
    # Coulomb potential: v(r) = 1/r (the `potential.from_dist` of the torch module)
    return 1.0 / dist


def setup_inputs(seed: int = 0) -> dict:
    key = jax.random.key(seed)
    k1, k2, k3 = jax.random.split(key, 3)
    charges = jax.random.normal(k1, (N_NODES, 1), dtype=jnp.float32)
    neighbor_indices = jax.random.randint(k2, (N_EDGES, 2), 0, N_NODES, dtype=jnp.int64)
    # positive distances bounded away from zero to keep 1/r well behaved
    neighbor_distances = jax.random.uniform(k3, (N_EDGES,), dtype=jnp.float32, minval=0.5, maxval=5.0)
    return {"charges": charges, "neighbor_indices": neighbor_indices, "neighbor_distances": neighbor_distances}


def reference(charges, neighbor_indices, neighbor_distances):
    # Faithful translation of CalculatorBaseTorch.compute_direct with
    # full_neighbor_list=False (half neighbor list -> symmetrize contributions).
    potentials_bare = potential_from_dist(neighbor_distances)  # [E]
    atom_is = neighbor_indices[:, 0]
    atom_js = neighbor_indices[:, 1]
    contributions_is = charges[atom_js] * potentials_bare[:, None]  # gather + scale
    potential = jnp.zeros_like(charges)
    potential = potential.at[atom_is].add(contributions_is)  # index_add_
    # full_neighbor_list == False branch
    contributions_js = charges[atom_is] * potentials_bare[:, None]
    potential = potential.at[atom_js].add(contributions_js)
    return potential / 2

if __name__ == "__main__":
    import jax
    _d = setup_inputs()
    print(jax.jit(kernel)(*tuple(_d.values())))

</pallas_src>

<mosaic_0001>
#map = affine_map<(d0, d1) -> (0)>
module attributes {stable_mosaic.version = 14 : i64} {
  func.func @_sc_potential(%arg0: i32, %arg1: i32, %arg2: memref<100096xf32, #tpu.memory_space<hbm>>, %arg3: memref<6400000xi32, #tpu.memory_space<hbm>>, %arg4: memref<6400000xi32, #tpu.memory_space<hbm>>, %arg5: memref<6400000xf32, #tpu.memory_space<hbm>>, %arg6: memref<200192xf32, #tpu.memory_space<hbm>>, %arg7: memref<100096xf32, #tpu.memory_space<vmem>>, %arg8: memref<1600xi32, #tpu.memory_space<vmem>>, %arg9: memref<1600xi32, #tpu.memory_space<vmem>>, %arg10: memref<1600xf32, #tpu.memory_space<vmem>>, %arg11: memref<1600xi32, #tpu.memory_space<vmem>>, %arg12: memref<1600xi32, #tpu.memory_space<vmem>>, %arg13: memref<1600xf32, #tpu.memory_space<vmem>>, %arg14: memref<20x80xf32, #tpu.memory_space<vmem>>, %arg15: memref<20x80xf32, #tpu.memory_space<vmem>>, %arg16: memref<20x80xi32, #tpu.memory_space<vmem>>, %arg17: memref<20x80xi32, #tpu.memory_space<vmem>>, %arg18: memref<100096xf32, #tpu.memory_space<vmem_shared>>, %arg19: memref<!tpu.dma_semaphore, #tpu.memory_space<semaphore_mem>>, %arg20: memref<!tpu.dma_semaphore, #tpu.memory_space<semaphore_mem>>, %arg21: memref<!tpu.dma_semaphore, #tpu.memory_space<semaphore_mem>>) attributes {dimension_semantics = [#tpu.dimension_semantics<core_parallel>, #tpu.dimension_semantics<subcore_parallel>], iteration_bounds = array<i64: 2, 16>, scalar_prefetch = 0 : i64, scratch_operands = 15 : i64, tpu.core_type = #tpu.core_type<sc_vector_subcore>, window_params = [{transform_indices = #map}, {transform_indices = #map}, {transform_indices = #map}, {transform_indices = #map}, {transform_indices = #map}]} {
    %mul3A = arith.constant 16 : i32
    %mul3A_0 = arith.muli %arg0, %mul3A : i32
    %add3A = arith.addi %mul3A_0, %arg1 : i32
    %broadcast_in_dim3A = arith.constant 0.000000e+00 : f32
    %broadcast_in_dim3A_1 = vector.broadcast %broadcast_in_dim3A : f32 to vector<16xf32>
    %scan3A = arith.constant 0 : i32
    %scan3A_2 = arith.constant 0 : i32
    %scan3A_3 = arith.constant 391 : i32
    %scan3A_4 = arith.addi %scan3A_2, %scan3A_3 : i32
    %scan3A_5 = arith.constant 1 : i32
    scf.for %scan3A_449 = %scan3A_2 to %scan3A_4 step %scan3A_5  : i32 {
      %mul3A_450 = arith.constant 16 : i32
      %mul3A_451 = arith.muli %scan3A_449, %mul3A_450 : i32
      %swap3A = arith.index_cast %mul3A_451 : i32 to index
      %swap3A_452 = tpu.vector_load %arg7[%swap3A] {strides = array<i32>} : memref<100096xf32, #tpu.memory_space<vmem>>, vector<16xf32>,
      tpu.vector_store %arg7[%swap3A], %broadcast_in_dim3A_1 {strides = array<i32>} : memref<100096xf32, #tpu.memory_space<vmem>>, vector<16xf32>,
    }
    %scan3A_6 = arith.constant 391 : i32
    %mul3A_7 = arith.constant 6256 : i32
    %mul3A_8 = arith.muli %arg1, %mul3A_7 : i32
    "tpu.region"() ({
      %run_scoped3A = tpu.sem_alloc : memref<!tpu.dma_semaphore, #tpu.memory_space<semaphore_mem>>
      %dma_start3A_449 = arith.constant 0 : i32
      %dma_start3A_450 = tpu.memref_slice %arg7[%dma_start3A_449] : memref<100096xf32, #tpu.memory_space<vmem>> -> memref<6256xf32, #tpu.memory_space<vmem>>
      %dma_start3A_451 = tpu.memref_slice %arg18[%mul3A_8] : memref<100096xf32, #tpu.memory_space<vmem_shared>> -> memref<6256xf32, #tpu.memory_space<vmem_shared>>
      %dma_start3A_452 = tpu.memref_slice %arg18[%mul3A_8] : memref<100096xf32, #tpu.memory_space<vmem_shared>> -> memref<6256xf32, #tpu.memory_space<vmem_shared>>
      %dma_start3A_453 = arith.constant 0 : i32
      %dma_start3A_454 = tpu.memref_slice %arg7[%dma_start3A_453] : memref<100096xf32, #tpu.memory_space<vmem>> -> memref<6256xf32, #tpu.memory_space<vmem>>
      tpu.enqueue_dma source(%dma_start3A_454 : memref<6256xf32, #tpu.memory_space<vmem>>) target(%dma_start3A_452 : memref<6256xf32, #tpu.memory_space<vmem_shared>>) target_semaphore(%run_scoped3A : memref<!tpu.dma_semaphore, #tpu.memory_space<semaphore_mem>>)
      %dma_wait3A_455 = arith.constant 0 : i32
      %dma_wait3A_456 = tpu.memref_slice %arg7[%dma_wait3A_455] : memref<100096xf32, #tpu.memory_space<vmem>> -> memref<6256xf32, #tpu.memory_space<vmem>>
      %dma_wait3A_457 = tpu.memref_slice %arg18[%mul3A_8] : memref<100096xf32, #tpu.memory_space<vmem_shared>> -> memref<6256xf32, #tpu.memory_space<vmem_shared>>
      %dma_wait3A_458 = tpu.memref_slice %arg18[%mul3A_8] : memref<100096xf32, #tpu.memory_space<vmem_shared>> -> memref<6256xf32, #tpu.memory_space<vmem_shared>>
      %dma_wait3A_459 = arith.constant 0 : i32
      %dma_wait3A_460 = tpu.memref_slice %arg7[%dma_wait3A_459] : memref<100096xf32, #tpu.memory_space<vmem>> -> memref<6256xf32, #tpu.memory_space<vmem>>
      tpu.wait_dma2 semaphore(%run_scoped3A : memref<!tpu.dma_semaphore, #tpu.memory_space<semaphore_mem>>) src(%dma_wait3A_460 : memref<6256xf32, #tpu.memory_space<vmem>>) dst(%dma_wait3A_458 : memref<6256xf32, #tpu.memory_space<vmem_shared>>)
      tpu.yield
    }) : () -> ()
    "tpu.region"() ({
      %run_scoped3A = tpu.sem_alloc : memref<!tpu.dma_semaphore, #tpu.memory_space<semaphore_mem>>
      tpu.enqueue_dma source(%arg2 : memref<100096xf32, #tpu.memory_space<hbm>>) target(%arg7 : memref<100096xf32, #tpu.memory_space<vmem>>) target_semaphore(%run_scoped3A : memref<!tpu.dma_semaphore, #tpu.memory_space<semaphore_mem>>)
      tpu.wait_dma2 semaphore(%run_scoped3A : memref<!tpu.dma_semaphore, #tpu.memory_space<semaphore_mem>>) src(%arg2 : memref<100096xf32, #tpu.memory_space<hbm>>) dst(%arg7 : memref<100096xf32, #tpu.memory_space<vmem>>)
      tpu.yield
    }) : () -> ()
    %barrier3A = arith.constant 0 : index
    tpu.barrier barrier_id(%barrier3A)
    %mul3A_9 = arith.constant 200000 : i32
    %mul3A_10 = arith.muli %add3A, %mul3A_9 : i32
    %add3A_11 = arith.constant 0 : i32
    %add3A_12 = arith.addi %mul3A_10, %add3A_11 : i32
    %dma_start3A = tpu.memref_slice %arg3[%add3A_12] : memref<6400000xi32, #tpu.memory_space<hbm>> -> memref<1600xi32, #tpu.memory_space<hbm>>
    %dma_start3A_13 = tpu.memref_slice %arg3[%add3A_12] : memref<6400000xi32, #tpu.memory_space<hbm>> -> memref<1600xi32, #tpu.memory_space<hbm>>
    tpu.enqueue_dma source(%dma_start3A_13 : memref<1600xi32, #tpu.memory_space<hbm>>) target(%arg8 : memref<1600xi32, #tpu.memory_space<vmem>>) target_semaphore(%arg19 : memref<!tpu.dma_semaphore, #tpu.memory_space<semaphore_mem>>)
    %dma_start3A_14 = tpu.memref_slice %arg4[%add3A_12] : memref<6400000xi32, #tpu.memory_space<hbm>> -> memref<1600xi32, #tpu.memory_space<hbm>>
    %dma_start3A_15 = tpu.memref_slice %arg4[%add3A_12] : memref<6400000xi32, #tpu.memory_space<hbm>> -> memref<1600xi32, #tpu.memory_space<hbm>>
    tpu.enqueue_dma source(%dma_start3A_15 : memref<1600xi32, #tpu.memory_space<hbm>>) target(%arg9 : memref<1600xi32, #tpu.memory_space<vmem>>) target_semaphore(%arg19 : memref<!tpu.dma_semaphore, #tpu.memory_space<semaphore_mem>>)
    %dma_start3A_16 = tpu.memref_slice %arg5[%add3A_12] : memref<6400000xf32, #tpu.memory_space<hbm>> -> memref<1600xf32, #tpu.memory_space<hbm>>
    %dma_start3A_17 = tpu.memref_slice %arg5[%add3A_12] : memref<6400000xf32, #tpu.memory_space<hbm>> -> memref<1600xf32, #tpu.memory_space<hbm>>
    tpu.enqueue_dma source(%dma_start3A_17 : memref<1600xf32, #tpu.memory_space<hbm>>) target(%arg10 : memref<1600xf32, #tpu.memory_space<vmem>>) target_semaphore(%arg19 : memref<!tpu.dma_semaphore, #tpu.memory_space<semaphore_mem>>)
    %scan3A_18 = arith.constant 0 : i32
    %scan3A_19 = arith.constant 0 : i32
    %scan3A_20 = arith.constant 62 : i32
    %scan3A_21 = arith.addi %scan3A_19, %scan3A_20 : i32
    %scan3A_22 = arith.constant 1 : i32
    scf.for %scan3A_449 = %scan3A_19 to %scan3A_21 step %scan3A_22  : i32 {
      %mul3A_450 = arith.constant 2 : i32
      %mul3A_451 = arith.muli %mul3A_450, %scan3A_449 : i32
      %dma_wait3A_452 = arith.constant 0 : i32
      %dma_wait3A_453 = tpu.memref_slice %arg3[%dma_wait3A_452] : memref<6400000xi32, #tpu.memory_space<hbm>> -> memref<1600xi32, #tpu.memory_space<hbm>>
      %dma_wait3A_454 = arith.constant 0 : i32
      %dma_wait3A_455 = tpu.memref_slice %arg3[%dma_wait3A_454] : memref<6400000xi32, #tpu.memory_space<hbm>> -> memref<1600xi32, #tpu.memory_space<hbm>>
      tpu.wait_dma2 semaphore(%arg19 : memref<!tpu.dma_semaphore, #tpu.memory_space<semaphore_mem>>) src(%dma_wait3A_455 : memref<1600xi32, #tpu.memory_space<hbm>>) dst(%arg8 : memref<1600xi32, #tpu.memory_space<vmem>>)
      %dma_wait3A_456 = arith.constant 0 : i32
      %dma_wait3A_457 = tpu.memref_slice %arg4[%dma_wait3A_456] : memref<6400000xi32, #tpu.memory_space<hbm>> -> memref<1600xi32, #tpu.memory_space<hbm>>
      %dma_wait3A_458 = arith.constant 0 : i32
      %dma_wait3A_459 = tpu.memref_slice %arg4[%dma_wait3A_458] : memref<6400000xi32, #tpu.memory_space<hbm>> -> memref<1600xi32, #tpu.memory_space<hbm>>
      tpu.wait_dma2 semaphore(%arg19 : memref<!tpu.dma_semaphore, #tpu.memory_space<semaphore_mem>>) src(%dma_wait3A_459 : memref<1600xi32, #tpu.memory_space<hbm>>) dst(%arg9 : memref<1600xi32, #tpu.memory_space<vmem>>)
      %dma_wait3A_460 = arith.constant 0 : i32
      %dma_wait3A_461 = tpu.memref_slice %arg5[%dma_wait3A_460] : memref<6400000xf32, #tpu.memory_space<hbm>> -> memref<1600xf32, #tpu.memory_space<hbm>>
      %dma_wait3A_462 = arith.constant 0 : i32
      %dma_wait3A_463 = tpu.memref_slice %arg5[%dma_wait3A_462] : memref<6400000xf32, #tpu.memory_space<hbm>> -> memref<1600xf32, #tpu.memory_space<hbm>>
      tpu.wait_dma2 semaphore(%arg19 : memref<!tpu.dma_semaphore, #tpu.memory_space<semaphore_mem>>) src(%dma_wait3A_463 : memref<1600xf32, #tpu.memory_space<hbm>>) dst(%arg10 : memref<1600xf32, #tpu.memory_space<vmem>>)
      %add3A_464 = arith.constant 1 : i32
      %add3A_465 = arith.addi %mul3A_451, %add3A_464 : i32
      %mul3A_466 = arith.constant 1600 : i32
      %mul3A_467 = arith.muli %add3A_465, %mul3A_466 : i32
      %add3A_468 = arith.addi %mul3A_10, %mul3A_467 : i32
      %dma_start3A_469 = tpu.memref_slice %arg3[%add3A_468] : memref<6400000xi32, #tpu.memory_space<hbm>> -> memref<1600xi32, #tpu.memory_space<hbm>>
      %dma_start3A_470 = tpu.memref_slice %arg3[%add3A_468] : memref<6400000xi32, #tpu.memory_space<hbm>> -> memref<1600xi32, #tpu.memory_space<hbm>>
      tpu.enqueue_dma source(%dma_start3A_470 : memref<1600xi32, #tpu.memory_space<hbm>>) target(%arg11 : memref<1600xi32, #tpu.memory_space<vmem>>) target_semaphore(%arg20 : memref<!tpu.dma_semaphore, #tpu.memory_space<semaphore_mem>>)
      %dma_start3A_471 = tpu.memref_slice %arg4[%add3A_468] : memref<6400000xi32, #tpu.memory_space<hbm>> -> memref<1600xi32, #tpu.memory_space<hbm>>
      %dma_start3A_472 = tpu.memref_slice %arg4[%add3A_468] : memref<6400000xi32, #tpu.memory_space<hbm>> -> memref<1600xi32, #tpu.memory_space<hbm>>
      tpu.enqueue_dma source(%dma_start3A_472 : memref<1600xi32, #tpu.memory_space<hbm>>) target(%arg12 : memref<1600xi32, #tpu.memory_space<vmem>>) target_semaphore(%arg20 : memref<!tpu.dma_semaphore, #tpu.memory_space<semaphore_mem>>)
      %dma_start3A_473 = tpu.memref_slice %arg5[%add3A_468] : memref<6400000xf32, #tpu.memory_space<hbm>> -> memref<1600xf32, #tpu.memory_space<hbm>>
      %dma_start3A_474 = tpu.memref_slice %arg5[%add3A_468] : memref<6400000xf32, #tpu.memory_space<hbm>> -> memref<1600xf32, #tpu.memory_space<hbm>>
      tpu.enqueue_dma source(%dma_start3A_474 : memref<1600xf32, #tpu.memory_space<hbm>>) target(%arg13 : memref<1600xf32, #tpu.memory_space<vmem>>) target_semaphore(%arg20 : memref<!tpu.dma_semaphore, #tpu.memory_space<semaphore_mem>>)
      %scan3A_475 = arith.constant 0 : i32
      %scan3A_476 = arith.constant 0 : i32
      %scan3A_477 = arith.constant 20 : i32
      %scan3A_478 = arith.addi %scan3A_476, %scan3A_477 : i32
      %scan3A_479 = arith.constant 1 : i32
      scf.for %scan3A_1303 = %scan3A_476 to %scan3A_478 step %scan3A_479  : i32 {
        %mul3A_1304 = arith.constant 80 : i32
        %mul3A_1305 = arith.muli %scan3A_1303, %mul3A_1304 : i32
        %add3A_1306 = arith.constant 0 : i32
        %add3A_1307 = arith.addi %mul3A_1305, %add3A_1306 : i32
        %get3A = arith.index_cast %add3A_1307 : i32 to index
        %get3A_1308 = tpu.vector_load %arg8[%get3A] {strides = array<i32>} : memref<1600xi32, #tpu.memory_space<vmem>>, vector<16xi32>,
        %get3A_1309 = arith.index_cast %add3A_1307 : i32 to index
        %get3A_1310 = tpu.vector_load %arg9[%get3A_1309] {strides = array<i32>} : memref<1600xi32, #tpu.memory_space<vmem>>, vector<16xi32>,
        %get3A_1311 = arith.index_cast %add3A_1307 : i32 to index
        %get3A_1312 = tpu.vector_load %arg10[%get3A_1311] {strides = array<i32>} : memref<1600xf32, #tpu.memory_space<vmem>>, vector<16xf32>,
        %gather3A = tpu.vector_load_idx %arg7[%get3A_1308] : memref<100096xf32, #tpu.memory_space<vmem>>[vector<16xi32>], vector<16xf32>,
        %gather3A_1313 = tpu.vector_load_idx %arg7[%get3A_1310] : memref<100096xf32, #tpu.memory_space<vmem>>[vector<16xi32>], vector<16xf32>,
        %div3A = arith.constant 5.000000e-01 : f32
        %div3A_1314 = vector.broadcast %div3A : f32 to vector<16xf32>
        %div3A_1315 = arith.divf %div3A_1314, %get3A_1312 : vector<16xf32>
        %mul3A_1316 = arith.mulf %gather3A_1313, %div3A_1315 : vector<16xf32>
        %swap3A = arith.index_cast %scan3A_1303 : i32 to index
        %swap3A_1317 = arith.constant 0 : index
        %swap3A_1318 = tpu.vector_load %arg14[%swap3A, %swap3A_1317] {strides = array<i32>} : memref<20x80xf32, #tpu.memory_space<vmem>>, vector<16xf32>,
        tpu.vector_store %arg14[%swap3A, %swap3A_1317], %mul3A_1316 {strides = array<i32>} : memref<20x80xf32, #tpu.memory_space<vmem>>, vector<16xf32>,
        %mul3A_1319 = arith.mulf %gather3A, %div3A_1315 : vector<16xf32>
        %swap3A_1320 = arith.index_cast %scan3A_1303 : i32 to index
        %swap3A_1321 = arith.constant 0 : index
        %swap3A_1322 = tpu.vector_load %arg15[%swap3A_1320, %swap3A_1321] {strides = array<i32>} : memref<20x80xf32, #tpu.memory_space<vmem>>, vector<16xf32>,
        tpu.vector_store %arg15[%swap3A_1320, %swap3A_1321], %mul3A_1319 {strides = array<i32>} : memref<20x80xf32, #tpu.memory_space<vmem>>, vector<16xf32>,
        %swap3A_1323 = arith.index_cast %scan3A_1303 : i32 to index
        %swap3A_1324 = arith.constant 0 : index
        %swap3A_1325 = tpu.vector_load %arg16[%swap3A_1323, %swap3A_1324] {strides = array<i32>} : memref<20x80xi32, #tpu.memory_space<vmem>>, vector<16xi32>,
        tpu.vector_store %arg16[%swap3A_1323, %swap3A_1324], %get3A_1308 {strides = array<i32>} : memref<20x80xi32, #tpu.memory_space<vmem>>, vector<16xi32>,
        %swap3A_1326 = arith.index_cast %scan3A_1303 : i32 to index
        %swap3A_1327 = arith.constant 0 : index
        %swap3A_1328 = tpu.vector_load %arg17[%swap3A_1326, %swap3A_1327] {strides = array<i32>} : memref<20x80xi32, #tpu.memory_space<vmem>>, vector<16xi32>,
        tpu.vector_store %arg17[%swap3A_1326, %swap3A_1327], %get3A_1310 {strides = array<i32>} : memref<20x80xi32, #tpu.memory_space<vmem>>, vector<16xi32>,
        %mul3A_1329 = arith.constant 80 : i32
        %mul3A_1330 = arith.muli %scan3A_1303, %mul3A_1329 : i32
        %add3A_1331 = arith.constant 16 : i32
        %add3A_1332 = arith.addi %mul3A_1330, %add3A_1331 : i32
        %get3A_1333 = arith.index_cast %add3A_1332 : i32 to index
        %get3A_1334 = tpu.vector_load %arg8[%get3A_1333] {strides = array<i32>} : memref<1600xi32, #tpu.memory_space<vmem>>, vector<16xi32>,
        %get3A_1335 = arith.index_cast %add3A_1332 : i32 to index
        %get3A_1336 = tpu.vector_load %arg9[%get3A_1335] {strides = array<i32>} : memref<1600xi32, #tpu.memory_space<vmem>>, vector<16xi32>,
        %get3A_1337 = arith.index_cast %add3A_1332 : i32 to index
        %get3A_1338 = tpu.vector_load %arg10[%get3A_1337] {strides = array<i32>} : memref<1600xf32, #tpu.memory_space<vmem>>, vector<16xf32>,
        %gather3A_1339 = tpu.vector_load_idx %arg7[%get3A_1334] : memref<100096xf32, #tpu.memory_space<vmem>>[vector<16xi32>], vector<16xf32>,
        %gather3A_1340 = tpu.vector_load_idx %arg7[%get3A_1336] : memref<100096xf32, #tpu.memory_space<vmem>>[vector<16xi32>], vector<16xf32>,
        %div3A_1341 = arith.constant 5.000000e-01 : f32
        %div3A_1342 = vector.broadcast %div3A_1341 : f32 to vector<16xf32>
        %div3A_1343 = arith.divf %div3A_1342, %get3A_1338 : vector<16xf32>
        %mul3A_1344 = arith.mulf %gather3A_1340, %div3A_1343 : vector<16xf32>
        %swap3A_1345 = arith.index_cast %scan3A_1303 : i32 to index
        %swap3A_1346 = arith.constant 16 : index
        %swap3A_1347 = tpu.vector_load %arg14[%swap3A_1345, %swap3A_1346] {strides = array<i32>} : memref<20x80xf32, #tpu.memory_space<vmem>>, vector<16xf32>,
        tpu.vector_store %arg14[%swap3A_1345, %swap3A_1346], %mul3A_1344 {strides = array<i32>} : memref<20x80xf32, #tpu.memory_space<vmem>>, vector<16xf32>,
        %mul3A_1348 = arith.mulf %gather3A_1339, %div3A_1343 : vector<16xf32>
        %swap3A_1349 = arith.index_cast %scan3A_1303 : i32 to index
        %swap3A_1350 = arith.constant 16 : index
        %swap3A_1351 = tpu.vector_load %arg15[%swap3A_1349, %swap3A_1350] {strides = array<i32>} : memref<20x80xf32, #tpu.memory_space<vmem>>, vector<16xf32>,
        tpu.vector_store %arg15[%swap3A_1349, %swap3A_1350], %mul3A_1348 {strides = array<i32>} : memref<20x80xf32, #tpu.memory_space<vmem>>, vector<16xf32>,
        %swap3A_1352 = arith.index_cast %scan3A_1303 : i32 to index
        %swap3A_1353 = arith.constant 16 : index
        %swap3A_1354 = tpu.vector_load %arg16[%swap3A_1352, %swap3A_1353] {strides = array<i32>} : memref<20x80xi32, #tpu.memory_space<vmem>>, vector<16xi32>,
        tpu.vector_store %arg16[%swap3A_1352, %swap3A_1353], %get3A_1334 {strides = array<i32>} : memref<20x80xi32, #tpu.memory_space<vmem>>, vector<16xi32>,
        %swap3A_1355 = arith.index_cast %scan3A_1303 : i32 to index
        %swap3A_1356 = arith.constant 16 : index
        %swap3A_1357 = tpu.vector_load %arg17[%swap3A_1355, %swap3A_1356] {strides = array<i32>} : memref<20x80xi32, #tpu.memory_space<vmem>>, vector<16xi32>,
        tpu.vector_store %arg17[%swap3A_1355, %swap3A_1356], %get3A_1336 {strides = array<i32>} : memref<20x80xi32, #tpu.memory_space<vmem>>, vector<16xi32>,
        %mul3A_1358 = arith.constant 80 : i32
        %mul3A_1359 = arith.muli %scan3A_1303, %mul3A_1358 : i32
        %add3A_1360 = arith.constant 32 : i32
        %add3A_1361 = arith.addi %mul3A_1359, %add3A_1360 : i32
        %get3A_1362 = arith.index_cast %add3A_1361 : i32 to index
        %get3A_1363 = tpu.vector_load %arg8[%get3A_1362] {strides = array<i32>} : memref<1600xi32, #tpu.memory_space<vmem>>, vector<16xi32>,
        %get3A_1364 = arith.index_cast %add3A_1361 : i32 to index
        %get3A_1365 = tpu.vector_load %arg9[%get3A_1364] {strides = array<i32>} : memref<1600xi32, #tpu.memory_space<vmem>>, vector<16xi32>,
        %get3A_1366 = arith.index_cast %add3A_1361 : i32 to index
        %get3A_1367 = tpu.vector_load %arg10[%get3A_1366] {strides = array<i32>} : memref<1600xf32, #tpu.memory_space<vmem>>, vector<16xf32>,
        %gather3A_1368 = tpu.vector_load_idx %arg7[%get3A_1363] : memref<100096xf32, #tpu.memory_space<vmem>>[vector<16xi32>], vector<16xf32>,
        %gather3A_1369 = tpu.vector_load_idx %arg7[%get3A_1365] : memref<100096xf32, #tpu.memory_space<vmem>>[vector<16xi32>], vector<16xf32>,
        %div3A_1370 = arith.constant 5.000000e-01 : f32
        %div3A_1371 = vector.broadcast %div3A_1370 : f32 to vector<16xf32>
        %div3A_1372 = arith.divf %div3A_1371, %get3A_1367 : vector<16xf32>
        %mul3A_1373 = arith.mulf %gather3A_1369, %div3A_1372 : vector<16xf32>
        %swap3A_1374 = arith.index_cast %scan3A_1303 : i32 to index
        %swap3A_1375 = arith.constant 32 : index
        %swap3A_1376 = tpu.vector_load %arg14[%swap3A_1374, %swap3A_1375] {strides = array<i32>} : memref<20x80xf32, #tpu.memory_space<vmem>>, vector<16xf32>,
        tpu.vector_store %arg14[%swap3A_1374, %swap3A_1375], %mul3A_1373 {strides = array<i32>} : memref<20x80xf32, #tpu.memory_space<vmem>>, vector<16xf32>,
        %mul3A_1377 = arith.mulf %gather3A_1368, %div3A_1372 : vector<16xf32>
        %swap3A_1378 = arith.index_cast %scan3A_1303 : i32 to index
        %swap3A_1379 = arith.constant 32 : index
        %swap3A_1380 = tpu.vector_load %arg15[%swap3A_1378, %swap3A_1379] {strides = array<i32>} : memref<20x80xf32, #tpu.memory_space<vmem>>, vector<16xf32>,
        tpu.vector_store %arg15[%swap3A_1378, %swap3A_1379], %mul3A_1377 {strides = array<i32>} : memref<20x80xf32, #tpu.memory_space<vmem>>, vector<16xf32>,
        %swap3A_1381 = arith.index_cast %scan3A_1303 : i32 to index
        %swap3A_1382 = arith.constant 32 : index
        %swap3A_1383 = tpu.vector_load %arg16[%swap3A_1381, %swap3A_1382] {strides = array<i32>} : memref<20x80xi32, #tpu.memory_space<vmem>>, vector<16xi32>,
        tpu.vector_store %arg16[%swap3A_1381, %swap3A_1382], %get3A_1363 {strides = array<i32>} : memref<20x80xi32, #tpu.memory_space<vmem>>, vector<16xi32>,
        %swap3A_1384 = arith.index_cast %scan3A_1303 : i32 to index
        %swap3A_1385 = arith.constant 32 : index
        %swap3A_1386 = tpu.vector_load %arg17[%swap3A_1384, %swap3A_1385] {strides = array<i32>} : memref<20x80xi32, #tpu.memory_space<vmem>>, vector<16xi32>,
        tpu.vector_store %arg17[%swap3A_1384, %swap3A_1385], %get3A_1365 {strides = array<i32>} : memref<20x80xi32, #tpu.memory_space<vmem>>, vector<16xi32>,
        %mul3A_1387 = arith.constant 80 : i32
        %mul3A_1388 = arith.muli %scan3A_1303, %mul3A_1387 : i32
        %add3A_1389 = arith.constant 48 : i32
        %add3A_1390 = arith.addi %mul3A_1388, %add3A_1389 : i32
        %get3A_1391 = arith.index_cast %add3A_1390 : i32 to index
        %get3A_1392 = tpu.vector_load %arg8[%get3A_1391] {strides = array<i32>} : memref<1600xi32, #tpu.memory_space<vmem>>, vector<16xi32>,
        %get3A_1393 = arith.index_cast %add3A_1390 : i32 to index
        %get3A_1394 = tpu.vector_load %arg9[%get3A_1393] {strides = array<i32>} : memref<1600xi32, #tpu.memory_space<vmem>>, vector<16xi32>,
        %get3A_1395 = arith.index_cast %add3A_1390 : i32 to index
        %get3A_1396 = tpu.vector_load %arg10[%get3A_1395] {strides = array<i32>} : memref<1600xf32, #tpu.memory_space<vmem>>, vector<16xf32>,
        %gather3A_1397 = tpu.vector_load_idx %arg7[%get3A_1392] : memref<100096xf32, #tpu.memory_space<vmem>>[vector<16xi32>], vector<16xf32>,
        %gather3A_1398 = tpu.vector_load_idx %arg7[%get3A_1394] : memref<100096xf32, #tpu.memory_space<vmem>>[vector<16xi32>], vector<16xf32>,
        %div3A_1399 = arith.constant 5.000000e-01 : f32
        %div3A_1400 = vector.broadcast %div3A_1399 : f32 to vector<16xf32>
        %div3A_1401 = arith.divf %div3A_1400, %get3A_1396 : vector<16xf32>
        %mul3A_1402 = arith.mulf %gather3A_1398, %div3A_1401 : vector<16xf32>
        %swap3A_1403 = arith.index_cast %scan3A_1303 : i32 to index
        %swap3A_1404 = arith.constant 48 : index
        %swap3A_1405 = tpu.vector_load %arg14[%swap3A_1403, %swap3A_1404] {strides = array<i32>} : memref<20x80xf32, #tpu.memory_space<vmem>>, vector<16xf32>,
        tpu.vector_store %arg14[%swap3A_1403, %swap3A_1404], %mul3A_1402 {strides = array<i32>} : memref<20x80xf32, #tpu.memory_space<vmem>>, vector<16xf32>,
        %mul3A_1406 = arith.mulf %gather3A_1397, %div3A_1401 : vector<16xf32>
        %swap3A_1407 = arith.index_cast %scan3A_1303 : i32 to index
        %swap3A_1408 = arith.constant 48 : index
        %swap3A_1409 = tpu.vector_load %arg15[%swap3A_1407, %swap3A_1408] {strides = array<i32>} : memref<20x80xf32, #tpu.memory_space<vmem>>, vector<16xf32>,
        tpu.vector_store %arg15[%swap3A_1407, %swap3A_1408], %mul3A_1406 {strides = array<i32>} : memref<20x80xf32, #tpu.memory_space<vmem>>, vector<16xf32>,
        %swap3A_1410 = arith.index_cast %scan3A_1303 : i32 to index
        %swap3A_1411 = arith.constant 48 : index
        %swap3A_1412 = tpu.vector_load %arg16[%swap3A_1410, %swap3A_1411] {strides = array<i32>} : memref<20x80xi32, #tpu.memory_space<vmem>>, vector<16xi32>,
        tpu.vector_store %arg16[%swap3A_1410, %swap3A_1411], %get3A_1392 {strides = array<i32>} : memref<20x80xi32, #tpu.memory_space<vmem>>, vector<16xi32>,
        %swap3A_1413 = arith.index_cast %scan3A_1303 : i32 to index
        %swap3A_1414 = arith.constant 48 : index
        %swap3A_1415 = tpu.vector_load %arg17[%swap3A_1413, %swap3A_1414] {strides = array<i32>} : memref<20x80xi32, #tpu.memory_space<vmem>>, vector<16xi32>,
        tpu.vector_store %arg17[%swap3A_1413, %swap3A_1414], %get3A_1394 {strides = array<i32>} : memref<20x80xi32, #tpu.memory_space<vmem>>, vector<16xi32>,
        %mul3A_1416 = arith.constant 80 : i32
        %mul3A_1417 = arith.muli %scan3A_1303, %mul3A_1416 : i32
        %add3A_1418 = arith.constant 64 : i32
        %add3A_1419 = arith.addi %mul3A_1417, %add3A_1418 : i32
        %get3A_1420 = arith.index_cast %add3A_1419 : i32 to index
        %get3A_1421 = tpu.vector_load %arg8[%get3A_1420] {strides = array<i32>} : memref<1600xi32, #tpu.memory_space<vmem>>, vector<16xi32>,
        %get3A_1422 = arith.index_cast %add3A_1419 : i32 to index
        %get3A_1423 = tpu.vector_load %arg9[%get3A_1422] {strides = array<i32>} : memref<1600xi32, #tpu.memory_space<vmem>>, vector<16xi32>,
        %get3A_1424 = arith.index_cast %add3A_1419 : i32 to index
        %get3A_1425 = tpu.vector_load %arg10[%get3A_1424] {strides = array<i32>} : memref<1600xf32, #tpu.memory_space<vmem>>, vector<16xf32>,
        %gather3A_1426 = tpu.vector_load_idx %arg7[%get3A_1421] : memref<100096xf32, #tpu.memory_space<vmem>>[vector<16xi32>], vector<16xf32>,
        %gather3A_1427 = tpu.vector_load_idx %arg7[%get3A_1423] : memref<100096xf32, #tpu.memory_space<vmem>>[vector<16xi32>], vector<16xf32>,
        %div3A_1428 = arith.constant 5.000000e-01 : f32
        %div3A_1429 = vector.broadcast %div3A_1428 : f32 to vector<16xf32>
        %div3A_1430 = arith.divf %div3A_1429, %get3A_1425 : vector<16xf32>
        %mul3A_1431 = arith.mulf %gather3A_1427, %div3A_1430 : vector<16xf32>
        %swap3A_1432 = arith.index_cast %scan3A_1303 : i32 to index
        %swap3A_1433 = arith.constant 64 : index
        %swap3A_1434 = tpu.vector_load %arg14[%swap3A_1432, %swap3A_1433] {strides = array<i32>} : memref<20x80xf32, #tpu.memory_space<vmem>>, vector<16xf32>,
        tpu.vector_store %arg14[%swap3A_1432, %swap3A_1433], %mul3A_1431 {strides = array<i32>} : memref<20x80xf32, #tpu.memory_space<vmem>>, vector<16xf32>,
        %mul3A_1435 = arith.mulf %gather3A_1426, %div3A_1430 : vector<16xf32>
        %swap3A_1436 = arith.index_cast %scan3A_1303 : i32 to index
        %swap3A_1437 = arith.constant 64 : index
        %swap3A_1438 = tpu.vector_load %arg15[%swap3A_1436, %swap3A_1437] {strides = array<i32>} : memref<20x80xf32, #tpu.memory_space<vmem>>, vector<16xf32>,
        tpu.vector_store %arg15[%swap3A_1436, %swap3A_1437], %mul3A_1435 {strides = array<i32>} : memref<20x80xf32, #tpu.memory_space<vmem>>, vector<16xf32>,
        %swap3A_1439 = arith.index_cast %scan3A_1303 : i32 to index
        %swap3A_1440 = arith.constant 64 : index
        %swap3A_1441 = tpu.vector_load %arg16[%swap3A_1439, %swap3A_1440] {strides = array<i32>} : memref<20x80xi32, #tpu.memory_space<vmem>>, vector<16xi32>,
        tpu.vector_store %arg16[%swap3A_1439, %swap3A_1440], %get3A_1421 {strides = array<i32>} : memref<20x80xi32, #tpu.memory_space<vmem>>, vector<16xi32>,
        %swap3A_1442 = arith.index_cast %scan3A_1303 : i32 to index
        %swap3A_1443 = arith.constant 64 : index
        %swap3A_1444 = tpu.vector_load %arg17[%swap3A_1442, %swap3A_1443] {strides = array<i32>} : memref<20x80xi32, #tpu.memory_space<vmem>>, vector<16xi32>,
        tpu.vector_store %arg17[%swap3A_1442, %swap3A_1443], %get3A_1423 {strides = array<i32>} : memref<20x80xi32, #tpu.memory_space<vmem>>, vector<16xi32>,
        %dma_start3A_1445 = arith.constant 0 : i32
        %dma_start3A_1446 = tpu.memref_slice %arg14[%scan3A_1303, %dma_start3A_1445] : memref<20x80xf32, #tpu.memory_space<vmem>> -> memref<1x80xf32, #tpu.memory_space<vmem>>
        %dma_start3A_1447 = tpu.memref_squeeze %dma_start3A_1446 : memref<1x80xf32, #tpu.memory_space<vmem>> -> memref<80xf32, #tpu.memory_space<vmem>>
        %dma_start3A_1448 = arith.constant 0 : i32
        %dma_start3A_1449 = tpu.memref_slice %arg16[%scan3A_1303, %dma_start3A_1448] : memref<20x80xi32, #tpu.memory_space<vmem>> -> memref<1x80xi32, #tpu.memory_space<vmem>>
        %dma_start3A_1450 = tpu.memref_squeeze %dma_start3A_1449 : memref<1x80xi32, #tpu.memory_space<vmem>> -> memref<80xi32, #tpu.memory_space<vmem>>
        %dma_start3A_1451 = arith.constant 0 : i32
        %dma_start3A_1452 = tpu.memref_slice %arg18[%dma_start3A_1451] : memref<100096xf32, #tpu.memory_space<vmem_shared>> -> memref<100096xf32, #tpu.memory_space<vmem_shared>>
        tpu.enqueue_indirect_dma source(%dma_start3A_1447 : memref<80xf32, #tpu.memory_space<vmem>>) target(%dma_start3A_1452 : memref<100096xf32, #tpu.memory_space<vmem_shared>>) offsets(%dma_start3A_1450 : memref<80xi32, #tpu.memory_space<vmem>>) semaphore(%arg21 : memref<!tpu.dma_semaphore, #tpu.memory_space<semaphore_mem>>) {add = true}
        %dma_start3A_1453 = arith.constant 0 : i32
        %dma_start3A_1454 = tpu.memref_slice %arg15[%scan3A_1303, %dma_start3A_1453] : memref<20x80xf32, #tpu.memory_space<vmem>> -> memref<1x80xf32, #tpu.memory_space<vmem>>
        %dma_start3A_1455 = tpu.memref_squeeze %dma_start3A_1454 : memref<1x80xf32, #tpu.memory_space<vmem>> -> memref<80xf32, #tpu.memory_space<vmem>>
        %dma_start3A_1456 = arith.constant 0 : i32
        %dma_start3A_1457 = tpu.memref_slice %arg17[%scan3A_1303, %dma_start3A_1456] : memref<20x80xi32, #tpu.memory_space<vmem>> -> memref<1x80xi32, #tpu.memory_space<vmem>>
        %dma_start3A_1458 = tpu.memref_squeeze %dma_start3A_1457 : memref<1x80xi32, #tpu.memory_space<vmem>> -> memref<80xi32, #tpu.memory_space<vmem>>
        %dma_start3A_1459 = arith.constant 0 : i32
        %dma_start3A_1460 = tpu.memref_slice %arg18[%dma_start3A_1459] : memref<100096xf32, #tpu.memory_space<vmem_shared>> -> memref<100096xf32, #tpu.memory_space<vmem_shared>>
        tpu.enqueue_indirect_dma source(%dma_start3A_1455 : memref<80xf32, #tpu.memory_space<vmem>>) target(%dma_start3A_1460 : memref<100096xf32, #tpu.memory_space<vmem_shared>>) offsets(%dma_start3A_1458 : memref<80xi32, #tpu.memory_space<vmem>>) semaphore(%arg21 : memref<!tpu.dma_semaphore, #tpu.memory_space<semaphore_mem>>) {add = true}
      }
      %scan3A_480 = arith.constant 20 : i32
      %dma_wait3A_481 = arith.constant 0 : i32
      %dma_wait3A_482 = arith.constant 0 : i32
      %dma_wait3A_483 = arith.constant 0 : i32
      %dma_wait3A_484 = tpu.memref_slice %arg14[%dma_wait3A_481, %dma_wait3A_483] : memref<20x80xf32, #tpu.memory_space<vmem>> -> memref<1x80xf32, #tpu.memory_space<vmem>>
      %dma_wait3A_485 = tpu.memref_squeeze %dma_wait3A_484 : memref<1x80xf32, #tpu.memory_space<vmem>> -> memref<80xf32, #tpu.memory_space<vmem>>
      %dma_wait3A_486 = arith.constant 0 : i32
      %dma_wait3A_487 = tpu.memref_slice %arg16[%dma_wait3A_482, %dma_wait3A_486] : memref<20x80xi32, #tpu.memory_space<vmem>> -> memref<1x80xi32, #tpu.memory_space<vmem>>
      %dma_wait3A_488 = tpu.memref_squeeze %dma_wait3A_487 : memref<1x80xi32, #tpu.memory_space<vmem>> -> memref<80xi32, #tpu.memory_space<vmem>>
      %dma_wait3A_489 = arith.constant 0 : i32
      %dma_wait3A_490 = tpu.memref_slice %arg18[%dma_wait3A_489] : memref<100096xf32, #tpu.memory_space<vmem_shared>> -> memref<100096xf32, #tpu.memory_space<vmem_shared>>
      tpu.wait_indirect_dma semaphore(%arg21 : memref<!tpu.dma_semaphore, #tpu.memory_space<semaphore_mem>>) src(%dma_wait3A_485 : memref<80xf32, #tpu.memory_space<vmem>>) dst(%dma_wait3A_490 : memref<100096xf32, #tpu.memory_space<vmem_shared>>)
      %dma_wait3A_491 = arith.constant 0 : i32
      %dma_wait3A_492 = arith.constant 0 : i32
      %dma_wait3A_493 = arith.constant 0 : i32
      %dma_wait3A_494 = tpu.memref_slice %arg15[%dma_wait3A_491, %dma_wait3A_493] : memref<20x80xf32, #tpu.memory_space<vmem>> -> memref<1x80xf32, #tpu.memory_space<vmem>>
      %dma_wait3A_495 = tpu.memref_squeeze %dma_wait3A_494 : memref<1x80xf32, #tpu.memory_space<vmem>> -> memref<80xf32, #tpu.memory_space<vmem>>
      %dma_wait3A_496 = arith.constant 0 : i32
      %dma_wait3A_497 = tpu.memref_slice %arg17[%dma_wait3A_492, %dma_wait3A_496] : memref<20x80xi32, #tpu.memory_space<vmem>> -> memref<1x80xi32, #tpu.memory_space<vmem>>
      %dma_wait3A_498 = tpu.memref_squeeze %dma_wait3A_497 : memref<1x80xi32, #tpu.memory_space<vmem>> -> memref<80xi32, #tpu.memory_space<vmem>>
      %dma_wait3A_499 = arith.constant 0 : i32
      %dma_wait3A_500 = tpu.memref_slice %arg18[%dma_wait3A_499] : memref<100096xf32, #tpu.memory_space<vmem_shared>> -> memref<100096xf32, #tpu.memory_space<vmem_shared>>
      tpu.wait_indirect_dma semaphore(%arg21 : memref<!tpu.dma_semaphore, #tpu.memory_space<semaphore_mem>>) src(%dma_wait3A_495 : memref<80xf32, #tpu.memory_space<vmem>>) dst(%dma_wait3A_500 : memref<100096xf32, #tpu.memory_space<vmem_shared>>)
      %dma_wait3A_501 = arith.constant 0 : i32
      %dma_wait3A_502 = arith.constant 0 : i32
      %dma_wait3A_503 = arith.constant 0 : i32
      %dma_wait3A_504 = tpu.memref_slice %arg14[%dma_wait3A_501, %dma_wait3A_503] : memref<20x80xf32, #tpu.memory_space<vmem>> -> memref<1x80xf32, #tpu.memory_space<vmem>>
      %dma_wait3A_505 = tpu.memref_squeeze %dma_wait3A_504 : memref<1x80xf32, #tpu.memory_space<vmem>> -> memref<80xf32, #tpu.memory_space<vmem>>
      %dma_wait3A_506 = arith.constant 0 : i32
      %dma_wait3A_507 = tpu.memref_slice %arg16[%dma_wait3A_502, %dma_wait3A_506] : memref<20x80xi32, #tpu.memory_space<vmem>> -> memref<1x80xi32, #tpu.memory_space<vmem>>
      %dma_wait3A_508 = tpu.memref_squeeze %dma_wait3A_507 : memref<1x80xi32, #tpu.memory_space<vmem>> -> memref<80xi32, #tpu.memory_space<vmem>>
      %dma_wait3A_509 = arith.constant 0 : i32
      %dma_wait3A_510 = tpu.memref_slice %arg18[%dma_wait3A_509] : memref<100096xf32, #tpu.memory_space<vmem_shared>> -> memref<100096xf32, #tpu.memory_space<vmem_shared>>
      tpu.wait_indirect_dma semaphore(%arg21 : memref<!tpu.dma_semaphore, #tpu.memory_space<semaphore_mem>>) src(%dma_wait3A_505 : memref<80xf32, #tpu.memory_space<vmem>>) dst(%dma_wait3A_510 : memref<100096xf32, #tpu.memory_space<vmem_shared>>)
      %dma_wait3A_511 = arith.constant 0 : i32
      %dma_wait3A_512 = arith.constant 0 : i32
      %dma_wait3A_513 = arith.constant 0 : i32
      %dma_wait3A_514 = tpu.memref_slice %arg15[%dma_wait3A_511, %dma_wait3A_513] : memref<20x80xf32, #tpu.memory_space<vmem>> -> memref<1x80xf32, #tpu.memory_space<vmem>>
      %dma_wait3A_515 = tpu.memref_squeeze %dma_wait3A_514 : memref<1x80xf32, #tpu.memory_space<vmem>> -> memref<80xf32, #tpu.memory_space<vmem>>
      %dma_wait3A_516 = arith.constant 0 : i32
      %dma_wait3A_517 = tpu.memref_slice %arg17[%dma_wait3A_512, %dma_wait3A_516] : memref<20x80xi32, #tpu.memory_space<vmem>> -> memref<1x80xi32, #tpu.memory_space<vmem>>
      %dma_wait3A_518 = tpu.memref_squeeze %dma_wait3A_517 : memref<1x80xi32, #tpu.memory_space<vmem>> -> memref<80xi32, #tpu.memory_space<vmem>>
      %dma_wait3A_519 = arith.constant 0 : i32
      %dma_wait3A_520 = tpu.memref_slice %arg18[%dma_wait3A_519] : memref<100096xf32, #tpu.memory_space<vmem_shared>> -> memref<100096xf32, #tpu.memory_space<vmem_shared>>
      tpu.wait_indirect_dma semaphore(%arg21 : memref<!tpu.dma_semaphore, #tpu.memory_space<semaphore_mem>>) src(%dma_wait3A_515 : memref<80xf32, #tpu.memory_space<vmem>>) dst(%dma_wait3A_520 : memref<100096xf32, #tpu.memory_space<vmem_shared>>)
      %dma_wait3A_521 = arith.constant 0 : i32
      %dma_wait3A_522 = arith.constant 0 : i32
      %dma_wait3A_523 = arith.constant 0 : i32
      %dma_wait3A_524 = tpu.memref_slice %arg14[%dma_wait3A_521, %dma_wait3A_523] : memref<20x80xf32, #tpu.memory_space<vmem>> -> memref<1x80xf32, #tpu.memory_space<vmem>>
      %dma_wait3A_525 = tpu.memref_squeeze %dma_wait3A_524 : memref<1x80xf32, #tpu.memory_space<vmem>> -> memref<80xf32, #tpu.memory_space<vmem>>
      %dma_wait3A_526 = arith.constant 0 : i32
      %dma_wait3A_527 = tpu.memref_slice %arg16[%dma_wait3A_522, %dma_wait3A_526] : memref<20x80xi32, #tpu.memory_space<vmem>> -> memref<1x80xi32, #tpu.memory_space<vmem>>
      %dma_wait3A_528 = tpu.memref_squeeze %dma_wait3A_527 : memref<1x80xi32, #tpu.memory_space<vmem>> -> memref<80xi32, #tpu.memory_space<vmem>>
      %dma_wait3A_529 = arith.constant 0 : i32
      %dma_wait3A_530 = tpu.memref_slice %arg18[%dma_wait3A_529] : memref<100096xf32, #tpu.memory_space<vmem_shared>> -> memref<100096xf32, #tpu.memory_space<vmem_shared>>
      tpu.wait_indirect_dma semaphore(%arg21 : memref<!tpu.dma_semaphore, #tpu.memory_space<semaphore_mem>>) src(%dma_wait3A_525 : memref<80xf32, #tpu.memory_space<vmem>>) dst(%dma_wait3A_530 : memref<100096xf32, #tpu.memory_space<vmem_shared>>)
      %dma_wait3A_531 = arith.constant 0 : i32
      %dma_wait3A_532 = arith.constant 0 : i32
      %dma_wait3A_533 = arith.constant 0 : i32
      %dma_wait3A_534 = tpu.memref_slice %arg15[%dma_wait3A_531, %dma_wait3A_533] : memref<20x80xf32, #tpu.memory_space<vmem>> -> memref<1x80xf32, #tpu.memory_space<vmem>>
      %dma_wait3A_535 = tpu.memref_squeeze %dma_wait3A_534 : memref<1x80xf32, #tpu.memory_space<vmem>> -> memref<80xf32, #tpu.memory_space<vmem>>
      %dma_wait3A_536 = arith.constant 0 : i32
      %dma_wait3A_537 = tpu.memref_slice %arg17[%dma_wait3A_532, %dma_wait3A_536] : memref<20x80xi32, #tpu.memory_space<vmem>> -> memref<1x80xi32, #tpu.memory_space<vmem>>
      %dma_wait3A_538 = tpu.memref_squeeze %dma_wait3A_537 : memref<1x80xi32, #tpu.memory_space<vmem>> -> memref<80xi32, #tpu.memory_space<vmem>>
      %dma_wait3A_539 = arith.constant 0 : i32
      %dma_wait3A_540 = tpu.memref_slice %arg18[%dma_wait3A_539] : memref<100096xf32, #tpu.memory_space<vmem_shared>> -> memref<100096xf32, #tpu.memory_space<vmem_shared>>
      tpu.wait_indirect_dma semaphore(%arg21 : memref<!tpu.dma_semaphore, #tpu.memory_space<semaphore_mem>>) src(%dma_wait3A_535 : memref<80xf32, #tpu.memory_space<vmem>>) dst(%dma_wait3A_540 : memref<100096xf32, #tpu.memory_space<vmem_shared>>)
      %dma_wait3A_541 = arith.constant 0 : i32
      %dma_wait3A_542 = arith.constant 0 : i32
      %dma_wait3A_543 = arith.constant 0 : i32
      %dma_wait3A_544 = tpu.memref_slice %arg14[%dma_wait3A_541, %dma_wait3A_543] : memref<20x80xf32, #tpu.memory_space<vmem>> -> memref<1x80xf32, #tpu.memory_space<vmem>>
      %dma_wait3A_545 = tpu.memref_squeeze %dma_wait3A_544 : memref<1x80xf32, #tpu.memory_space<vmem>> -> memref<80xf32, #tpu.memory_space<vmem>>
      %dma_wait3A_546 = arith.constant 0 : i32
      %dma_wait3A_547 = tpu.memref_slice %arg16[%dma_wait3A_542, %dma_wait3A_546] : memref<20x80xi32, #tpu.memory_space<vmem>> -> memref<1x80xi32, #tpu.memory_space<vmem>>
      %dma_wait3A_548 = tpu.memref_squeeze %dma_wait3A_547 : memref<1x80xi32, #tpu.memory_space<vmem>> -> memref<80xi32, #tpu.memory_space<vmem>>
      %dma_wait3A_549 = arith.constant 0 : i32
      %dma_wait3A_550 = tpu.memref_slice %arg18[%dma_wait3A_549] : memref<100096xf32, #tpu.memory_space<vmem_shared>> -> memref<100096xf32, #tpu.memory_space<vmem_shared>>
      tpu.wait_indirect_dma semaphore(%arg21 : memref<!tpu.dma_semaphore, #tpu.memory_space<semaphore_mem>>) src(%dma_wait3A_545 : memref<80xf32, #tpu.memory_space<vmem>>) dst(%dma_wait3A_550 : memref<100096xf32, #tpu.memory_space<vmem_shared>>)
      %dma_wait3A_551 = arith.constant 0 : i32
      %dma_wait3A_552 = arith.constant 0 : i32
      %dma_wait3A_553 = arith.constant 0 : i32
      %dma_wait3A_554 = tpu.memref_slice %arg15[%dma_wait3A_551, %dma_wait3A_553] : memref<20x80xf32, #tpu.memory_space<vmem>> -> memref<1x80xf32, #tpu.memory_space<vmem>>
      %dma_wait3A_555 = tpu.memref_squeeze %dma_wait3A_554 : memref<1x80xf32, #tpu.memory_space<vmem>> -> memref<80xf32, #tpu.memory_space<vmem>>
      %dma_wait3A_556 = arith.constant 0 : i32
      %dma_wait3A_557 = tpu.memref_slice %arg17[%dma_wait3A_552, %dma_wait3A_556] : memref<20x80xi32, #tpu.memory_space<vmem>> -> memref<1x80xi32, #tpu.memory_space<vmem>>
      %dma_wait3A_558 = tpu.memref_squeeze %dma_wait3A_557 : memref<1x80xi32, #tpu.memory_space<vmem>> -> memref<80xi32, #tpu.memory_space<vmem>>
      %dma_wait3A_559 = arith.constant 0 : i32
      %dma_wait3A_560 = tpu.memref_slice %arg18[%dma_wait3A_559] : memref<100096xf32, #tpu.memory_space<vmem_shared>> -> memref<100096xf32, #tpu.memory_space<vmem_shared>>
      tpu.wait_indirect_dma semaphore(%arg21 : memref<!tpu.dma_semaphore, #tpu.memory_space<semaphore_mem>>) src(%dma_wait3A_555 : memref<80xf32, #tpu.memory_space<vmem>>) dst(%dma_wait3A_560 : memref<100096xf32, #tpu.memory_space<vmem_shared>>)
      %dma_wait3A_561 = arith.constant 0 : i32
      %dma_wait3A_562 = arith.constant 0 : i32
      %dma_wait3A_563 = arith.constant 0 : i32
      %dma_wait3A_564 = tpu.memref_slice %arg14[%dma_wait3A_561, %dma_wait3A_563] : memref<20x80xf32, #tpu.memory_space<vmem>> -> memref<1x80xf32, #tpu.memory_space<vmem>>
      %dma_wait3A_565 = tpu.memref_squeeze %dma_wait3A_564 : memref<1x80xf32, #tpu.memory_space<vmem>> -> memref<80xf32, #tpu.memory_space<vmem>>
      %dma_wait3A_566 = arith.constant 0 : i32
      %dma_wait3A_567 = tpu.memref_slice %arg16[%dma_wait3A_562, %dma_wait3A_566] : memref<20x80xi32, #tpu.memory_space<vmem>> -> memref<1x80xi32, #tpu.memory_space<vmem>>
      %dma_wait3A_568 = tpu.memref_squeeze %dma_wait3A_567 : memref<1x80xi32, #tpu.memory_space<vmem>> -> memref<80xi32, #tpu.memory_space<vmem>>
      %dma_wait3A_569 = arith.constant 0 : i32
      %dma_wait3A_570 = tpu.memref_slice %arg18[%dma_wait3A_569] : memref<100096xf32, #tpu.memory_space<vmem_shared>> -> memref<100096xf32, #tpu.memory_space<vmem_shared>>
      tpu.wait_indirect_dma semaphore(%arg21 : memref<!tpu.dma_semaphore, #tpu.memory_space<semaphore_mem>>) src(%dma_wait3A_565 : memref<80xf32, #tpu.memory_space<vmem>>) dst(%dma_wait3A_570 : memref<100096xf32, #tpu.memory_space<vmem_shared>>)
      %dma_wait3A_571 = arith.constant 0 : i32
      %dma_wait3A_572 = arith.constant 0 : i32
      %dma_wait3A_573 = arith.constant 0 : i32
      %dma_wait3A_574 = tpu.memref_slice %arg15[%dma_wait3A_571, %dma_wait3A_573] : memref<20x80xf32, #tpu.memory_space<vmem>> -> memref<1x80xf32, #tpu.memory_space<vmem>>
      %dma_wait3A_575 = tpu.memref_squeeze %dma_wait3A_574 : memref<1x80xf32, #tpu.memory_space<vmem>> -> memref<80xf32, #tpu.memory_space<vmem>>
      %dma_wait3A_576 = arith.constant 0 : i32
      %dma_wait3A_577 = tpu.memref_slice %arg17[%dma_wait3A_572, %dma_wait3A_576] : memref<20x80xi32, #tpu.memory_space<vmem>> -> memref<1x80xi32, #tpu.memory_space<vmem>>
      %dma_wait3A_578 = tpu.memref_squeeze %dma_wait3A_577 : memref<1x80xi32, #tpu.memory_space<vmem>> -> memref<80xi32, #tpu.memory_space<vmem>>
      %dma_wait3A_579 = arith.constant 0 : i32
      %dma_wait3A_580 = tpu.memref_slice %arg18[%dma_wait3A_579] : memref<100096xf32, #tpu.memory_space<vmem_shared>> -> memref<100096xf32, #tpu.memory_space<vmem_shared>>
      tpu.wait_indirect_dma semaphore(%arg21 : memref<!tpu.dma_semaphore, #tpu.memory_space<semaphore_mem>>) src(%dma_wait3A_575 : memref<80xf32, #tpu.memory_space<vmem>>) dst(%dma_wait3A_580 : memref<100096xf32, #tpu.memory_space<vmem_shared>>)
      %dma_wait3A_581 = arith.constant 0 : i32
      %dma_wait3A_582 = arith.constant 0 : i32
      %dma_wait3A_583 = arith.constant 0 : i32
      %dma_wait3A_584 = tpu.memref_slice %arg14[%dma_wait3A_581, %dma_wait3A_583] : memref<20x80xf32, #tpu.memory_space<vmem>> -> memref<1x80xf32, #tpu.memory_space<vmem>>
      %dma_wait3A_585 = tpu.memref_squeeze %dma_wait3A_584 : memref<1x80xf32, #tpu.memory_space<vmem>> -> memref<80xf32, #tpu.memory_space<vmem>>
      %dma_wait3A_586 = arith.constant 0 : i32
      %dma_wait3A_587 = tpu.memref_slice %arg16[%dma_wait3A_582, %dma_wait3A_586] : memref<20x80xi32, #tpu.memory_space<vmem>> -> memref<1x80xi32, #tpu.memory_space<vmem>>
      %dma_wait3A_588 = tpu.memref_squeeze %dma_wait3A_587 : memref<1x80xi32, #tpu.memory_space<vmem>> -> memref<80xi32, #tpu.memory_space<vmem>>
      %dma_wait3A_589 = arith.constant 0 : i32
      %dma_wait3A_590 = tpu.memref_slice %arg18[%dma_wait3A_589] : memref<100096xf32, #tpu.memory_space<vmem_shared>> -> memref<100096xf32, #tpu.memory_space<vmem_shared>>
      tpu.wait_indirect_dma semaphore(%arg21 : memref<!tpu.dma_semaphore, #tpu.memory_space<semaphore_mem>>) src(%dma_wait3A_585 : memref<80xf32, #tpu.memory_space<vmem>>) dst(%dma_wait3A_590 : memref<100096xf32, #tpu.memory_space<vmem_shared>>)
      %dma_wait3A_591 = arith.constant 0 : i32
      %dma_wait3A_592 = arith.constant 0 : i32
      %dma_wait3A_593 = arith.constant 0 : i32
      %dma_wait3A_594 = tpu.memref_slice %arg15[%dma_wait3A_591, %dma_wait3A_593] : memref<20x80xf32, #tpu.memory_space<vmem>> -> memref<1x80xf32, #tpu.memory_space<vmem>>
      %dma_wait3A_595 = tpu.memref_squeeze %dma_wait3A_594 : memref<1x80xf32, #tpu.memory_space<vmem>> -> memref<80xf32, #tpu.memory_space<vmem>>
      %dma_wait3A_596 = arith.constant 0 : i32
      %dma_wait3A_597 = tpu.memref_slice %arg17[%dma_wait3A_592, %dma_wait3A_596] : memref<20x80xi32, #tpu.memory_space<vmem>> -> memref<1x80xi32, #tpu.memory_space<vmem>>
      %dma_wait3A_598 = tpu.memref_squeeze %dma_wait3A_597 : memref<1x80xi32, #tpu.memory_space<vmem>> -> memref<80xi32, #tpu.memory_space<vmem>>
      %dma_wait3A_599 = arith.constant 0 : i32
      %dma_wait3A_600 = tpu.memref_slice %arg18[%dma_wait3A_599] : memref<100096xf32, #tpu.memory_space<vmem_shared>> -> memref<100096xf32, #tpu.memory_space<vmem_shared>>
      tpu.wait_indirect_dma semaphore(%arg21 : memref<!tpu.dma_semaphore, #tpu.memory_space<semaphore_mem>>) src(%dma_wait3A_595 : memref<80xf32, #tpu.memory_space<vmem>>) dst(%dma_wait3A_600 : memref<100096xf32, #tpu.memory_space<vmem_shared>>)
      %dma_wait3A_601 = arith.constant 0 : i32
      %dma_wait3A_602 = arith.constant 0 : i32
      %dma_wait3A_603 = arith.constant 0 : i32
      %dma_wait3A_604 = tpu.memref_slice %arg14[%dma_wait3A_601, %dma_wait3A_603] : memref<20x80xf32, #tpu.memory_space<vmem>> -> memref<1x80xf32, #tpu.memory_space<vmem>>
      %dma_wait3A_605 = tpu.memref_squeeze %dma_wait3A_604 : memref<1x80xf32, #tpu.memory_space<vmem>> -> memref<80xf32, #tpu.memory_space<vmem>>
      %dma_wait3A_606 = arith.constant 0 : i32
      %dma_wait3A_607 = tpu.memref_slice %arg16[%dma_wait3A_602, %dma_wait3A_606] : memref<20x80xi32, #tpu.memory_space<vmem>> -> memref<1x80xi32, #tpu.memory_space<vmem>>
      %dma_wait3A_608 = tpu.memref_squeeze %dma_wait3A_607 : memref<1x80xi32, #tpu.memory_space<vmem>> -> memref<80xi32, #tpu.memory_space<vmem>>
      %dma_wait3A_609 = arith.constant 0 : i32
      %dma_wait3A_610 = tpu.memref_slice %arg18[%dma_wait3A_609] : memref<100096xf32, #tpu.memory_space<vmem_shared>> -> memref<100096xf32, #tpu.memory_space<vmem_shared>>
      tpu.wait_indirect_dma semaphore(%arg21 : memref<!tpu.dma_semaphore, #tpu.memory_space<semaphore_mem>>) src(%dma_wait3A_605 : memref<80xf32, #tpu.memory_space<vmem>>) dst(%dma_wait3A_610 : memref<100096xf32, #tpu.memory_space<vmem_shared>>)
      %dma_wait3A_611 = arith.constant 0 : i32
      %dma_wait3A_612 = arith.constant 0 : i32
      %dma_wait3A_613 = arith.constant 0 : i32
      %dma_wait3A_614 = tpu.memref_slice %arg15[%dma_wait3A_611, %dma_wait3A_613] : memref<20x80xf32, #tpu.memory_space<vmem>> -> memref<1x80xf32, #tpu.memory_space<vmem>>
      %dma_wait3A_615 = tpu.memref_squeeze %dma_wait3A_614 : memref<1x80xf32, #tpu.memory_space<vmem>> -> memref<80xf32, #tpu.memory_space<vmem>>
      %dma_wait3A_616 = arith.constant 0 : i32
      %dma_wait3A_617 = tpu.memref_slice %arg17[%dma_wait3A_612, %dma_wait3A_616] : memref<20x80xi32, #tpu.memory_space<vmem>> -> memref<1x80xi32, #tpu.memory_space<vmem>>
      %dma_wait3A_618 = tpu.memref_squeeze %dma_wait3A_617 : memref<1x80xi32, #tpu.memory_space<vmem>> -> memref<80xi32, #tpu.memory_space<vmem>>
      %dma_wait3A_619 = arith.constant 0 : i32
      %dma_wait3A_620 = tpu.memref_slice %arg18[%dma_wait3A_619] : memref<100096xf32, #tpu.memory_space<vmem_shared>> -> memref<100096xf32, #tpu.memory_space<vmem_shared>>
      tpu.wait_indirect_dma semaphore(%arg21 : memref<!tpu.dma_semaphore, #tpu.memory_space<semaphore_mem>>) src(%dma_wait3A_615 : memref<80xf32, #tpu.memory_space<vmem>>) dst(%dma_wait3A_620 : memref<100096xf32, #tpu.memory_space<vmem_shared>>)
      %dma_wait3A_621 = arith.constant 0 : i32
      %dma_wait3A_622 = arith.constant 0 : i32
      %dma_wait3A_623 = arith.constant 0 : i32
      %dma_wait3A_624 = tpu.memref_slice %arg14[%dma_wait3A_621, %dma_wait3A_623] : memref<20x80xf32, #tpu.memory_space<vmem>> -> memref<1x80xf32, #tpu.memory_space<vmem>>
      %dma_wait3A_625 = tpu.memref_squeeze %dma_wait3A_624 : memref<1x80xf32, #tpu.memory_space<vmem>> -> memref<80xf32, #tpu.memory_space<vmem>>
      %dma_wait3A_626 = arith.constant 0 : i32
      %dma_wait3A_627 = tpu.memref_slice %arg16[%dma_wait3A_622, %dma_wait3A_626] : memref<20x80xi32, #tpu.memory_space<vmem>> -> memref<1x80xi32, #tpu.memory_space<vmem>>
      %dma_wait3A_628 = tpu.memref_squeeze %dma_wait3A_627 : memref<1x80xi32, #tpu.memory_space<vmem>> -> memref<80xi32, #tpu.memory_space<vmem>>
      %dma_wait3A_629 = arith.constant 0 : i32
      %dma_wait3A_630 = tpu.memref_slice %arg18[%dma_wait3A_629] : memref<100096xf32, #tpu.memory_space<vmem_shared>> -> memref<100096xf32, #tpu.memory_space<vmem_shared>>
      tpu.wait_indirect_dma semaphore(%arg21 : memref<!tpu.dma_semaphore, #tpu.memory_space<semaphore_mem>>) src(%dma_wait3A_625 : memref<80xf32, #tpu.memory_space<vmem>>) dst(%dma_wait3A_630 : memref<100096xf32, #tpu.memory_space<vmem_shared>>)
      %dma_wait3A_631 = arith.constant 0 : i32
      %dma_wait3A_632 = arith.constant 0 : i32
      %dma_wait3A_633 = arith.constant 0 : i32
      %dma_wait3A_634 = tpu.memref_slice %arg15[%dma_wait3A_631, %dma_wait3A_633] : memref<20x80xf32, #tpu.memory_space<vmem>> -> memref<1x80xf32, #tpu.memory_space<vmem>>
      %dma_wait3A_635 = tpu.memref_squeeze %dma_wait3A_634 : memref<1x80xf32, #tpu.memory_space<vmem>> -> memref<80xf32, #tpu.memory_space<vmem>>
      %dma_wait3A_636 = arith.constant 0 : i32
      %dma_wait3A_637 = tpu.memref_slice %arg17[%dma_wait3A_632, %dma_wait3A_636] : memref<20x80xi32, #tpu.memory_space<vmem>> -> memref<1x80xi32, #tpu.memory_space<vmem>>
      %dma_wait3A_638 = tpu.memref_squeeze %dma_wait3A_637 : memref<1x80xi32, #tpu.memory_space<vmem>> -> memref<80xi32, #tpu.memory_space<vmem>>
      %dma_wait3A_639 = arith.constant 0 : i32
      %dma_wait3A_640 = tpu.memref_slice %arg18[%dma_wait3A_639] : memref<100096xf32, #tpu.memory_space<vmem_shared>> -> memref<100096xf32, #tpu.memory_space<vmem_shared>>
      tpu.wait_indirect_dma semaphore(%arg21 : memref<!tpu.dma_semaphore, #tpu.memory_space<semaphore_mem>>) src(%dma_wait3A_635 : memref<80xf32, #tpu.memory_space<vmem>>) dst(%dma_wait3A_640 : memref<100096xf32, #tpu.memory_space<vmem_shared>>)
      %dma_wait3A_641 = arith.constant 0 : i32
      %dma_wait3A_642 = arith.constant 0 : i32
      %dma_wait3A_643 = arith.constant 0 : i32
      %dma_wait3A_644 = tpu.memref_slice %arg14[%dma_wait3A_641, %dma_wait3A_643] : memref<20x80xf32, #tpu.memory_space<vmem>> -> memref<1x80xf32, #tpu.memory_space<vmem>>
      %dma_wait3A_645 = tpu.memref_squeeze %dma_wait3A_644 : memref<1x80xf32, #tpu.memory_space<vmem>> -> memref<80xf32, #tpu.memory_space<vmem>>
      %dma_wait3A_646 = arith.constant 0 : i32
      %dma_wait3A_647 = tpu.memref_slice %arg16[%dma_wait3A_642, %dma_wait3A_646] : memref<20x80xi32, #tpu.memory_space<vmem>> -> memref<1x80xi32, #tpu.memory_space<vmem>>
      %dma_wait3A_648 = tpu.memref_squeeze %dma_wait3A_647 : memref<1x80xi32, #tpu.memory_space<vmem>> -> memref<80xi32, #tpu.memory_space<vmem>>
      %dma_wait3A_649 = arith.constant 0 : i32
      %dma_wait3A_650 = tpu.memref_slice %arg18[%dma_wait3A_649] : memref<100096xf32, #tpu.memory_space<vmem_shared>> -> memref<100096xf32, #tpu.memory_space<vmem_shared>>
      tpu.wait_indirect_dma semaphore(%arg21 : memref<!tpu.dma_semaphore, #tpu.memory_space<semaphore_mem>>) src(%dma_wait3A_645 : memref<80xf32, #tpu.memory_space<vmem>>) dst(%dma_wait3A_650 : memref<100096xf32, #tpu.memory_space<vmem_shared>>)
      %dma_wait3A_651 = arith.constant 0 : i32
      %dma_wait3A_652 = arith.constant 0 : i32
      %dma_wait3A_653 = arith.constant 0 : i32
      %dma_wait3A_654 = tpu.memref_slice %arg15[%dma_wait3A_651, %dma_wait3A_653] : memref<20x80xf32, #tpu.memory_space<vmem>> -> memref<1x80xf32, #tpu.memory_space<vmem>>
      %dma_wait3A_655 = tpu.memref_squeeze %dma_wait3A_654 : memref<1x80xf32, #tpu.memory_space<vmem>> -> memref<80xf32, #tpu.memory_space<vmem>>
      %dma_wait3A_656 = arith.constant 0 : i32
      %dma_wait3A_657 = tpu.memref_slice %arg17[%dma_wait3A_652, %dma_wait3A_656] : memref<20x80xi32, #tpu.memory_space<vmem>> -> memref<1x80xi32, #tpu.memory_space<vmem>>
      %dma_wait3A_658 = tpu.memref_squeeze %dma_wait3A_657 : memref<1x80xi32, #tpu.memory_space<vmem>> -> memref<80xi32, #tpu.memory_space<vmem>>
      %dma_wait3A_659 = arith.constant 0 : i32
      %dma_wait3A_660 = tpu.memref_slice %arg18[%dma_wait3A_659] : memref<100096xf32, #tpu.memory_space<vmem_shared>> -> memref<100096xf32, #tpu.memory_space<vmem_shared>>
      tpu.wait_indirect_dma semaphore(%arg21 : memref<!tpu.dma_semaphore, #tpu.memory_space<semaphore_mem>>) src(%dma_wait3A_655 : memref<80xf32, #tpu.memory_space<vmem>>) dst(%dma_wait3A_660 : memref<100096xf32, #tpu.memory_space<vmem_shared>>)
      %dma_wait3A_661 = arith.constant 0 : i32
      %dma_wait3A_662 = arith.constant 0 : i32
      %dma_wait3A_663 = arith.constant 0 : i32
      %dma_wait3A_664 = tpu.memref_slice %arg14[%dma_wait3A_661, %dma_wait3A_663] : memref<20x80xf32, #tpu.memory_space<vmem>> -> memref<1x80xf32, #tpu.memory_space<vmem>>
      %dma_wait3A_665 = tpu.memref_squeeze %dma_wait3A_664 : memref<1x80xf32, #tpu.memory_space<vmem>> -> memref<80xf32, #tpu.memory_space<vmem>>
      %dma_wait3A_666 = arith.constant 0 : i32
      %dma_wait3A_667 = tpu.memref_slice %arg16[%dma_wait3A_662, %dma_wait3A_666] : memref<20x80xi32, #tpu.memory_space<vmem>> -> memref<1x80xi32, #tpu.memory_space<vmem>>
      %dma_wait3A_668 = tpu.memref_squeeze %dma_wait3A_667 : memref<1x80xi32, #tpu.memory_space<vmem>> -> memref<80xi32, #tpu.memory_space<vmem>>
      %dma_wait3A_669 = arith.constant 0 : i32
      %dma_wait3A_670 = tpu.memref_slice %arg18[%dma_wait3A_669] : memref<100096xf32, #tpu.memory_space<vmem_shared>> -> memref<100096xf32, #tpu.memory_space<vmem_shared>>
      tpu.wait_indirect_dma semaphore(%arg21 : memref<!tpu.dma_semaphore, #tpu.memory_space<semaphore_mem>>) src(%dma_wait3A_665 : memref<80xf32, #tpu.memory_space<vmem>>) dst(%dma_wait3A_670 : memref<100096xf32, #tpu.memory_space<vmem_shared>>)
      %dma_wait3A_671 = arith.constant 0 : i32
      %dma_wait3A_672 = arith.constant 0 : i32
      %dma_wait3A_673 = arith.constant 0 : i32
      %dma_wait3A_674 = tpu.memref_slice %arg15[%dma_wait3A_671, %dma_wait3A_673] : memref<20x80xf32, #tpu.memory_space<vmem>> -> memref<1x80xf32, #tpu.memory_space<vmem>>
      %dma_wait3A_675 = tpu.memref_squeeze %dma_wait3A_674 : memref<1x80xf32, #tpu.memory_space<vmem>> -> memref<80xf32, #tpu.memory_space<vmem>>
      %dma_wait3A_676 = arith.constant 0 : i32
      %dma_wait3A_677 = tpu.memref_slice %arg17[%dma_wait3A_672, %dma_wait3A_676] : memref<20x80xi32, #tpu.memory_space<vmem>> -> memref<1x80xi32, #tpu.memory_space<vmem>>
      %dma_wait3A_678 = tpu.memref_squeeze %dma_wait3A_677 : memref<1x80xi32, #tpu.memory_space<vmem>> -> memref<80xi32, #tpu.memory_space<vmem>>
      %dma_wait3A_679 = arith.constant 0 : i32
      %dma_wait3A_680 = tpu.memref_slice %arg18[%dma_wait3A_679] : memref<100096xf32, #tpu.memory_space<vmem_shared>> -> memref<100096xf32, #tpu.memory_space<vmem_shared>>
      tpu.wait_indirect_dma semaphore(%arg21 : memref<!tpu.dma_semaphore, #tpu.memory_space<semaphore_mem>>) src(%dma_wait3A_675 : memref<80xf32, #tpu.memory_space<vmem>>) dst(%dma_wait3A_680 : memref<100096xf32, #tpu.memory_space<vmem_shared>>)
      %dma_wait3A_681 = arith.constant 0 : i32
      %dma_wait3A_682 = arith.constant 0 : i32
      %dma_wait3A_683 = arith.constant 0 : i32
      %dma_wait3A_684 = tpu.memref_slice %arg14[%dma_wait3A_681, %dma_wait3A_683] : memref<20x80xf32, #tpu.memory_space<vmem>> -> memref<1x80xf32, #tpu.memory_space<vmem>>
      %dma_wait3A_685 = tpu.memref_squeeze %dma_wait3A_684 : memref<1x80xf32, #tpu.memory_space<vmem>> -> memref<80xf32, #tpu.memory_space<vmem>>
      %dma_wait3A_686 = arith.constant 0 : i32
      %dma_wait3A_687 = tpu.memref_slice %arg16[%dma_wait3A_682, %dma_wait3A_686] : memref<20x80xi32, #tpu.memory_space<vmem>> -> memref<1x80xi32, #tpu.memory_space<vmem>>
      %dma_wait3A_688 = tpu.memref_squeeze %dma_wait3A_687 : memref<1x80xi32, #tpu.memory_space<vmem>> -> memref<80xi32, #tpu.memory_space<vmem>>
      %dma_wait3A_689 = arith.constant 0 : i32
      %dma_wait3A_690 = tpu.memref_slice %arg18[%dma_wait3A_689] : memref<100096xf32, #tpu.memory_space<vmem_shared>> -> memref<100096xf32, #tpu.memory_space<vmem_shared>>
      tpu.wait_indirect_dma semaphore(%arg21 : memref<!tpu.dma_semaphore, #tpu.memory_space<semaphore_mem>>) src(%dma_wait3A_685 : memref<80xf32, #tpu.memory_space<vmem>>) dst(%dma_wait3A_690 : memref<100096xf32, #tpu.memory_space<vmem_shared>>)
      %dma_wait3A_691 = arith.constant 0 : i32
      %dma_wait3A_692 = arith.constant 0 : i32
      %dma_wait3A_693 = arith.constant 0 : i32
      %dma_wait3A_694 = tpu.memref_slice %arg15[%dma_wait3A_691, %dma_wait3A_693] : memref<20x80xf32, #tpu.memory_space<vmem>> -> memref<1x80xf32, #tpu.memory_space<vmem>>
      %dma_wait3A_695 = tpu.memref_squeeze %dma_wait3A_694 : memref<1x80xf32, #tpu.memory_space<vmem>> -> memref<80xf32, #tpu.memory_space<vmem>>
      %dma_wait3A_696 = arith.constant 0 : i32
      %dma_wait3A_697 = tpu.memref_slice %arg17[%dma_wait3A_692, %dma_wait3A_696] : memref<20x80xi32, #tpu.memory_space<vmem>> -> memref<1x80xi32, #tpu.memory_space<vmem>>
      %dma_wait3A_698 = tpu.memref_squeeze %dma_wait3A_697 : memref<1x80xi32, #tpu.memory_space<vmem>> -> memref<80xi32, #tpu.memory_space<vmem>>
      %dma_wait3A_699 = arith.constant 0 : i32
      %dma_wait3A_700 = tpu.memref_slice %arg18[%dma_wait3A_699] : memref<100096xf32, #tpu.memory_space<vmem_shared>> -> memref<100096xf32, #tpu.memory_space<vmem_shared>>
      tpu.wait_indirect_dma semaphore(%arg21 : memref<!tpu.dma_semaphore, #tpu.memory_space<semaphore_mem>>) src(%dma_wait3A_695 : memref<80xf32, #tpu.memory_space<vmem>>) dst(%dma_wait3A_700 : memref<100096xf32, #tpu.memory_space<vmem_shared>>)
      %dma_wait3A_701 = arith.constant 0 : i32
      %dma_wait3A_702 = arith.constant 0 : i32
      %dma_wait3A_703 = arith.constant 0 : i32
      %dma_wait3A_704 = tpu.memref_slice %arg14[%dma_wait3A_701, %dma_wait3A_703] : memref<20x80xf32, #tpu.memory_space<vmem>> -> memref<1x80xf32, #tpu.memory_space<vmem>>
      %dma_wait3A_705 = tpu.memref_squeeze %dma_wait3A_704 : memref<1x80xf32, #tpu.memory_space<vmem>> -> memref<80xf32, #tpu.memory_space<vmem>>
      %dma_wait3A_706 = arith.constant 0 : i32
      %dma_wait3A_707 = tpu.memref_slice %arg16[%dma_wait3A_702, %dma_wait3A_706] : memref<20x80xi32, #tpu.memory_space<vmem>> -> memref<1x80xi32, #tpu.memory_space<vmem>>
      %dma_wait3A_708 = tpu.memref_squeeze %dma_wait3A_707 : memref<1x80xi32, #tpu.memory_space<vmem>> -> memref<80xi32, #tpu.memory_space<vmem>>
      %dma_wait3A_709 = arith.constant 0 : i32
      %dma_wait3A_710 = tpu.memref_slice %arg18[%dma_wait3A_709] : memref<100096xf32, #tpu.memory_space<vmem_shared>> -> memref<100096xf32, #tpu.memory_space<vmem_shared>>
      tpu.wait_indirect_dma semaphore(%arg21 : memref<!tpu.dma_semaphore, #tpu.memory_space<semaphore_mem>>) src(%dma_wait3A_705 : memref<80xf32, #tpu.memory_space<vmem>>) dst(%dma_wait3A_710 : memref<100096xf32, #tpu.memory_space<vmem_shared>>)
      %dma_wait3A_711 = arith.constant 0 : i32
      %dma_wait3A_712 = arith.constant 0 : i32
      %dma_wait3A_713 = arith.constant 0 : i32
      %dma_wait3A_714 = tpu.memref_slice %arg15[%dma_wait3A_711, %dma_wait3A_713] : memref<20x80xf32, #tpu.memory_space<vmem>> -> memref<1x80xf32, #tpu.memory_space<vmem>>
      %dma_wait3A_715 = tpu.memref_squeeze %dma_wait3A_714 : memref<1x80xf32, #tpu.memory_space<vmem>> -> memref<80xf32, #tpu.memory_space<vmem>>
      %dma_wait3A_716 = arith.constant 0 : i32
      %dma_wait3A_717 = tpu.memref_slice %arg17[%dma_wait3A_712, %dma_wait3A_716] : memref<20x80xi32, #tpu.memory_space<vmem>> -> memref<1x80xi32, #tpu.memory_space<vmem>>
      %dma_wait3A_718 = tpu.memref_squeeze %dma_wait3A_717 : memref<1x80xi32, #tpu.memory_space<vmem>> -> memref<80xi32, #tpu.memory_space<vmem>>
      %dma_wait3A_719 = arith.constant 0 : i32
      %dma_wait3A_720 = tpu.memref_slice %arg18[%dma_wait3A_719] : memref<100096xf32, #tpu.memory_space<vmem_shared>> -> memref<100096xf32, #tpu.memory_space<vmem_shared>>
      tpu.wait_indirect_dma semaphore(%arg21 : memref<!tpu.dma_semaphore, #tpu.memory_space<semaphore_mem>>) src(%dma_wait3A_715 : memref<80xf32, #tpu.memory_space<vmem>>) dst(%dma_wait3A_720 : memref<100096xf32, #tpu.memory_space<vmem_shared>>)
      %dma_wait3A_721 = arith.constant 0 : i32
      %dma_wait3A_722 = arith.constant 0 : i32
      %dma_wait3A_723 = arith.constant 0 : i32
      %dma_wait3A_724 = tpu.memref_slice %arg14[%dma_wait3A_721, %dma_wait3A_723] : memref<20x80xf32, #tpu.memory_space<vmem>> -> memref<1x80xf32, #tpu.memory_space<vmem>>
      %dma_wait3A_725 = tpu.memref_squeeze %dma_wait3A_724 : memref<1x80xf32, #tpu.memory_space<vmem>> -> memref<80xf32, #tpu.memory_space<vmem>>
      %dma_wait3A_726 = arith.constant 0 : i32
      %dma_wait3A_727 = tpu.memref_slice %arg16[%dma_wait3A_722, %dma_wait3A_726] : memref<20x80xi32, #tpu.memory_space<vmem>> -> memref<1x80xi32, #tpu.memory_space<vmem>>
      %dma_wait3A_728 = tpu.memref_squeeze %dma_wait3A_727 : memref<1x80xi32, #tpu.memory_space<vmem>> -> memref<80xi32, #tpu.memory_space<vmem>>
      %dma_wait3A_729 = arith.constant 0 : i32
      %dma_wait3A_730 = tpu.memref_slice %arg18[%dma_wait3A_729] : memref<100096xf32, #tpu.memory_space<vmem_shared>> -> memref<100096xf32, #tpu.memory_space<vmem_shared>>
      tpu.wait_indirect_dma semaphore(%arg21 : memref<!tpu.dma_semaphore, #tpu.memory_space<semaphore_mem>>) src(%dma_wait3A_725 : memref<80xf32, #tpu.memory_space<vmem>>) dst(%dma_wait3A_730 : memref<100096xf32, #tpu.memory_space<vmem_shared>>)
      %dma_wait3A_731 = arith.constant 0 : i32
      %dma_wait3A_732 = arith.constant 0 : i32
      %dma_wait3A_733 = arith.constant 0 : i32
      %dma_wait3A_734 = tpu.memref_slice %arg15[%dma_wait3A_731, %dma_wait3A_733] : memref<20x80xf32, #tpu.memory_space<vmem>> -> memref<1x80xf32, #tpu.memory_space<vmem>>
      %dma_wait3A_735 = tpu.memref_squeeze %dma_wait3A_734 : memref<1x80xf32, #tpu.memory_space<vmem>> -> memref<80xf32, #tpu.memory_space<vmem>>
      %dma_wait3A_736 = arith.constant 0 : i32
      %dma_wait3A_737 = tpu.memref_slice %arg17[%dma_wait3A_732, %dma_wait3A_736] : memref<20x80xi32, #tpu.memory_space<vmem>> -> memref<1x80xi32, #tpu.memory_space<vmem>>
      %dma_wait3A_738 = tpu.memref_squeeze %dma_wait3A_737 : memref<1x80xi32, #tpu.memory_space<vmem>> -> memref<80xi32, #tpu.memory_space<vmem>>
      %dma_wait3A_739 = arith.constant 0 : i32
      %dma_wait3A_740 = tpu.memref_slice %arg18[%dma_wait3A_739] : memref<100096xf32, #tpu.memory_space<vmem_shared>> -> memref<100096xf32, #tpu.memory_space<vmem_shared>>
      tpu.wait_indirect_dma semaphore(%arg21 : memref<!tpu.dma_semaphore, #tpu.memory_space<semaphore_mem>>) src(%dma_wait3A_735 : memref<80xf32, #tpu.memory_space<vmem>>) dst(%dma_wait3A_740 : memref<100096xf32, #tpu.memory_space<vmem_shared>>)
      %dma_wait3A_741 = arith.constant 0 : i32
      %dma_wait3A_742 = arith.constant 0 : i32
      %dma_wait3A_743 = arith.constant 0 : i32
      %dma_wait3A_744 = tpu.memref_slice %arg14[%dma_wait3A_741, %dma_wait3A_743] : memref<20x80xf32, #tpu.memory_space<vmem>> -> memref<1x80xf32, #tpu.memory_space<vmem>>
      %dma_wait3A_745 = tpu.memref_squeeze %dma_wait3A_744 : memref<1x80xf32, #tpu.memory_space<vmem>> -> memref<80xf32, #tpu.memory_space<vmem>>
      %dma_wait3A_746 = arith.constant 0 : i32
      %dma_wait3A_747 = tpu.memref_slice %arg16[%dma_wait3A_742, %dma_wait3A_746] : memref<20x80xi32, #tpu.memory_space<vmem>> -> memref<1x80xi32, #tpu.memory_space<vmem>>
      %dma_wait3A_748 = tpu.memref_squeeze %dma_wait3A_747 : memref<1x80xi32, #tpu.memory_space<vmem>> -> memref<80xi32, #tpu.memory_space<vmem>>
      %dma_wait3A_749 = arith.constant 0 : i32
      %dma_wait3A_750 = tpu.memref_slice %arg18[%dma_wait3A_749] : memref<100096xf32, #tpu.memory_space<vmem_shared>> -> memref<100096xf32, #tpu.memory_space<vmem_shared>>
      tpu.wait_indirect_dma semaphore(%arg21 : memref<!tpu.dma_semaphore, #tpu.memory_space<semaphore_mem>>) src(%dma_wait3A_745 : memref<80xf32, #tpu.memory_space<vmem>>) dst(%dma_wait3A_750 : memref<100096xf32, #tpu.memory_space<vmem_shared>>)
      %dma_wait3A_751 = arith.constant 0 : i32
      %dma_wait3A_752 = arith.constant 0 : i32
      %dma_wait3A_753 = arith.constant 0 : i32
      %dma_wait3A_754 = tpu.memref_slice %arg15[%dma_wait3A_751, %dma_wait3A_753] : memref<20x80xf32, #tpu.memory_space<vmem>> -> memref<1x80xf32, #tpu.memory_space<vmem>>
      %dma_wait3A_755 = tpu.memref_squeeze %dma_wait3A_754 : memref<1x80xf32, #tpu.memory_space<vmem>> -> memref<80xf32, #tpu.memory_space<vmem>>
      %dma_wait3A_756 = arith.constant 0 : i32
      %dma_wait3A_757 = tpu.memref_slice %arg17[%dma_wait3A_752, %dma_wait3A_756] : memref<20x80xi32, #tpu.memory_space<vmem>> -> memref<1x80xi32, #tpu.memory_space<vmem>>
      %dma_wait3A_758 = tpu.memref_squeeze %dma_wait3A_757 : memref<1x80xi32, #tpu.memory_space<vmem>> -> memref<80xi32, #tpu.memory_space<vmem>>
      %dma_wait3A_759 = arith.constant 0 : i32
      %dma_wait3A_760 = tpu.memref_slice %arg18[%dma_wait3A_759] : memref<100096xf32, #tpu.memory_space<vmem_shared>> -> memref<100096xf32, #tpu.memory_space<vmem_shared>>
      tpu.wait_indirect_dma semaphore(%arg21 : memref<!tpu.dma_semaphore, #tpu.memory_space<semaphore_mem>>) src(%dma_wait3A_755 : memref<80xf32, #tpu.memory_space<vmem>>) dst(%dma_wait3A_760 : memref<100096xf32, #tpu.memory_space<vmem_shared>>)
      %dma_wait3A_761 = arith.constant 0 : i32
      %dma_wait3A_762 = arith.constant 0 : i32
      %dma_wait3A_763 = arith.constant 0 : i32
      %dma_wait3A_764 = tpu.memref_slice %arg14[%dma_wait3A_761, %dma_wait3A_763] : memref<20x80xf32, #tpu.memory_space<vmem>> -> memref<1x80xf32, #tpu.memory_space<vmem>>
      %dma_wait3A_765 = tpu.memref_squeeze %dma_wait3A_764 : memref<1x80xf32, #tpu.memory_space<vmem>> -> memref<80xf32, #tpu.memory_space<vmem>>
      %dma_wait3A_766 = arith.constant 0 : i32
      %dma_wait3A_767 = tpu.memref_slice %arg16[%dma_wait3A_762, %dma_wait3A_766] : memref<20x80xi32, #tpu.memory_space<vmem>> -> memref<1x80xi32, #tpu.memory_space<vmem>>
      %dma_wait3A_768 = tpu.memref_squeeze %dma_wait3A_767 : memref<1x80xi32, #tpu.memory_space<vmem>> -> memref<80xi32, #tpu.memory_space<vmem>>
      %dma_wait3A_769 = arith.constant 0 : i32
      %dma_wait3A_770 = tpu.memref_slice %arg18[%dma_wait3A_769] : memref<100096xf32, #tpu.memory_space<vmem_shared>> -> memref<100096xf32, #tpu.memory_space<vmem_shared>>
      tpu.wait_indirect_dma semaphore(%arg21 : memref<!tpu.dma_semaphore, #tpu.memory_space<semaphore_mem>>) src(%dma_wait3A_765 : memref<80xf32, #tpu.memory_space<vmem>>) dst(%dma_wait3A_770 : memref<100096xf32, #tpu.memory_space<vmem_shared>>)
      %dma_wait3A_771 = arith.constant 0 : i32
      %dma_wait3A_772 = arith.constant 0 : i32
      %dma_wait3A_773 = arith.constant 0 : i32
      %dma_wait3A_774 = tpu.memref_slice %arg15[%dma_wait3A_771, %dma_wait3A_773] : memref<20x80xf32, #tpu.memory_space<vmem>> -> memref<1x80xf32, #tpu.memory_space<vmem>>
      %dma_wait3A_775 = tpu.memref_squeeze %dma_wait3A_774 : memref<1x80xf32, #tpu.memory_space<vmem>> -> memref<80xf32, #tpu.memory_space<vmem>>
      %dma_wait3A_776 = arith.constant 0 : i32
      %dma_wait3A_777 = tpu.memref_slice %arg17[%dma_wait3A_772, %dma_wait3A_776] : memref<20x80xi32, #tpu.memory_space<vmem>> -> memref<1x80xi32, #tpu.memory_space<vmem>>
      %dma_wait3A_778 = tpu.memref_squeeze %dma_wait3A_777 : memref<1x80xi32, #tpu.memory_space<vmem>> -> memref<80xi32, #tpu.memory_space<vmem>>
      %dma_wait3A_779 = arith.constant 0 : i32
      %dma_wait3A_780 = tpu.memref_slice %arg18[%dma_wait3A_779] : memref<100096xf32, #tpu.memory_space<vmem_shared>> -> memref<100096xf32, #tpu.memory_space<vmem_shared>>
      tpu.wait_indirect_dma semaphore(%arg21 : memref<!tpu.dma_semaphore, #tpu.memory_space<semaphore_mem>>) src(%dma_wait3A_775 : memref<80xf32, #tpu.memory_space<vmem>>) dst(%dma_wait3A_780 : memref<100096xf32, #tpu.memory_space<vmem_shared>>)
      %dma_wait3A_781 = arith.constant 0 : i32
      %dma_wait3A_782 = arith.constant 0 : i32
      %dma_wait3A_783 = arith.constant 0 : i32
      %dma_wait3A_784 = tpu.memref_slice %arg14[%dma_wait3A_781, %dma_wait3A_783] : memref<20x80xf32, #tpu.memory_space<vmem>> -> memref<1x80xf32, #tpu.memory_space<vmem>>
      %dma_wait3A_785 = tpu.memref_squeeze %dma_wait3A_784 : memref<1x80xf32, #tpu.memory_space<vmem>> -> memref<80xf32, #tpu.memory_space<vmem>>
      %dma_wait3A_786 = arith.constant 0 : i32
      %dma_wait3A_787 = tpu.memref_slice %arg16[%dma_wait3A_782, %dma_wait3A_786] : memref<20x80xi32, #tpu.memory_space<vmem>> -> memref<1x80xi32, #tpu.memory_space<vmem>>
      %dma_wait3A_788 = tpu.memref_squeeze %dma_wait3A_787 : memref<1x80xi32, #tpu.memory_space<vmem>> -> memref<80xi32, #tpu.memory_space<vmem>>
      %dma_wait3A_789 = arith.constant 0 : i32
      %dma_wait3A_790 = tpu.memref_slice %arg18[%dma_wait3A_789] : memref<100096xf32, #tpu.memory_space<vmem_shared>> -> memref<100096xf32, #tpu.memory_space<vmem_shared>>
      tpu.wait_indirect_dma semaphore(%arg21 : memref<!tpu.dma_semaphore, #tpu.memory_space<semaphore_mem>>) src(%dma_wait3A_785 : memref<80xf32, #tpu.memory_space<vmem>>) dst(%dma_wait3A_790 : memref<100096xf32, #tpu.memory_space<vmem_shared>>)
      %dma_wait3A_791 = arith.constant 0 : i32
      %dma_wait3A_792 = arith.constant 0 : i32
      %dma_wait3A_793 = arith.constant 0 : i32
      %dma_wait3A_794 = tpu.memref_slice %arg15[%dma_wait3A_791, %dma_wait3A_793] : memref<20x80xf32, #tpu.memory_space<vmem>> -> memref<1x80xf32, #tpu.memory_space<vmem>>
      %dma_wait3A_795 = tpu.memref_squeeze %dma_wait3A_794 : memref<1x80xf32, #tpu.memory_space<vmem>> -> memref<80xf32, #tpu.memory_space<vmem>>
      %dma_wait3A_796 = arith.constant 0 : i32
      %dma_wait3A_797 = tpu.memref_slice %arg17[%dma_wait3A_792, %dma_wait3A_796] : memref<20x80xi32, #tpu.memory_space<vmem>> -> memref<1x80xi32, #tpu.memory_space<vmem>>
      %dma_wait3A_798 = tpu.memref_squeeze %dma_wait3A_797 : memref<1x80xi32, #tpu.memory_space<vmem>> -> memref<80xi32, #tpu.memory_space<vmem>>
      %dma_wait3A_799 = arith.constant 0 : i32
      %dma_wait3A_800 = tpu.memref_slice %arg18[%dma_wait3A_799] : memref<100096xf32, #tpu.memory_space<vmem_shared>> -> memref<100096xf32, #tpu.memory_space<vmem_shared>>
      tpu.wait_indirect_dma semaphore(%arg21 : memref<!tpu.dma_semaphore, #tpu.memory_space<semaphore_mem>>) src(%dma_wait3A_795 : memref<80xf32, #tpu.memory_space<vmem>>) dst(%dma_wait3A_800 : memref<100096xf32, #tpu.memory_space<vmem_shared>>)
      %dma_wait3A_801 = arith.constant 0 : i32
      %dma_wait3A_802 = arith.constant 0 : i32
      %dma_wait3A_803 = arith.constant 0 : i32
      %dma_wait3A_804 = tpu.memref_slice %arg14[%dma_wait3A_801, %dma_wait3A_803] : memref<20x80xf32, #tpu.memory_space<vmem>> -> memref<1x80xf32, #tpu.memory_space<vmem>>
      %dma_wait3A_805 = tpu.memref_squeeze %dma_wait3A_804 : memref<1x80xf32, #tpu.memory_space<vmem>> -> memref<80xf32, #tpu.memory_space<vmem>>
      %dma_wait3A_806 = arith.constant 0 : i32
      %dma_wait3A_807 = tpu.memref_slice %arg16[%dma_wait3A_802, %dma_wait3A_806] : memref<20x80xi32, #tpu.memory_space<vmem>> -> memref<1x80xi32, #tpu.memory_space<vmem>>
      %dma_wait3A_808 = tpu.memref_squeeze %dma_wait3A_807 : memref<1x80xi32, #tpu.memory_space<vmem>> -> memref<80xi32, #tpu.memory_space<vmem>>
      %dma_wait3A_809 = arith.constant 0 : i32
      %dma_wait3A_810 = tpu.memref_slice %arg18[%dma_wait3A_809] : memref<100096xf32, #tpu.memory_space<vmem_shared>> -> memref<100096xf32, #tpu.memory_space<vmem_shared>>
      tpu.wait_indirect_dma semaphore(%arg21 : memref<!tpu.dma_semaphore, #tpu.memory_space<semaphore_mem>>) src(%dma_wait3A_805 : memref<80xf32, #tpu.memory_space<vmem>>) dst(%dma_wait3A_810 : memref<100096xf32, #tpu.memory_space<vmem_shared>>)
      %dma_wait3A_811 = arith.constant 0 : i32
      %dma_wait3A_812 = arith.constant 0 : i32
      %dma_wait3A_813 = arith.constant 0 : i32
      %dma_wait3A_814 = tpu.memref_slice %arg15[%dma_wait3A_811, %dma_wait3A_813] : memref<20x80xf32, #tpu.memory_space<vmem>> -> memref<1x80xf32, #tpu.memory_space<vmem>>
      %dma_wait3A_815 = tpu.memref_squeeze %dma_wait3A_814 : memref<1x80xf32, #tpu.memory_space<vmem>> -> memref<80xf32, #tpu.memory_space<vmem>>
      %dma_wait3A_816 = arith.constant 0 : i32
      %dma_wait3A_817 = tpu.memref_slice %arg17[%dma_wait3A_812, %dma_wait3A_816] : memref<20x80xi32, #tpu.memory_space<vmem>> -> memref<1x80xi32, #tpu.memory_space<vmem>>
      %dma_wait3A_818 = tpu.memref_squeeze %dma_wait3A_817 : memref<1x80xi32, #tpu.memory_space<vmem>> -> memref<80xi32, #tpu.memory_space<vmem>>
      %dma_wait3A_819 = arith.constant 0 : i32
      %dma_wait3A_820 = tpu.memref_slice %arg18[%dma_wait3A_819] : memref<100096xf32, #tpu.memory_space<vmem_shared>> -> memref<100096xf32, #tpu.memory_space<vmem_shared>>
      tpu.wait_indirect_dma semaphore(%arg21 : memref<!tpu.dma_semaphore, #tpu.memory_space<semaphore_mem>>) src(%dma_wait3A_815 : memref<80xf32, #tpu.memory_space<vmem>>) dst(%dma_wait3A_820 : memref<100096xf32, #tpu.memory_space<vmem_shared>>)
      %dma_wait3A_821 = arith.constant 0 : i32
      %dma_wait3A_822 = arith.constant 0 : i32
      %dma_wait3A_823 = arith.constant 0 : i32
      %dma_wait3A_824 = tpu.memref_slice %arg14[%dma_wait3A_821, %dma_wait3A_823] : memref<20x80xf32, #tpu.memory_space<vmem>> -> memref<1x80xf32, #tpu.memory_space<vmem>>
      %dma_wait3A_825 = tpu.memref_squeeze %dma_wait3A_824 : memref<1x80xf32, #tpu.memory_space<vmem>> -> memref<80xf32, #tpu.memory_space<vmem>>
      %dma_wait3A_826 = arith.constant 0 : i32
      %dma_wait3A_827 = tpu.memref_slice %arg16[%dma_wait3A_822, %dma_wait3A_826] : memref<20x80xi32, #tpu.memory_space<vmem>> -> memref<1x80xi32, #tpu.memory_space<vmem>>
      %dma_wait3A_828 = tpu.memref_squeeze %dma_wait3A_827 : memref<1x80xi32, #tpu.memory_space<vmem>> -> memref<80xi32, #tpu.memory_space<vmem>>
      %dma_wait3A_829 = arith.constant 0 : i32
      %dma_wait3A_830 = tpu.memref_slice %arg18[%dma_wait3A_829] : memref<100096xf32, #tpu.memory_space<vmem_shared>> -> memref<100096xf32, #tpu.memory_space<vmem_shared>>
      tpu.wait_indirect_dma semaphore(%arg21 : memref<!tpu.dma_semaphore, #tpu.memory_space<semaphore_mem>>) src(%dma_wait3A_825 : memref<80xf32, #tpu.memory_space<vmem>>) dst(%dma_wait3A_830 : memref<100096xf32, #tpu.memory_space<vmem_shared>>)
      %dma_wait3A_831 = arith.constant 0 : i32
      %dma_wait3A_832 = arith.constant 0 : i32
      %dma_wait3A_833 = arith.constant 0 : i32
      %dma_wait3A_834 = tpu.memref_slice %arg15[%dma_wait3A_831, %dma_wait3A_833] : memref<20x80xf32, #tpu.memory_space<vmem>> -> memref<1x80xf32, #tpu.memory_space<vmem>>
      %dma_wait3A_835 = tpu.memref_squeeze %dma_wait3A_834 : memref<1x80xf32, #tpu.memory_space<vmem>> -> memref<80xf32, #tpu.memory_space<vmem>>
      %dma_wait3A_836 = arith.constant 0 : i32
      %dma_wait3A_837 = tpu.memref_slice %arg17[%dma_wait3A_832, %dma_wait3A_836] : memref<20x80xi32, #tpu.memory_space<vmem>> -> memref<1x80xi32, #tpu.memory_space<vmem>>
      %dma_wait3A_838 = tpu.memref_squeeze %dma_wait3A_837 : memref<1x80xi32, #tpu.memory_space<vmem>> -> memref<80xi32, #tpu.memory_space<vmem>>
      %dma_wait3A_839 = arith.constant 0 : i32
      %dma_wait3A_840 = tpu.memref_slice %arg18[%dma_wait3A_839] : memref<100096xf32, #tpu.memory_space<vmem_shared>> -> memref<100096xf32, #tpu.memory_space<vmem_shared>>
      tpu.wait_indirect_dma semaphore(%arg21 : memref<!tpu.dma_semaphore, #tpu.memory_space<semaphore_mem>>) src(%dma_wait3A_835 : memref<80xf32, #tpu.memory_space<vmem>>) dst(%dma_wait3A_840 : memref<100096xf32, #tpu.memory_space<vmem_shared>>)
      %dma_wait3A_841 = arith.constant 0 : i32
      %dma_wait3A_842 = arith.constant 0 : i32
      %dma_wait3A_843 = arith.constant 0 : i32
      %dma_wait3A_844 = tpu.memref_slice %arg14[%dma_wait3A_841, %dma_wait3A_843] : memref<20x80xf32, #tpu.memory_space<vmem>> -> memref<1x80xf32, #tpu.memory_space<vmem>>
      %dma_wait3A_845 = tpu.memref_squeeze %dma_wait3A_844 : memref<1x80xf32, #tpu.memory_space<vmem>> -> memref<80xf32, #tpu.memory_space<vmem>>
      %dma_wait3A_846 = arith.constant 0 : i32
      %dma_wait3A_847 = tpu.memref_slice %arg16[%dma_wait3A_842, %dma_wait3A_846] : memref<20x80xi32, #tpu.memory_space<vmem>> -> memref<1x80xi32, #tpu.memory_space<vmem>>
      %dma_wait3A_848 = tpu.memref_squeeze %dma_wait3A_847 : memref<1x80xi32, #tpu.memory_space<vmem>> -> memref<80xi32, #tpu.memory_space<vmem>>
      %dma_wait3A_849 = arith.constant 0 : i32
      %dma_wait3A_850 = tpu.memref_slice %arg18[%dma_wait3A_849] : memref<100096xf32, #tpu.memory_space<vmem_shared>> -> memref<100096xf32, #tpu.memory_space<vmem_shared>>
      tpu.wait_indirect_dma semaphore(%arg21 : memref<!tpu.dma_semaphore, #tpu.memory_space<semaphore_mem>>) src(%dma_wait3A_845 : memref<80xf32, #tpu.memory_space<vmem>>) dst(%dma_wait3A_850 : memref<100096xf32, #tpu.memory_space<vmem_shared>>)
      %dma_wait3A_851 = arith.constant 0 : i32
      %dma_wait3A_852 = arith.constant 0 : i32
      %dma_wait3A_853 = arith.constant 0 : i32
      %dma_wait3A_854 = tpu.memref_slice %arg15[%dma_wait3A_851, %dma_wait3A_853] : memref<20x80xf32, #tpu.memory_space<vmem>> -> memref<1x80xf32, #tpu.memory_space<vmem>>
      %dma_wait3A_855 = tpu.memref_squeeze %dma_wait3A_854 : memref<1x80xf32, #tpu.memory_space<vmem>> -> memref<80xf32, #tpu.memory_space<vmem>>
      %dma_wait3A_856 = arith.constant 0 : i32
      %dma_wait3A_857 = tpu.memref_slice %arg17[%dma_wait3A_852, %dma_wait3A_856] : memref<20x80xi32, #tpu.memory_space<vmem>> -> memref<1x80xi32, #tpu.memory_space<vmem>>
      %dma_wait3A_858 = tpu.memref_squeeze %dma_wait3A_857 : memref<1x80xi32, #tpu.memory_space<vmem>> -> memref<80xi32, #tpu.memory_space<vmem>>
      %dma_wait3A_859 = arith.constant 0 : i32
      %dma_wait3A_860 = tpu.memref_slice %arg18[%dma_wait3A_859] : memref<100096xf32, #tpu.memory_space<vmem_shared>> -> memref<100096xf32, #tpu.memory_space<vmem_shared>>
      tpu.wait_indirect_dma semaphore(%arg21 : memref<!tpu.dma_semaphore, #tpu.memory_space<semaphore_mem>>) src(%dma_wait3A_855 : memref<80xf32, #tpu.memory_space<vmem>>) dst(%dma_wait3A_860 : memref<100096xf32, #tpu.memory_space<vmem_shared>>)
      %dma_wait3A_861 = arith.constant 0 : i32
      %dma_wait3A_862 = arith.constant 0 : i32
      %dma_wait3A_863 = arith.constant 0 : i32
      %dma_wait3A_864 = tpu.memref_slice %arg14[%dma_wait3A_861, %dma_wait3A_863] : memref<20x80xf32, #tpu.memory_space<vmem>> -> memref<1x80xf32, #tpu.memory_space<vmem>>
      %dma_wait3A_865 = tpu.memref_squeeze %dma_wait3A_864 : memref<1x80xf32, #tpu.memory_space<vmem>> -> memref<80xf32, #tpu.memory_space<vmem>>
      %dma_wait3A_866 = arith.constant 0 : i32
      %dma_wait3A_867 = tpu.memref_slice %arg16[%dma_wait3A_862, %dma_wait3A_866] : memref<20x80xi32, #tpu.memory_space<vmem>> -> memref<1x80xi32, #tpu.memory_space<vmem>>
      %dma_wait3A_868 = tpu.memref_squeeze %dma_wait3A_867 : memref<1x80xi32, #tpu.memory_space<vmem>> -> memref<80xi32, #tpu.memory_space<vmem>>
      %dma_wait3A_869 = arith.constant 0 : i32
      %dma_wait3A_870 = tpu.memref_slice %arg18[%dma_wait3A_869] : memref<100096xf32, #tpu.memory_space<vmem_shared>> -> memref<100096xf32, #tpu.memory_space<vmem_shared>>
      tpu.wait_indirect_dma semaphore(%arg21 : memref<!tpu.dma_semaphore, #tpu.memory_space<semaphore_mem>>) src(%dma_wait3A_865 : memref<80xf32, #tpu.memory_space<vmem>>) dst(%dma_wait3A_870 : memref<100096xf32, #tpu.memory_space<vmem_shared>>)
      %dma_wait3A_871 = arith.constant 0 : i32
      %dma_wait3A_872 = arith.constant 0 : i32
      %dma_wait3A_873 = arith.constant 0 : i32
      %dma_wait3A_874 = tpu.memref_slice %arg15[%dma_wait3A_871, %dma_wait3A_873] : memref<20x80xf32, #tpu.memory_space<vmem>> -> memref<1x80xf32, #tpu.memory_space<vmem>>
      %dma_wait3A_875 = tpu.memref_squeeze %dma_wait3A_874 : memref<1x80xf32, #tpu.memory_space<vmem>> -> memref<80xf32, #tpu.memory_space<vmem>>
      %dma_wait3A_876 = arith.constant 0 : i32
      %dma_wait3A_877 = tpu.memref_slice %arg17[%dma_wait3A_872, %dma_wait3A_876] : memref<20x80xi32, #tpu.memory_space<vmem>> -> memref<1x80xi32, #tpu.memory_space<vmem>>
      %dma_wait3A_878 = tpu.memref_squeeze %dma_wait3A_877 : memref<1x80xi32, #tpu.memory_space<vmem>> -> memref<80xi32, #tpu.memory_space<vmem>>
      %dma_wait3A_879 = arith.constant 0 : i32
      %dma_wait3A_880 = tpu.memref_slice %arg18[%dma_wait3A_879] : memref<100096xf32, #tpu.memory_space<vmem_shared>> -> memref<100096xf32, #tpu.memory_space<vmem_shared>>
      tpu.wait_indirect_dma semaphore(%arg21 : memref<!tpu.dma_semaphore, #tpu.memory_space<semaphore_mem>>) src(%dma_wait3A_875 : memref<80xf32, #tpu.memory_space<vmem>>) dst(%dma_wait3A_880 : memref<100096xf32, #tpu.memory_space<vmem_shared>>)
      %dma_wait3A_881 = arith.constant 0 : i32
      %dma_wait3A_882 = tpu.memref_slice %arg3[%dma_wait3A_881] : memref<6400000xi32, #tpu.memory_space<hbm>> -> memref<1600xi32, #tpu.memory_space<hbm>>
      %dma_wait3A_883 = arith.constant 0 : i32
      %dma_wait3A_884 = tpu.memref_slice %arg3[%dma_wait3A_883] : memref<6400000xi32, #tpu.memory_space<hbm>> -> memref<1600xi32, #tpu.memory_space<hbm>>
      tpu.wait_dma2 semaphore(%arg20 : memref<!tpu.dma_semaphore, #tpu.memory_space<semaphore_mem>>) src(%dma_wait3A_884 : memref<1600xi32, #tpu.memory_space<hbm>>) dst(%arg11 : memref<1600xi32, #tpu.memory_space<vmem>>)
      %dma_wait3A_885 = arith.constant 0 : i32
      %dma_wait3A_886 = tpu.memref_slice %arg4[%dma_wait3A_885] : memref<6400000xi32, #tpu.memory_space<hbm>> -> memref<1600xi32, #tpu.memory_space<hbm>>
      %dma_wait3A_887 = arith.constant 0 : i32
      %dma_wait3A_888 = tpu.memref_slice %arg4[%dma_wait3A_887] : memref<6400000xi32, #tpu.memory_space<hbm>> -> memref<1600xi32, #tpu.memory_space<hbm>>
      tpu.wait_dma2 semaphore(%arg20 : memref<!tpu.dma_semaphore, #tpu.memory_space<semaphore_mem>>) src(%dma_wait3A_888 : memref<1600xi32, #tpu.memory_space<hbm>>) dst(%arg12 : memref<1600xi32, #tpu.memory_space<vmem>>)
      %dma_wait3A_889 = arith.constant 0 : i32
      %dma_wait3A_890 = tpu.memref_slice %arg5[%dma_wait3A_889] : memref<6400000xf32, #tpu.memory_space<hbm>> -> memref<1600xf32, #tpu.memory_space<hbm>>
      %dma_wait3A_891 = arith.constant 0 : i32
      %dma_wait3A_892 = tpu.memref_slice %arg5[%dma_wait3A_891] : memref<6400000xf32, #tpu.memory_space<hbm>> -> memref<1600xf32, #tpu.memory_space<hbm>>
      tpu.wait_dma2 semaphore(%arg20 : memref<!tpu.dma_semaphore, #tpu.memory_space<semaphore_mem>>) src(%dma_wait3A_892 : memref<1600xf32, #tpu.memory_space<hbm>>) dst(%arg13 : memref<1600xf32, #tpu.memory_space<vmem>>)
      %add3A_893 = arith.constant 2 : i32
      %add3A_894 = arith.addi %mul3A_451, %add3A_893 : i32
      %lt3A = arith.constant 125 : i32
      %lt3A_895 = arith.cmpi slt, %add3A_894, %lt3A : i32
      %convert_element_type3A = arith.extui %lt3A_895 : i1 to i32
      %cond3A = arith.constant 0 : i32
      %cond3A_896 = arith.cmpi ne, %convert_element_type3A, %cond3A : i32
      scf.if %cond3A_896 {
        %add3A_1303 = arith.constant 2 : i32
        %add3A_1304 = arith.addi %mul3A_451, %add3A_1303 : i32
        %mul3A_1305 = arith.constant 1600 : i32
        %mul3A_1306 = arith.muli %add3A_1304, %mul3A_1305 : i32
        %add3A_1307 = arith.addi %mul3A_10, %mul3A_1306 : i32
        %dma_start3A_1308 = tpu.memref_slice %arg3[%add3A_1307] : memref<6400000xi32, #tpu.memory_space<hbm>> -> memref<1600xi32, #tpu.memory_space<hbm>>
        %dma_start3A_1309 = tpu.memref_slice %arg3[%add3A_1307] : memref<6400000xi32, #tpu.memory_space<hbm>> -> memref<1600xi32, #tpu.memory_space<hbm>>
        tpu.enqueue_dma source(%dma_start3A_1309 : memref<1600xi32, #tpu.memory_space<hbm>>) target(%arg8 : memref<1600xi32, #tpu.memory_space<vmem>>) target_semaphore(%arg19 : memref<!tpu.dma_semaphore, #tpu.memory_space<semaphore_mem>>)
        %dma_start3A_1310 = tpu.memref_slice %arg4[%add3A_1307] : memref<6400000xi32, #tpu.memory_space<hbm>> -> memref<1600xi32, #tpu.memory_space<hbm>>
        %dma_start3A_1311 = tpu.memref_slice %arg4[%add3A_1307] : memref<6400000xi32, #tpu.memory_space<hbm>> -> memref<1600xi32, #tpu.memory_space<hbm>>
        tpu.enqueue_dma source(%dma_start3A_1311 : memref<1600xi32, #tpu.memory_space<hbm>>) target(%arg9 : memref<1600xi32, #tpu.memory_space<vmem>>) target_semaphore(%arg19 : memref<!tpu.dma_semaphore, #tpu.memory_space<semaphore_mem>>)
        %dma_start3A_1312 = tpu.memref_slice %arg5[%add3A_1307] : memref<6400000xf32, #tpu.memory_space<hbm>> -> memref<1600xf32, #tpu.memory_space<hbm>>
        %dma_start3A_1313 = tpu.memref_slice %arg5[%add3A_1307] : memref<6400000xf32, #tpu.memory_space<hbm>> -> memref<1600xf32, #tpu.memory_space<hbm>>
        tpu.enqueue_dma source(%dma_start3A_1313 : memref<1600xf32, #tpu.memory_space<hbm>>) target(%arg10 : memref<1600xf32, #tpu.memory_space<vmem>>) target_semaphore(%arg19 : memref<!tpu.dma_semaphore, #tpu.memory_space<semaphore_mem>>)
      } else {
      }
      %scan3A_897 = arith.constant 0 : i32
      %scan3A_898 = arith.constant 0 : i32
      %scan3A_899 = arith.constant 20 : i32
      %scan3A_900 = arith.addi %scan3A_898, %scan3A_899 : i32
      %scan3A_901 = arith.constant 1 : i32
      scf.for %scan3A_1303 = %scan3A_898 to %scan3A_900 step %scan3A_901  : i32 {
        %mul3A_1304 = arith.constant 80 : i32
        %mul3A_1305 = arith.muli %scan3A_1303, %mul3A_1304 : i32
        %add3A_1306 = arith.constant 0 : i32
        %add3A_1307 = arith.addi %mul3A_1305, %add3A_1306 : i32
        %get3A = arith.index_cast %add3A_1307 : i32 to index
        %get3A_1308 = tpu.vector_load %arg11[%get3A] {strides = array<i32>} : memref<1600xi32, #tpu.memory_space<vmem>>, vector<16xi32>,
        %get3A_1309 = arith.index_cast %add3A_1307 : i32 to index
        %get3A_1310 = tpu.vector_load %arg12[%get3A_1309] {strides = array<i32>} : memref<1600xi32, #tpu.memory_space<vmem>>, vector<16xi32>,
        %get3A_1311 = arith.index_cast %add3A_1307 : i32 to index
        %get3A_1312 = tpu.vector_load %arg13[%get3A_1311] {strides = array<i32>} : memref<1600xf32, #tpu.memory_space<vmem>>, vector<16xf32>,
        %gather3A = tpu.vector_load_idx %arg7[%get3A_1308] : memref<100096xf32, #tpu.memory_space<vmem>>[vector<16xi32>], vector<16xf32>,
        %gather3A_1313 = tpu.vector_load_idx %arg7[%get3A_1310] : memref<100096xf32, #tpu.memory_space<vmem>>[vector<16xi32>], vector<16xf32>,
        %div3A = arith.constant 5.000000e-01 : f32
        %div3A_1314 = vector.broadcast %div3A : f32 to vector<16xf32>
        %div3A_1315 = arith.divf %div3A_1314, %get3A_1312 : vector<16xf32>
        %mul3A_1316 = arith.mulf %gather3A_1313, %div3A_1315 : vector<16xf32>
        %swap3A = arith.index_cast %scan3A_1303 : i32 to index
        %swap3A_1317 = arith.constant 0 : index
        %swap3A_1318 = tpu.vector_load %arg14[%swap3A, %swap3A_1317] {strides = array<i32>} : memref<20x80xf32, #tpu.memory_space<vmem>>, vector<16xf32>,
        tpu.vector_store %arg14[%swap3A, %swap3A_1317], %mul3A_1316 {strides = array<i32>} : memref<20x80xf32, #tpu.memory_space<vmem>>, vector<16xf32>,
        %mul3A_1319 = arith.mulf %gather3A, %div3A_1315 : vector<16xf32>
        %swap3A_1320 = arith.index_cast %scan3A_1303 : i32 to index
        %swap3A_1321 = arith.constant 0 : index
        %swap3A_1322 = tpu.vector_load %arg15[%swap3A_1320, %swap3A_1321] {strides = array<i32>} : memref<20x80xf32, #tpu.memory_space<vmem>>, vector<16xf32>,
        tpu.vector_store %arg15[%swap3A_1320, %swap3A_1321], %mul3A_1319 {strides = array<i32>} : memref<20x80xf32, #tpu.memory_space<vmem>>, vector<16xf32>,
        %swap3A_1323 = arith.index_cast %scan3A_1303 : i32 to index
        %swap3A_1324 = arith.constant 0 : index
        %swap3A_1325 = tpu.vector_load %arg16[%swap3A_1323, %swap3A_1324] {strides = array<i32>} : memref<20x80xi32, #tpu.memory_space<vmem>>, vector<16xi32>,
        tpu.vector_store %arg16[%swap3A_1323, %swap3A_1324], %get3A_1308 {strides = array<i32>} : memref<20x80xi32, #tpu.memory_space<vmem>>, vector<16xi32>,
        %swap3A_1326 = arith.index_cast %scan3A_1303 : i32 to index
        %swap3A_1327 = arith.constant 0 : index
        %swap3A_1328 = tpu.vector_load %arg17[%swap3A_1326, %swap3A_1327] {strides = array<i32>} : memref<20x80xi32, #tpu.memory_space<vmem>>, vector<16xi32>,
        tpu.vector_store %arg17[%swap3A_1326, %swap3A_1327], %get3A_1310 {strides = array<i32>} : memref<20x80xi32, #tpu.memory_space<vmem>>, vector<16xi32>,
        %mul3A_1329 = arith.constant 80 : i32
        %mul3A_1330 = arith.muli %scan3A_1303, %mul3A_1329 : i32
        %add3A_1331 = arith.constant 16 : i32
        %add3A_1332 = arith.addi %mul3A_1330, %add3A_1331 : i32
        %get3A_1333 = arith.index_cast %add3A_1332 : i32 to index
        %get3A_1334 = tpu.vector_load %arg11[%get3A_1333] {strides = array<i32>} : memref<1600xi32, #tpu.memory_space<vmem>>, vector<16xi32>,
        %get3A_1335 = arith.index_cast %add3A_1332 : i32 to index
        %get3A_1336 = tpu.vector_load %arg12[%get3A_1335] {strides = array<i32>} : memref<1600xi32, #tpu.memory_space<vmem>>, vector<16xi32>,
        %get3A_1337 = arith.index_cast %add3A_1332 : i32 to index
        %get3A_1338 = tpu.vector_load %arg13[%get3A_1337] {strides = array<i32>} : memref<1600xf32, #tpu.memory_space<vmem>>, vector<16xf32>,
        %gather3A_1339 = tpu.vector_load_idx %arg7[%get3A_1334] : memref<100096xf32, #tpu.memory_space<vmem>>[vector<16xi32>], vector<16xf32>,
        %gather3A_1340 = tpu.vector_load_idx %arg7[%get3A_1336] : memref<100096xf32, #tpu.memory_space<vmem>>[vector<16xi32>], vector<16xf32>,
        %div3A_1341 = arith.constant 5.000000e-01 : f32
        %div3A_1342 = vector.broadcast %div3A_1341 : f32 to vector<16xf32>
        %div3A_1343 = arith.divf %div3A_1342, %get3A_1338 : vector<16xf32>
        %mul3A_1344 = arith.mulf %gather3A_1340, %div3A_1343 : vector<16xf32>
        %swap3A_1345 = arith.index_cast %scan3A_1303 : i32 to index
        %swap3A_1346 = arith.constant 16 : index
        %swap3A_1347 = tpu.vector_load %arg14[%swap3A_1345, %swap3A_1346] {strides = array<i32>} : memref<20x80xf32, #tpu.memory_space<vmem>>, vector<16xf32>,
        tpu.vector_store %arg14[%swap3A_1345, %swap3A_1346], %mul3A_1344 {strides = array<i32>} : memref<20x80xf32, #tpu.memory_space<vmem>>, vector<16xf32>,
        %mul3A_1348 = arith.mulf %gather3A_1339, %div3A_1343 : vector<16xf32>
        %swap3A_1349 = arith.index_cast %scan3A_1303 : i32 to index
        %swap3A_1350 = arith.constant 16 : index
        %swap3A_1351 = tpu.vector_load %arg15[%swap3A_1349, %swap3A_1350] {strides = array<i32>} : memref<20x80xf32, #tpu.memory_space<vmem>>, vector<16xf32>,
        tpu.vector_store %arg15[%swap3A_1349, %swap3A_1350], %mul3A_1348 {strides = array<i32>} : memref<20x80xf32, #tpu.memory_space<vmem>>, vector<16xf32>,
        %swap3A_1352 = arith.index_cast %scan3A_1303 : i32 to index
        %swap3A_1353 = arith.constant 16 : index
        %swap3A_1354 = tpu.vector_load %arg16[%swap3A_1352, %swap3A_1353] {strides = array<i32>} : memref<20x80xi32, #tpu.memory_space<vmem>>, vector<16xi32>,
        tpu.vector_store %arg16[%swap3A_1352, %swap3A_1353], %get3A_1334 {strides = array<i32>} : memref<20x80xi32, #tpu.memory_space<vmem>>, vector<16xi32>,
        %swap3A_1355 = arith.index_cast %scan3A_1303 : i32 to index
        %swap3A_1356 = arith.constant 16 : index
        %swap3A_1357 = tpu.vector_load %arg17[%swap3A_1355, %swap3A_1356] {strides = array<i32>} : memref<20x80xi32, #tpu.memory_space<vmem>>, vector<16xi32>,
        tpu.vector_store %arg17[%swap3A_1355, %swap3A_1356], %get3A_1336 {strides = array<i32>} : memref<20x80xi32, #tpu.memory_space<vmem>>, vector<16xi32>,
        %mul3A_1358 = arith.constant 80 : i32
        %mul3A_1359 = arith.muli %scan3A_1303, %mul3A_1358 : i32
        %add3A_1360 = arith.constant 32 : i32
        %add3A_1361 = arith.addi %mul3A_1359, %add3A_1360 : i32
        %get3A_1362 = arith.index_cast %add3A_1361 : i32 to index
        %get3A_1363 = tpu.vector_load %arg11[%get3A_1362] {strides = array<i32>} : memref<1600xi32, #tpu.memory_space<vmem>>, vector<16xi32>,
        %get3A_1364 = arith.index_cast %add3A_1361 : i32 to index
        %get3A_1365 = tpu.vector_load %arg12[%get3A_1364] {strides = array<i32>} : memref<1600xi32, #tpu.memory_space<vmem>>, vector<16xi32>,
        %get3A_1366 = arith.index_cast %add3A_1361 : i32 to index
        %get3A_1367 = tpu.vector_load %arg13[%get3A_1366] {strides = array<i32>} : memref<1600xf32, #tpu.memory_space<vmem>>, vector<16xf32>,
        %gather3A_1368 = tpu.vector_load_idx %arg7[%get3A_1363] : memref<100096xf32, #tpu.memory_space<vmem>>[vector<16xi32>], vector<16xf32>,
        %gather3A_1369 = tpu.vector_load_idx %arg7[%get3A_1365] : memref<100096xf32, #tpu.memory_space<vmem>>[vector<16xi32>], vector<16xf32>,
        %div3A_1370 = arith.constant 5.000000e-01 : f32
        %div3A_1371 = vector.broadcast %div3A_1370 : f32 to vector<16xf32>
        %div3A_1372 = arith.divf %div3A_1371, %get3A_1367 : vector<16xf32>
        %mul3A_1373 = arith.mulf %gather3A_1369, %div3A_1372 : vector<16xf32>
        %swap3A_1374 = arith.index_cast %scan3A_1303 : i32 to index
        %swap3A_1375 = arith.constant 32 : index
        %swap3A_1376 = tpu.vector_load %arg14[%swap3A_1374, %swap3A_1375] {strides = array<i32>} : memref<20x80xf32, #tpu.memory_space<vmem>>, vector<16xf32>,
        tpu.vector_store %arg14[%swap3A_1374, %swap3A_1375], %mul3A_1373 {strides = array<i32>} : memref<20x80xf32, #tpu.memory_space<vmem>>, vector<16xf32>,
        %mul3A_1377 = arith.mulf %gather3A_1368, %div3A_1372 : vector<16xf32>
        %swap3A_1378 = arith.index_cast %scan3A_1303 : i32 to index
        %swap3A_1379 = arith.constant 32 : index
        %swap3A_1380 = tpu.vector_load %arg15[%swap3A_1378, %swap3A_1379] {strides = array<i32>} : memref<20x80xf32, #tpu.memory_space<vmem>>, vector<16xf32>,
        tpu.vector_store %arg15[%swap3A_1378, %swap3A_1379], %mul3A_1377 {strides = array<i32>} : memref<20x80xf32, #tpu.memory_space<vmem>>, vector<16xf32>,
        %swap3A_1381 = arith.index_cast %scan3A_1303 : i32 to index
        %swap3A_1382 = arith.constant 32 : index
        %swap3A_1383 = tpu.vector_load %arg16[%swap3A_1381, %swap3A_1382] {strides = array<i32>} : memref<20x80xi32, #tpu.memory_space<vmem>>, vector<16xi32>,
        tpu.vector_store %arg16[%swap3A_1381, %swap3A_1382], %get3A_1363 {strides = array<i32>} : memref<20x80xi32, #tpu.memory_space<vmem>>, vector<16xi32>,
        %swap3A_1384 = arith.index_cast %scan3A_1303 : i32 to index
        %swap3A_1385 = arith.constant 32 : index
        %swap3A_1386 = tpu.vector_load %arg17[%swap3A_1384, %swap3A_1385] {strides = array<i32>} : memref<20x80xi32, #tpu.memory_space<vmem>>, vector<16xi32>,
        tpu.vector_store %arg17[%swap3A_1384, %swap3A_1385], %get3A_1365 {strides = array<i32>} : memref<20x80xi32, #tpu.memory_space<vmem>>, vector<16xi32>,
        %mul3A_1387 = arith.constant 80 : i32
        %mul3A_1388 = arith.muli %scan3A_1303, %mul3A_1387 : i32
        %add3A_1389 = arith.constant 48 : i32
        %add3A_1390 = arith.addi %mul3A_1388, %add3A_1389 : i32
        %get3A_1391 = arith.index_cast %add3A_1390 : i32 to index
        %get3A_1392 = tpu.vector_load %arg11[%get3A_1391] {strides = array<i32>} : memref<1600xi32, #tpu.memory_space<vmem>>, vector<16xi32>,
        %get3A_1393 = arith.index_cast %add3A_1390 : i32 to index
        %get3A_1394 = tpu.vector_load %arg12[%get3A_1393] {strides = array<i32>} : memref<1600xi32, #tpu.memory_space<vmem>>, vector<16xi32>,
        %get3A_1395 = arith.index_cast %add3A_1390 : i32 to index
        %get3A_1396 = tpu.vector_load %arg13[%get3A_1395] {strides = array<i32>} : memref<1600xf32, #tpu.memory_space<vmem>>, vector<16xf32>,
        %gather3A_1397 = tpu.vector_load_idx %arg7[%get3A_1392] : memref<100096xf32, #tpu.memory_space<vmem>>[vector<16xi32>], vector<16xf32>,
        %gather3A_1398 = tpu.vector_load_idx %arg7[%get3A_1394] : memref<100096xf32, #tpu.memory_space<vmem>>[vector<16xi32>], vector<16xf32>,
        %div3A_1399 = arith.constant 5.000000e-01 : f32
        %div3A_1400 = vector.broadcast %div3A_1399 : f32 to vector<16xf32>
        %div3A_1401 = arith.divf %div3A_1400, %get3A_1396 : vector<16xf32>
        %mul3A_1402 = arith.mulf %gather3A_1398, %div3A_1401 : vector<16xf32>
        %swap3A_1403 = arith.index_cast %scan3A_1303 : i32 to index
        %swap3A_1404 = arith.constant 48 : index
        %swap3A_1405 = tpu.vector_load %arg14[%swap3A_1403, %swap3A_1404] {strides = array<i32>} : memref<20x80xf32, #tpu.memory_space<vmem>>, vector<16xf32>,
        tpu.vector_store %arg14[%swap3A_1403, %swap3A_1404], %mul3A_1402 {strides = array<i32>} : memref<20x80xf32, #tpu.memory_space<vmem>>, vector<16xf32>,
        %mul3A_1406 = arith.mulf %gather3A_1397, %div3A_1401 : vector<16xf32>
        %swap3A_1407 = arith.index_cast %scan3A_1303 : i32 to index
        %swap3A_1408 = arith.constant 48 : index
        %swap3A_1409 = tpu.vector_load %arg15[%swap3A_1407, %swap3A_1408] {strides = array<i32>} : memref<20x80xf32, #tpu.memory_space<vmem>>, vector<16xf32>,
        tpu.vector_store %arg15[%swap3A_1407, %swap3A_1408], %mul3A_1406 {strides = array<i32>} : memref<20x80xf32, #tpu.memory_space<vmem>>, vector<16xf32>,
        %swap3A_1410 = arith.index_cast %scan3A_1303 : i32 to index
        %swap3A_1411 = arith.constant 48 : index
        %swap3A_1412 = tpu.vector_load %arg16[%swap3A_1410, %swap3A_1411] {strides = array<i32>} : memref<20x80xi32, #tpu.memory_space<vmem>>, vector<16xi32>,
        tpu.vector_store %arg16[%swap3A_1410, %swap3A_1411], %get3A_1392 {strides = array<i32>} : memref<20x80xi32, #tpu.memory_space<vmem>>, vector<16xi32>,
        %swap3A_1413 = arith.index_cast %scan3A_1303 : i32 to index
        %swap3A_1414 = arith.constant 48 : index
        %swap3A_1415 = tpu.vector_load %arg17[%swap3A_1413, %swap3A_1414] {strides = array<i32>} : memref<20x80xi32, #tpu.memory_space<vmem>>, vector<16xi32>,
        tpu.vector_store %arg17[%swap3A_1413, %swap3A_1414], %get3A_1394 {strides = array<i32>} : memref<20x80xi32, #tpu.memory_space<vmem>>, vector<16xi32>,
        %mul3A_1416 = arith.constant 80 : i32
        %mul3A_1417 = arith.muli %scan3A_1303, %mul3A_1416 : i32
        %add3A_1418 = arith.constant 64 : i32
        %add3A_1419 = arith.addi %mul3A_1417, %add3A_1418 : i32
        %get3A_1420 = arith.index_cast %add3A_1419 : i32 to index
        %get3A_1421 = tpu.vector_load %arg11[%get3A_1420] {strides = array<i32>} : memref<1600xi32, #tpu.memory_space<vmem>>, vector<16xi32>,
        %get3A_1422 = arith.index_cast %add3A_1419 : i32 to index
        %get3A_1423 = tpu.vector_load %arg12[%get3A_1422] {strides = array<i32>} : memref<1600xi32, #tpu.memory_space<vmem>>, vector<16xi32>,
        %get3A_1424 = arith.index_cast %add3A_1419 : i32 to index
        %get3A_1425 = tpu.vector_load %arg13[%get3A_1424] {strides = array<i32>} : memref<1600xf32, #tpu.memory_space<vmem>>, vector<16xf32>,
        %gather3A_1426 = tpu.vector_load_idx %arg7[%get3A_1421] : memref<100096xf32, #tpu.memory_space<vmem>>[vector<16xi32>], vector<16xf32>,
        %gather3A_1427 = tpu.vector_load_idx %arg7[%get3A_1423] : memref<100096xf32, #tpu.memory_space<vmem>>[vector<16xi32>], vector<16xf32>,
        %div3A_1428 = arith.constant 5.000000e-01 : f32
        %div3A_1429 = vector.broadcast %div3A_1428 : f32 to vector<16xf32>
        %div3A_1430 = arith.divf %div3A_1429, %get3A_1425 : vector<16xf32>
        %mul3A_1431 = arith.mulf %gather3A_1427, %div3A_1430 : vector<16xf32>
        %swap3A_1432 = arith.index_cast %scan3A_1303 : i32 to index
        %swap3A_1433 = arith.constant 64 : index
        %swap3A_1434 = tpu.vector_load %arg14[%swap3A_1432, %swap3A_1433] {strides = array<i32>} : memref<20x80xf32, #tpu.memory_space<vmem>>, vector<16xf32>,
        tpu.vector_store %arg14[%swap3A_1432, %swap3A_1433], %mul3A_1431 {strides = array<i32>} : memref<20x80xf32, #tpu.memory_space<vmem>>, vector<16xf32>,
        %mul3A_1435 = arith.mulf %gather3A_1426, %div3A_1430 : vector<16xf32>
        %swap3A_1436 = arith.index_cast %scan3A_1303 : i32 to index
        %swap3A_1437 = arith.constant 64 : index
        %swap3A_1438 = tpu.vector_load %arg15[%swap3A_1436, %swap3A_1437] {strides = array<i32>} : memref<20x80xf32, #tpu.memory_space<vmem>>, vector<16xf32>,
        tpu.vector_store %arg15[%swap3A_1436, %swap3A_1437], %mul3A_1435 {strides = array<i32>} : memref<20x80xf32, #tpu.memory_space<vmem>>, vector<16xf32>,
        %swap3A_1439 = arith.index_cast %scan3A_1303 : i32 to index
        %swap3A_1440 = arith.constant 64 : index
        %swap3A_1441 = tpu.vector_load %arg16[%swap3A_1439, %swap3A_1440] {strides = array<i32>} : memref<20x80xi32, #tpu.memory_space<vmem>>, vector<16xi32>,
        tpu.vector_store %arg16[%swap3A_1439, %swap3A_1440], %get3A_1421 {strides = array<i32>} : memref<20x80xi32, #tpu.memory_space<vmem>>, vector<16xi32>,
        %swap3A_1442 = arith.index_cast %scan3A_1303 : i32 to index
        %swap3A_1443 = arith.constant 64 : index
        %swap3A_1444 = tpu.vector_load %arg17[%swap3A_1442, %swap3A_1443] {strides = array<i32>} : memref<20x80xi32, #tpu.memory_space<vmem>>, vector<16xi32>,
        tpu.vector_store %arg17[%swap3A_1442, %swap3A_1443], %get3A_1423 {strides = array<i32>} : memref<20x80xi32, #tpu.memory_space<vmem>>, vector<16xi32>,
        %dma_start3A_1445 = arith.constant 0 : i32
        %dma_start3A_1446 = tpu.memref_slice %arg14[%scan3A_1303, %dma_start3A_1445] : memref<20x80xf32, #tpu.memory_space<vmem>> -> memref<1x80xf32, #tpu.memory_space<vmem>>
        %dma_start3A_1447 = tpu.memref_squeeze %dma_start3A_1446 : memref<1x80xf32, #tpu.memory_space<vmem>> -> memref<80xf32, #tpu.memory_space<vmem>>
        %dma_start3A_1448 = arith.constant 0 : i32
        %dma_start3A_1449 = tpu.memref_slice %arg16[%scan3A_1303, %dma_start3A_1448] : memref<20x80xi32, #tpu.memory_space<vmem>> -> memref<1x80xi32, #tpu.memory_space<vmem>>
        %dma_start3A_1450 = tpu.memref_squeeze %dma_start3A_1449 : memref<1x80xi32, #tpu.memory_space<vmem>> -> memref<80xi32, #tpu.memory_space<vmem>>
        %dma_start3A_1451 = arith.constant 0 : i32
        %dma_start3A_1452 = tpu.memref_slice %arg18[%dma_start3A_1451] : memref<100096xf32, #tpu.memory_space<vmem_shared>> -> memref<100096xf32, #tpu.memory_space<vmem_shared>>
        tpu.enqueue_indirect_dma source(%dma_start3A_1447 : memref<80xf32, #tpu.memory_space<vmem>>) target(%dma_start3A_1452 : memref<100096xf32, #tpu.memory_space<vmem_shared>>) offsets(%dma_start3A_1450 : memref<80xi32, #tpu.memory_space<vmem>>) semaphore(%arg21 : memref<!tpu.dma_semaphore, #tpu.memory_space<semaphore_mem>>) {add = true}
        %dma_start3A_1453 = arith.constant 0 : i32
        %dma_start3A_1454 = tpu.memref_slice %arg15[%scan3A_1303, %dma_start3A_1453] : memref<20x80xf32, #tpu.memory_space<vmem>> -> memref<1x80xf32, #tpu.memory_space<vmem>>
        %dma_start3A_1455 = tpu.memref_squeeze %dma_start3A_1454 : memref<1x80xf32, #tpu.memory_space<vmem>> -> memref<80xf32, #tpu.memory_space<vmem>>
        %dma_start3A_1456 = arith.constant 0 : i32
        %dma_start3A_1457 = tpu.memref_slice %arg17[%scan3A_1303, %dma_start3A_1456] : memref<20x80xi32, #tpu.memory_space<vmem>> -> memref<1x80xi32, #tpu.memory_space<vmem>>
        %dma_start3A_1458 = tpu.memref_squeeze %dma_start3A_1457 : memref<1x80xi32, #tpu.memory_space<vmem>> -> memref<80xi32, #tpu.memory_space<vmem>>
        %dma_start3A_1459 = arith.constant 0 : i32
        %dma_start3A_1460 = tpu.memref_slice %arg18[%dma_start3A_1459] : memref<100096xf32, #tpu.memory_space<vmem_shared>> -> memref<100096xf32, #tpu.memory_space<vmem_shared>>
        tpu.enqueue_indirect_dma source(%dma_start3A_1455 : memref<80xf32, #tpu.memory_space<vmem>>) target(%dma_start3A_1460 : memref<100096xf32, #tpu.memory_space<vmem_shared>>) offsets(%dma_start3A_1458 : memref<80xi32, #tpu.memory_space<vmem>>) semaphore(%arg21 : memref<!tpu.dma_semaphore, #tpu.memory_space<semaphore_mem>>) {add = true}
      }
      %scan3A_902 = arith.constant 20 : i32
      %dma_wait3A_903 = arith.constant 0 : i32
      %dma_wait3A_904 = arith.constant 0 : i32
      %dma_wait3A_905 = arith.constant 0 : i32
      %dma_wait3A_906 = tpu.memref_slice %arg14[%dma_wait3A_903, %dma_wait3A_905] : memref<20x80xf32, #tpu.memory_space<vmem>> -> memref<1x80xf32, #tpu.memory_space<vmem>>
      %dma_wait3A_907 = tpu.memref_squeeze %dma_wait3A_906 : memref<1x80xf32, #tpu.memory_space<vmem>> -> memref<80xf32, #tpu.memory_space<vmem>>
      %dma_wait3A_908 = arith.constant 0 : i32
      %dma_wait3A_909 = tpu.memref_slice %arg16[%dma_wait3A_904, %dma_wait3A_908] : memref<20x80xi32, #tpu.memory_space<vmem>> -> memref<1x80xi32, #tpu.memory_space<vmem>>
      %dma_wait3A_910 = tpu.memref_squeeze %dma_wait3A_909 : memref<1x80xi32, #tpu.memory_space<vmem>> -> memref<80xi32, #tpu.memory_space<vmem>>
      %dma_wait3A_911 = arith.constant 0 : i32
      %dma_wait3A_912 = tpu.memref_slice %arg18[%dma_wait3A_911] : memref<100096xf32, #tpu.memory_space<vmem_shared>> -> memref<100096xf32, #tpu.memory_space<vmem_shared>>
      tpu.wait_indirect_dma semaphore(%arg21 : memref<!tpu.dma_semaphore, #tpu.memory_space<semaphore_mem>>) src(%dma_wait3A_907 : memref<80xf32, #tpu.memory_space<vmem>>) dst(%dma_wait3A_912 : memref<100096xf32, #tpu.memory_space<vmem_shared>>)
      %dma_wait3A_913 = arith.constant 0 : i32
      %dma_wait3A_914 = arith.constant 0 : i32
      %dma_wait3A_915 = arith.constant 0 : i32
      %dma_wait3A_916 = tpu.memref_slice %arg15[%dma_wait3A_913, %dma_wait3A_915] : memref<20x80xf32, #tpu.memory_space<vmem>> -> memref<1x80xf32, #tpu.memory_space<vmem>>
      %dma_wait3A_917 = tpu.memref_squeeze %dma_wait3A_916 : memref<1x80xf32, #tpu.memory_space<vmem>> -> memref<80xf32, #tpu.memory_space<vmem>>
      %dma_wait3A_918 = arith.constant 0 : i32
      %dma_wait3A_919 = tpu.memref_slice %arg17[%dma_wait3A_914, %dma_wait3A_918] : memref<20x80xi32, #tpu.memory_space<vmem>> -> memref<1x80xi32, #tpu.memory_space<vmem>>
      %dma_wait3A_920 = tpu.memref_squeeze %dma_wait3A_919 : memref<1x80xi32, #tpu.memory_space<vmem>> -> memref<80xi32, #tpu.memory_space<vmem>>
      %dma_wait3A_921 = arith.constant 0 : i32
      %dma_wait3A_922 = tpu.memref_slice %arg18[%dma_wait3A_921] : memref<100096xf32, #tpu.memory_space<vmem_shared>> -> memref<100096xf32, #tpu.memory_space<vmem_shared>>
      tpu.wait_indirect_dma semaphore(%arg21 : memref<!tpu.dma_semaphore, #tpu.memory_space<semaphore_mem>>) src(%dma_wait3A_917 : memref<80xf32, #tpu.memory_space<vmem>>) dst(%dma_wait3A_922 : memref<100096xf32, #tpu.memory_space<vmem_shared>>)
      %dma_wait3A_923 = arith.constant 0 : i32
      %dma_wait3A_924 = arith.constant 0 : i32
      %dma_wait3A_925 = arith.constant 0 : i32
      %dma_wait3A_926 = tpu.memref_slice %arg14[%dma_wait3A_923, %dma_wait3A_925] : memref<20x80xf32, #tpu.memory_space<vmem>> -> memref<1x80xf32, #tpu.memory_space<vmem>>
      %dma_wait3A_927 = tpu.memref_squeeze %dma_wait3A_926 : memref<1x80xf32, #tpu.memory_space<vmem>> -> memref<80xf32, #tpu.memory_space<vmem>>
      %dma_wait3A_928 = arith.constant 0 : i32
      %dma_wait3A_929 = tpu.memref_slice %arg16[%dma_wait3A_924, %dma_wait3A_928] : memref<20x80xi32, #tpu.memory_space<vmem>> -> memref<1x80xi32, #tpu.memory_space<vmem>>
      %dma_wait3A_930 = tpu.memref_squeeze %dma_wait3A_929 : memref<1x80xi32, #tpu.memory_space<vmem>> -> memref<80xi32, #tpu.memory_space<vmem>>
      %dma_wait3A_931 = arith.constant 0 : i32
      %dma_wait3A_932 = tpu.memref_slice %arg18[%dma_wait3A_931] : memref<100096xf32, #tpu.memory_space<vmem_shared>> -> memref<100096xf32, #tpu.memory_space<vmem_shared>>
      tpu.wait_indirect_dma semaphore(%arg21 : memref<!tpu.dma_semaphore, #tpu.memory_space<semaphore_mem>>) src(%dma_wait3A_927 : memref<80xf32, #tpu.memory_space<vmem>>) dst(%dma_wait3A_932 : memref<100096xf32, #tpu.memory_space<vmem_shared>>)
      %dma_wait3A_933 = arith.constant 0 : i32
      %dma_wait3A_934 = arith.constant 0 : i32
      %dma_wait3A_935 = arith.constant 0 : i32
      %dma_wait3A_936 = tpu.memref_slice %arg15[%dma_wait3A_933, %dma_wait3A_935] : memref<20x80xf32, #tpu.memory_space<vmem>> -> memref<1x80xf32, #tpu.memory_space<vmem>>
      %dma_wait3A_937 = tpu.memref_squeeze %dma_wait3A_936 : memref<1x80xf32, #tpu.memory_space<vmem>> -> memref<80xf32, #tpu.memory_space<vmem>>
      %dma_wait3A_938 = arith.constant 0 : i32
      %dma_wait3A_939 = tpu.memref_slice %arg17[%dma_wait3A_934, %dma_wait3A_938] : memref<20x80xi32, #tpu.memory_space<vmem>> -> memref<1x80xi32, #tpu.memory_space<vmem>>
      %dma_wait3A_940 = tpu.memref_squeeze %dma_wait3A_939 : memref<1x80xi32, #tpu.memory_space<vmem>> -> memref<80xi32, #tpu.memory_space<vmem>>
      %dma_wait3A_941 = arith.constant 0 : i32
      %dma_wait3A_942 = tpu.memref_slice %arg18[%dma_wait3A_941] : memref<100096xf32, #tpu.memory_space<vmem_shared>> -> memref<100096xf32, #tpu.memory_space<vmem_shared>>
      tpu.wait_indirect_dma semaphore(%arg21 : memref<!tpu.dma_semaphore, #tpu.memory_space<semaphore_mem>>) src(%dma_wait3A_937 : memref<80xf32, #tpu.memory_space<vmem>>) dst(%dma_wait3A_942 : memref<100096xf32, #tpu.memory_space<vmem_shared>>)
      %dma_wait3A_943 = arith.constant 0 : i32
      %dma_wait3A_944 = arith.constant 0 : i32
      %dma_wait3A_945 = arith.constant 0 : i32
      %dma_wait3A_946 = tpu.memref_slice %arg14[%dma_wait3A_943, %dma_wait3A_945] : memref<20x80xf32, #tpu.memory_space<vmem>> -> memref<1x80xf32, #tpu.memory_space<vmem>>
      %dma_wait3A_947 = tpu.memref_squeeze %dma_wait3A_946 : memref<1x80xf32, #tpu.memory_space<vmem>> -> memref<80xf32, #tpu.memory_space<vmem>>
      %dma_wait3A_948 = arith.constant 0 : i32
      %dma_wait3A_949 = tpu.memref_slice %arg16[%dma_wait3A_944, %dma_wait3A_948] : memref<20x80xi32, #tpu.memory_space<vmem>> -> memref<1x80xi32, #tpu.memory_space<vmem>>
      %dma_wait3A_950 = tpu.memref_squeeze %dma_wait3A_949 : memref<1x80xi32, #tpu.memory_space<vmem>> -> memref<80xi32, #tpu.memory_space<vmem>>
      %dma_wait3A_951 = arith.constant 0 : i32
      %dma_wait3A_952 = tpu.memref_slice %arg18[%dma_wait3A_951] : memref<100096xf32, #tpu.memory_space<vmem_shared>> -> memref<100096xf32, #tpu.memory_space<vmem_shared>>
      tpu.wait_indirect_dma semaphore(%arg21 : memref<!tpu.dma_semaphore, #tpu.memory_space<semaphore_mem>>) src(%dma_wait3A_947 : memref<80xf32, #tpu.memory_space<vmem>>) dst(%dma_wait3A_952 : memref<100096xf32, #tpu.memory_space<vmem_shared>>)
      %dma_wait3A_953 = arith.constant 0 : i32
      %dma_wait3A_954 = arith.constant 0 : i32
      %dma_wait3A_955 = arith.constant 0 : i32
      %dma_wait3A_956 = tpu.memref_slice %arg15[%dma_wait3A_953, %dma_wait3A_955] : memref<20x80xf32, #tpu.memory_space<vmem>> -> memref<1x80xf32, #tpu.memory_space<vmem>>
      %dma_wait3A_957 = tpu.memref_squeeze %dma_wait3A_956 : memref<1x80xf32, #tpu.memory_space<vmem>> -> memref<80xf32, #tpu.memory_space<vmem>>
      %dma_wait3A_958 = arith.constant 0 : i32
      %dma_wait3A_959 = tpu.memref_slice %arg17[%dma_wait3A_954, %dma_wait3A_958] : memref<20x80xi32, #tpu.memory_space<vmem>> -> memref<1x80xi32, #tpu.memory_space<vmem>>
      %dma_wait3A_960 = tpu.memref_squeeze %dma_wait3A_959 : memref<1x80xi32, #tpu.memory_space<vmem>> -> memref<80xi32, #tpu.memory_space<vmem>>
      %dma_wait3A_961 = arith.constant 0 : i32
      %dma_wait3A_962 = tpu.memref_slice %arg18[%dma_wait3A_961] : memref<100096xf32, #tpu.memory_space<vmem_shared>> -> memref<100096xf32, #tpu.memory_space<vmem_shared>>
      tpu.wait_indirect_dma semaphore(%arg21 : memref<!tpu.dma_semaphore, #tpu.memory_space<semaphore_mem>>) src(%dma_wait3A_957 : memref<80xf32, #tpu.memory_space<vmem>>) dst(%dma_wait3A_962 : memref<100096xf32, #tpu.memory_space<vmem_shared>>)
      %dma_wait3A_963 = arith.constant 0 : i32
      %dma_wait3A_964 = arith.constant 0 : i32
      %dma_wait3A_965 = arith.constant 0 : i32
      %dma_wait3A_966 = tpu.memref_slice %arg14[%dma_wait3A_963, %dma_wait3A_965] : memref<20x80xf32, #tpu.memory_space<vmem>> -> memref<1x80xf32, #tpu.memory_space<vmem>>
      %dma_wait3A_967 = tpu.memref_squeeze %dma_wait3A_966 : memref<1x80xf32, #tpu.memory_space<vmem>> -> memref<80xf32, #tpu.memory_space<vmem>>
      %dma_wait3A_968 = arith.constant 0 : i32
      %dma_wait3A_969 = tpu.memref_slice %arg16[%dma_wait3A_964, %dma_wait3A_968] : memref<20x80xi32, #tpu.memory_space<vmem>> -> memref<1x80xi32, #tpu.memory_space<vmem>>
      %dma_wait3A_970 = tpu.memref_squeeze %dma_wait3A_969 : memref<1x80xi32, #tpu.memory_space<vmem>> -> memref<80xi32, #tpu.memory_space<vmem>>
      %dma_wait3A_971 = arith.constant 0 : i32
      %dma_wait3A_972 = tpu.memref_slice %arg18[%dma_wait3A_971] : memref<100096xf32, #tpu.memory_space<vmem_shared>> -> memref<100096xf32, #tpu.memory_space<vmem_shared>>
      tpu.wait_indirect_dma semaphore(%arg21 : memref<!tpu.dma_semaphore, #tpu.memory_space<semaphore_mem>>) src(%dma_wait3A_967 : memref<80xf32, #tpu.memory_space<vmem>>) dst(%dma_wait3A_972 : memref<100096xf32, #tpu.memory_space<vmem_shared>>)
      %dma_wait3A_973 = arith.constant 0 : i32
      %dma_wait3A_974 = arith.constant 0 : i32
      %dma_wait3A_975 = arith.constant 0 : i32
      %dma_wait3A_976 = tpu.memref_slice %arg15[%dma_wait3A_973, %dma_wait3A_975] : memref<20x80xf32, #tpu.memory_space<vmem>> -> memref<1x80xf32, #tpu.memory_space<vmem>>
      %dma_wait3A_977 = tpu.memref_squeeze %dma_wait3A_976 : memref<1x80xf32, #tpu.memory_space<vmem>> -> memref<80xf32, #tpu.memory_space<vmem>>
      %dma_wait3A_978 = arith.constant 0 : i32
      %dma_wait3A_979 = tpu.memref_slice %arg17[%dma_wait3A_974, %dma_wait3A_978] : memref<20x80xi32, #tpu.memory_space<vmem>> -> memref<1x80xi32, #tpu.memory_space<vmem>>
      %dma_wait3A_980 = tpu.memref_squeeze %dma_wait3A_979 : memref<1x80xi32, #tpu.memory_space<vmem>> -> memref<80xi32, #tpu.memory_space<vmem>>
      %dma_wait3A_981 = arith.constant 0 : i32
      %dma_wait3A_982 = tpu.memref_slice %arg18[%dma_wait3A_981] : memref<100096xf32, #tpu.memory_space<vmem_shared>> -> memref<100096xf32, #tpu.memory_space<vmem_shared>>
      tpu.wait_indirect_dma semaphore(%arg21 : memref<!tpu.dma_semaphore, #tpu.memory_space<semaphore_mem>>) src(%dma_wait3A_977 : memref<80xf32, #tpu.memory_space<vmem>>) dst(%dma_wait3A_982 : memref<100096xf32, #tpu.memory_space<vmem_shared>>)
      %dma_wait3A_983 = arith.constant 0 : i32
      %dma_wait3A_984 = arith.constant 0 : i32
      %dma_wait3A_985 = arith.constant 0 : i32
      %dma_wait3A_986 = tpu.memref_slice %arg14[%dma_wait3A_983, %dma_wait3A_985] : memref<20x80xf32, #tpu.memory_space<vmem>> -> memref<1x80xf32, #tpu.memory_space<vmem>>
      %dma_wait3A_987 = tpu.memref_squeeze %dma_wait3A_986 : memref<1x80xf32, #tpu.memory_space<vmem>> -> memref<80xf32, #tpu.memory_space<vmem>>
      %dma_wait3A_988 = arith.constant 0 : i32
      %dma_wait3A_989 = tpu.memref_slice %arg16[%dma_wait3A_984, %dma_wait3A_988] : memref<20x80xi32, #tpu.memory_space<vmem>> -> memref<1x80xi32, #tpu.memory_space<vmem>>
      %dma_wait3A_990 = tpu.memref_squeeze %dma_wait3A_989 : memref<1x80xi32, #tpu.memory_space<vmem>> -> memref<80xi32, #tpu.memory_space<vmem>>
      %dma_wait3A_991 = arith.constant 0 : i32
      %dma_wait3A_992 = tpu.memref_slice %arg18[%dma_wait3A_991] : memref<100096xf32, #tpu.memory_space<vmem_shared>> -> memref<100096xf32, #tpu.memory_space<vmem_shared>>
      tpu.wait_indirect_dma semaphore(%arg21 : memref<!tpu.dma_semaphore, #tpu.memory_space<semaphore_mem>>) src(%dma_wait3A_987 : memref<80xf32, #tpu.memory_space<vmem>>) dst(%dma_wait3A_992 : memref<100096xf32, #tpu.memory_space<vmem_shared>>)
      %dma_wait3A_993 = arith.constant 0 : i32
      %dma_wait3A_994 = arith.constant 0 : i32
      %dma_wait3A_995 = arith.constant 0 : i32
      %dma_wait3A_996 = tpu.memref_slice %arg15[%dma_wait3A_993, %dma_wait3A_995] : memref<20x80xf32, #tpu.memory_space<vmem>> -> memref<1x80xf32, #tpu.memory_space<vmem>>
      %dma_wait3A_997 = tpu.memref_squeeze %dma_wait3A_996 : memref<1x80xf32, #tpu.memory_space<vmem>> -> memref<80xf32, #tpu.memory_space<vmem>>
      %dma_wait3A_998 = arith.constant 0 : i32
      %dma_wait3A_999 = tpu.memref_slice %arg17[%dma_wait3A_994, %dma_wait3A_998] : memref<20x80xi32, #tpu.memory_space<vmem>> -> memref<1x80xi32, #tpu.memory_space<vmem>>
      %dma_wait3A_1000 = tpu.memref_squeeze %dma_wait3A_999 : memref<1x80xi32, #tpu.memory_space<vmem>> -> memref<80xi32, #tpu.memory_space<vmem>>
      %dma_wait3A_1001 = arith.constant 0 : i32
      %dma_wait3A_1002 = tpu.memref_slice %arg18[%dma_wait3A_1001] : memref<100096xf32, #tpu.memory_space<vmem_shared>> -> memref<100096xf32, #tpu.memory_space<vmem_shared>>
      tpu.wait_indirect_dma semaphore(%arg21 : memref<!tpu.dma_semaphore, #tpu.memory_space<semaphore_mem>>) src(%dma_wait3A_997 : memref<80xf32, #tpu.memory_space<vmem>>) dst(%dma_wait3A_1002 : memref<100096xf32, #tpu.memory_space<vmem_shared>>)
      %dma_wait3A_1003 = arith.constant 0 : i32
      %dma_wait3A_1004 = arith.constant 0 : i32
      %dma_wait3A_1005 = arith.constant 0 : i32
      %dma_wait3A_1006 = tpu.memref_slice %arg14[%dma_wait3A_1003, %dma_wait3A_1005] : memref<20x80xf32, #tpu.memory_space<vmem>> -> memref<1x80xf32, #tpu.memory_space<vmem>>
      %dma_wait3A_1007 = tpu.memref_squeeze %dma_wait3A_1006 : memref<1x80xf32, #tpu.memory_space<vmem>> -> memref<80xf32, #tpu.memory_space<vmem>>
      %dma_wait3A_1008 = arith.constant 0 : i32
      %dma_wait3A_1009 = tpu.memref_slice %arg16[%dma_wait3A_1004, %dma_wait3A_1008] : memref<20x80xi32, #tpu.memory_space<vmem>> -> memref<1x80xi32, #tpu.memory_space<vmem>>
      %dma_wait3A_1010 = tpu.memref_squeeze %dma_wait3A_1009 : memref<1x80xi32, #tpu.memory_space<vmem>> -> memref<80xi32, #tpu.memory_space<vmem>>
      %dma_wait3A_1011 = arith.constant 0 : i32
      %dma_wait3A_1012 = tpu.memref_slice %arg18[%dma_wait3A_1011] : memref<100096xf32, #tpu.memory_space<vmem_shared>> -> memref<100096xf32, #tpu.memory_space<vmem_shared>>
      tpu.wait_indirect_dma semaphore(%arg21 : memref<!tpu.dma_semaphore, #tpu.memory_space<semaphore_mem>>) src(%dma_wait3A_1007 : memref<80xf32, #tpu.memory_space<vmem>>) dst(%dma_wait3A_1012 : memref<100096xf32, #tpu.memory_space<vmem_shared>>)
      %dma_wait3A_1013 = arith.constant 0 : i32
      %dma_wait3A_1014 = arith.constant 0 : i32
      %dma_wait3A_1015 = arith.constant 0 : i32
      %dma_wait3A_1016 = tpu.memref_slice %arg15[%dma_wait3A_1013, %dma_wait3A_1015] : memref<20x80xf32, #tpu.memory_space<vmem>> -> memref<1x80xf32, #tpu.memory_space<vmem>>
      %dma_wait3A_1017 = tpu.memref_squeeze %dma_wait3A_1016 : memref<1x80xf32, #tpu.memory_space<vmem>> -> memref<80xf32, #tpu.memory_space<vmem>>
      %dma_wait3A_1018 = arith.constant 0 : i32
      %dma_wait3A_1019 = tpu.memref_slice %arg17[%dma_wait3A_1014, %dma_wait3A_1018] : memref<20x80xi32, #tpu.memory_space<vmem>> -> memref<1x80xi32, #tpu.memory_space<vmem>>
      %dma_wait3A_1020 = tpu.memref_squeeze %dma_wait3A_1019 : memref<1x80xi32, #tpu.memory_space<vmem>> -> memref<80xi32, #tpu.memory_space<vmem>>
      %dma_wait3A_1021 = arith.constant 0 : i32
      %dma_wait3A_1022 = tpu.memref_slice %arg18[%dma_wait3A_1021] : memref<100096xf32, #tpu.memory_space<vmem_shared>> -> memref<100096xf32, #tpu.memory_space<vmem_shared>>
      tpu.wait_indirect_dma semaphore(%arg21 : memref<!tpu.dma_semaphore, #tpu.memory_space<semaphore_mem>>) src(%dma_wait3A_1017 : memref<80xf32, #tpu.memory_space<vmem>>) dst(%dma_wait3A_1022 : memref<100096xf32, #tpu.memory_space<vmem_shared>>)
      %dma_wait3A_1023 = arith.constant 0 : i32
      %dma_wait3A_1024 = arith.constant 0 : i32
      %dma_wait3A_1025 = arith.constant 0 : i32
      %dma_wait3A_1026 = tpu.memref_slice %arg14[%dma_wait3A_1023, %dma_wait3A_1025] : memref<20x80xf32, #tpu.memory_space<vmem>> -> memref<1x80xf32, #tpu.memory_space<vmem>>
      %dma_wait3A_1027 = tpu.memref_squeeze %dma_wait3A_1026 : memref<1x80xf32, #tpu.memory_space<vmem>> -> memref<80xf32, #tpu.memory_space<vmem>>
      %dma_wait3A_1028 = arith.constant 0 : i32
      %dma_wait3A_1029 = tpu.memref_slice %arg16[%dma_wait3A_1024, %dma_wait3A_1028] : memref<20x80xi32, #tpu.memory_space<vmem>> -> memref<1x80xi32, #tpu.memory_space<vmem>>
      %dma_wait3A_1030 = tpu.memref_squeeze %dma_wait3A_1029 : memref<1x80xi32, #tpu.memory_space<vmem>> -> memref<80xi32, #tpu.memory_space<vmem>>
      %dma_wait3A_1031 = arith.constant 0 : i32
      %dma_wait3A_1032 = tpu.memref_slice %arg18[%dma_wait3A_1031] : memref<100096xf32, #tpu.memory_space<vmem_shared>> -> memref<100096xf32, #tpu.memory_space<vmem_shared>>
      tpu.wait_indirect_dma semaphore(%arg21 : memref<!tpu.dma_semaphore, #tpu.memory_space<semaphore_mem>>) src(%dma_wait3A_1027 : memref<80xf32, #tpu.memory_space<vmem>>) dst(%dma_wait3A_1032 : memref<100096xf32, #tpu.memory_space<vmem_shared>>)
      %dma_wait3A_1033 = arith.constant 0 : i32
      %dma_wait3A_1034 = arith.constant 0 : i32
      %dma_wait3A_1035 = arith.constant 0 : i32
      %dma_wait3A_1036 = tpu.memref_slice %arg15[%dma_wait3A_1033, %dma_wait3A_1035] : memref<20x80xf32, #tpu.memory_space<vmem>> -> memref<1x80xf32, #tpu.memory_space<vmem>>
      %dma_wait3A_1037 = tpu.memref_squeeze %dma_wait3A_1036 : memref<1x80xf32, #tpu.memory_space<vmem>> -> memref<80xf32, #tpu.memory_space<vmem>>
      %dma_wait3A_1038 = arith.constant 0 : i32
      %dma_wait3A_1039 = tpu.memref_slice %arg17[%dma_wait3A_1034, %dma_wait3A_1038] : memref<20x80xi32, #tpu.memory_space<vmem>> -> memref<1x80xi32, #tpu.memory_space<vmem>>
      %dma_wait3A_1040 = tpu.memref_squeeze %dma_wait3A_1039 : memref<1x80xi32, #tpu.memory_space<vmem>> -> memref<80xi32, #tpu.memory_space<vmem>>
      %dma_wait3A_1041 = arith.constant 0 : i32
      %dma_wait3A_1042 = tpu.memref_slice %arg18[%dma_wait3A_1041] : memref<100096xf32, #tpu.memory_space<vmem_shared>> -> memref<100096xf32, #tpu.memory_space<vmem_shared>>
      tpu.wait_indirect_dma semaphore(%arg21 : memref<!tpu.dma_semaphore, #tpu.memory_space<semaphore_mem>>) src(%dma_wait3A_1037 : memref<80xf32, #tpu.memory_space<vmem>>) dst(%dma_wait3A_1042 : memref<100096xf32, #tpu.memory_space<vmem_shared>>)
      %dma_wait3A_1043 = arith.constant 0 : i32
      %dma_wait3A_1044 = arith.constant 0 : i32
      %dma_wait3A_1045 = arith.constant 0 : i32
      %dma_wait3A_1046 = tpu.memref_slice %arg14[%dma_wait3A_1043, %dma_wait3A_1045] : memref<20x80xf32, #tpu.memory_space<vmem>> -> memref<1x80xf32, #tpu.memory_space<vmem>>
      %dma_wait3A_1047 = tpu.memref_squeeze %dma_wait3A_1046 : memref<1x80xf32, #tpu.memory_space<vmem>> -> memref<80xf32, #tpu.memory_space<vmem>>
      %dma_wait3A_1048 = arith.constant 0 : i32
      %dma_wait3A_1049 = tpu.memref_slice %arg16[%dma_wait3A_1044, %dma_wait3A_1048] : memref<20x80xi32, #tpu.memory_space<vmem>> -> memref<1x80xi32, #tpu.memory_space<vmem>>
      %dma_wait3A_1050 = tpu.memref_squeeze %dma_wait3A_1049 : memref<1x80xi32, #tpu.memory_space<vmem>> -> memref<80xi32, #tpu.memory_space<vmem>>
      %dma_wait3A_1051 = arith.constant 0 : i32
      %dma_wait3A_1052 = tpu.memref_slice %arg18[%dma_wait3A_1051] : memref<100096xf32, #tpu.memory_space<vmem_shared>> -> memref<100096xf32, #tpu.memory_space<vmem_shared>>
      tpu.wait_indirect_dma semaphore(%arg21 : memref<!tpu.dma_semaphore, #tpu.memory_space<semaphore_mem>>) src(%dma_wait3A_1047 : memref<80xf32, #tpu.memory_space<vmem>>) dst(%dma_wait3A_1052 : memref<100096xf32, #tpu.memory_space<vmem_shared>>)
      %dma_wait3A_1053 = arith.constant 0 : i32
      %dma_wait3A_1054 = arith.constant 0 : i32
      %dma_wait3A_1055 = arith.constant 0 : i32
      %dma_wait3A_1056 = tpu.memref_slice %arg15[%dma_wait3A_1053, %dma_wait3A_1055] : memref<20x80xf32, #tpu.memory_space<vmem>> -> memref<1x80xf32, #tpu.memory_space<vmem>>
      %dma_wait3A_1057 = tpu.memref_squeeze %dma_wait3A_1056 : memref<1x80xf32, #tpu.memory_space<vmem>> -> memref<80xf32, #tpu.memory_space<vmem>>
      %dma_wait3A_1058 = arith.constant 0 : i32
      %dma_wait3A_1059 = tpu.memref_slice %arg17[%dma_wait3A_1054, %dma_wait3A_1058] : memref<20x80xi32, #tpu.memory_space<vmem>> -> memref<1x80xi32, #tpu.memory_space<vmem>>
      %dma_wait3A_1060 = tpu.memref_squeeze %dma_wait3A_1059 : memref<1x80xi32, #tpu.memory_space<vmem>> -> memref<80xi32, #tpu.memory_space<vmem>>
      %dma_wait3A_1061 = arith.constant 0 : i32
      %dma_wait3A_1062 = tpu.memref_slice %arg18[%dma_wait3A_1061] : memref<100096xf32, #tpu.memory_space<vmem_shared>> -> memref<100096xf32, #tpu.memory_space<vmem_shared>>
      tpu.wait_indirect_dma semaphore(%arg21 : memref<!tpu.dma_semaphore, #tpu.memory_space<semaphore_mem>>) src(%dma_wait3A_1057 : memref<80xf32, #tpu.memory_space<vmem>>) dst(%dma_wait3A_1062 : memref<100096xf32, #tpu.memory_space<vmem_shared>>)
      %dma_wait3A_1063 = arith.constant 0 : i32
      %dma_wait3A_1064 = arith.constant 0 : i32
      %dma_wait3A_1065 = arith.constant 0 : i32
      %dma_wait3A_1066 = tpu.memref_slice %arg14[%dma_wait3A_1063, %dma_wait3A_1065] : memref<20x80xf32, #tpu.memory_space<vmem>> -> memref<1x80xf32, #tpu.memory_space<vmem>>
      %dma_wait3A_1067 = tpu.memref_squeeze %dma_wait3A_1066 : memref<1x80xf32, #tpu.memory_space<vmem>> -> memref<80xf32, #tpu.memory_space<vmem>>
      %dma_wait3A_1068 = arith.constant 0 : i32
      %dma_wait3A_1069 = tpu.memref_slice %arg16[%dma_wait3A_1064, %dma_wait3A_1068] : memref<20x80xi32, #tpu.memory_space<vmem>> -> memref<1x80xi32, #tpu.memory_space<vmem>>
      %dma_wait3A_1070 = tpu.memref_squeeze %dma_wait3A_1069 : memref<1x80xi32, #tpu.memory_space<vmem>> -> memref<80xi32, #tpu.memory_space<vmem>>
      %dma_wait3A_1071 = arith.constant 0 : i32
      %dma_wait3A_1072 = tpu.memref_slice %arg18[%dma_wait3A_1071] : memref<100096xf32, #tpu.memory_space<vmem_shared>> -> memref<100096xf32, #tpu.memory_space<vmem_shared>>
      tpu.wait_indirect_dma semaphore(%arg21 : memref<!tpu.dma_semaphore, #tpu.memory_space<semaphore_mem>>) src(%dma_wait3A_1067 : memref<80xf32, #tpu.memory_space<vmem>>) dst(%dma_wait3A_1072 : memref<100096xf32, #tpu.memory_space<vmem_shared>>)
      %dma_wait3A_1073 = arith.constant 0 : i32
      %dma_wait3A_1074 = arith.constant 0 : i32
      %dma_wait3A_1075 = arith.constant 0 : i32
      %dma_wait3A_1076 = tpu.memref_slice %arg15[%dma_wait3A_1073, %dma_wait3A_1075] : memref<20x80xf32, #tpu.memory_space<vmem>> -> memref<1x80xf32, #tpu.memory_space<vmem>>
      %dma_wait3A_1077 = tpu.memref_squeeze %dma_wait3A_1076 : memref<1x80xf32, #tpu.memory_space<vmem>> -> memref<80xf32, #tpu.memory_space<vmem>>
      %dma_wait3A_1078 = arith.constant 0 : i32
      %dma_wait3A_1079 = tpu.memref_slice %arg17[%dma_wait3A_1074, %dma_wait3A_1078] : memref<20x80xi32, #tpu.memory_space<vmem>> -> memref<1x80xi32, #tpu.memory_space<vmem>>
      %dma_wait3A_1080 = tpu.memref_squeeze %dma_wait3A_1079 : memref<1x80xi32, #tpu.memory_space<vmem>> -> memref<80xi32, #tpu.memory_space<vmem>>
      %dma_wait3A_1081 = arith.constant 0 : i32
      %dma_wait3A_1082 = tpu.memref_slice %arg18[%dma_wait3A_1081] : memref<100096xf32, #tpu.memory_space<vmem_shared>> -> memref<100096xf32, #tpu.memory_space<vmem_shared>>
      tpu.wait_indirect_dma semaphore(%arg21 : memref<!tpu.dma_semaphore, #tpu.memory_space<semaphore_mem>>) src(%dma_wait3A_1077 : memref<80xf32, #tpu.memory_space<vmem>>) dst(%dma_wait3A_1082 : memref<100096xf32, #tpu.memory_space<vmem_shared>>)
      %dma_wait3A_1083 = arith.constant 0 : i32
      %dma_wait3A_1084 = arith.constant 0 : i32
      %dma_wait3A_1085 = arith.constant 0 : i32
      %dma_wait3A_1086 = tpu.memref_slice %arg14[%dma_wait3A_1083, %dma_wait3A_1085] : memref<20x80xf32, #tpu.memory_space<vmem>> -> memref<1x80xf32, #tpu.memory_space<vmem>>
      %dma_wait3A_1087 = tpu.memref_squeeze %dma_wait3A_1086 : memref<1x80xf32, #tpu.memory_space<vmem>> -> memref<80xf32, #tpu.memory_space<vmem>>
      %dma_wait3A_1088 = arith.constant 0 : i32
      %dma_wait3A_1089 = tpu.memref_slice %arg16[%dma_wait3A_1084, %dma_wait3A_1088] : memref<20x80xi32, #tpu.memory_space<vmem>> -> memref<1x80xi32, #tpu.memory_space<vmem>>
      %dma_wait3A_1090 = tpu.memref_squeeze %dma_wait3A_1089 : memref<1x80xi32, #tpu.memory_space<vmem>> -> memref<80xi32, #tpu.memory_space<vmem>>
      %dma_wait3A_1091 = arith.constant 0 : i32
      %dma_wait3A_1092 = tpu.memref_slice %arg18[%dma_wait3A_1091] : memref<100096xf32, #tpu.memory_space<vmem_shared>> -> memref<100096xf32, #tpu.memory_space<vmem_shared>>
      tpu.wait_indirect_dma semaphore(%arg21 : memref<!tpu.dma_semaphore, #tpu.memory_space<semaphore_mem>>) src(%dma_wait3A_1087 : memref<80xf32, #tpu.memory_space<vmem>>) dst(%dma_wait3A_1092 : memref<100096xf32, #tpu.memory_space<vmem_shared>>)
      %dma_wait3A_1093 = arith.constant 0 : i32
      %dma_wait3A_1094 = arith.constant 0 : i32
      %dma_wait3A_1095 = arith.constant 0 : i32
      %dma_wait3A_1096 = tpu.memref_slice %arg15[%dma_wait3A_1093, %dma_wait3A_1095] : memref<20x80xf32, #tpu.memory_space<vmem>> -> memref<1x80xf32, #tpu.memory_space<vmem>>
      %dma_wait3A_1097 = tpu.memref_squeeze %dma_wait3A_1096 : memref<1x80xf32, #tpu.memory_space<vmem>> -> memref<80xf32, #tpu.memory_space<vmem>>
      %dma_wait3A_1098 = arith.constant 0 : i32
      %dma_wait3A_1099 = tpu.memref_slice %arg17[%dma_wait3A_1094, %dma_wait3A_1098] : memref<20x80xi32, #tpu.memory_space<vmem>> -> memref<1x80xi32, #tpu.memory_space<vmem>>
      %dma_wait3A_1100 = tpu.memref_squeeze %dma_wait3A_1099 : memref<1x80xi32, #tpu.memory_space<vmem>> -> memref<80xi32, #tpu.memory_space<vmem>>
      %dma_wait3A_1101 = arith.constant 0 : i32
      %dma_wait3A_1102 = tpu.memref_slice %arg18[%dma_wait3A_1101] : memref<100096xf32, #tpu.memory_space<vmem_shared>> -> memref<100096xf32, #tpu.memory_space<vmem_shared>>
      tpu.wait_indirect_dma semaphore(%arg21 : memref<!tpu.dma_semaphore, #tpu.memory_space<semaphore_mem>>) src(%dma_wait3A_1097 : memref<80xf32, #tpu.memory_space<vmem>>) dst(%dma_wait3A_1102 : memref<100096xf32, #tpu.memory_space<vmem_shared>>)
      %dma_wait3A_1103 = arith.constant 0 : i32
      %dma_wait3A_1104 = arith.constant 0 : i32
      %dma_wait3A_1105 = arith.constant 0 : i32
      %dma_wait3A_1106 = tpu.memref_slice %arg14[%dma_wait3A_1103, %dma_wait3A_1105] : memref<20x80xf32, #tpu.memory_space<vmem>> -> memref<1x80xf32, #tpu.memory_space<vmem>>
      %dma_wait3A_1107 = tpu.memref_squeeze %dma_wait3A_1106 : memref<1x80xf32, #tpu.memory_space<vmem>> -> memref<80xf32, #tpu.memory_space<vmem>>
      %dma_wait3A_1108 = arith.constant 0 : i32
      %dma_wait3A_1109 = tpu.memref_slice %arg16[%dma_wait3A_1104, %dma_wait3A_1108] : memref<20x80xi32, #tpu.memory_space<vmem>> -> memref<1x80xi32, #tpu.memory_space<vmem>>
      %dma_wait3A_1110 = tpu.memref_squeeze %dma_wait3A_1109 : memref<1x80xi32, #tpu.memory_space<vmem>> -> memref<80xi32, #tpu.memory_space<vmem>>
      %dma_wait3A_1111 = arith.constant 0 : i32
      %dma_wait3A_1112 = tpu.memref_slice %arg18[%dma_wait3A_1111] : memref<100096xf32, #tpu.memory_space<vmem_shared>> -> memref<100096xf32, #tpu.memory_space<vmem_shared>>
      tpu.wait_indirect_dma semaphore(%arg21 : memref<!tpu.dma_semaphore, #tpu.memory_space<semaphore_mem>>) src(%dma_wait3A_1107 : memref<80xf32, #tpu.memory_space<vmem>>) dst(%dma_wait3A_1112 : memref<100096xf32, #tpu.memory_space<vmem_shared>>)
      %dma_wait3A_1113 = arith.constant 0 : i32
      %dma_wait3A_1114 = arith.constant 0 : i32
      %dma_wait3A_1115 = arith.constant 0 : i32
      %dma_wait3A_1116 = tpu.memref_slice %arg15[%dma_wait3A_1113, %dma_wait3A_1115] : memref<20x80xf32, #tpu.memory_space<vmem>> -> memref<1x80xf32, #tpu.memory_space<vmem>>
      %dma_wait3A_1117 = tpu.memref_squeeze %dma_wait3A_1116 : memref<1x80xf32, #tpu.memory_space<vmem>> -> memref<80xf32, #tpu.memory_space<vmem>>
      %dma_wait3A_1118 = arith.constant 0 : i32
      %dma_wait3A_1119 = tpu.memref_slice %arg17[%dma_wait3A_1114, %dma_wait3A_1118] : memref<20x80xi32, #tpu.memory_space<vmem>> -> memref<1x80xi32, #tpu.memory_space<vmem>>
      %dma_wait3A_1120 = tpu.memref_squeeze %dma_wait3A_1119 : memref<1x80xi32, #tpu.memory_space<vmem>> -> memref<80xi32, #tpu.memory_space<vmem>>
      %dma_wait3A_1121 = arith.constant 0 : i32
      %dma_wait3A_1122 = tpu.memref_slice %arg18[%dma_wait3A_1121] : memref<100096xf32, #tpu.memory_space<vmem_shared>> -> memref<100096xf32, #tpu.memory_space<vmem_shared>>
      tpu.wait_indirect_dma semaphore(%arg21 : memref<!tpu.dma_semaphore, #tpu.memory_space<semaphore_mem>>) src(%dma_wait3A_1117 : memref<80xf32, #tpu.memory_space<vmem>>) dst(%dma_wait3A_1122 : memref<100096xf32, #tpu.memory_space<vmem_shared>>)
      %dma_wait3A_1123 = arith.constant 0 : i32
      %dma_wait3A_1124 = arith.constant 0 : i32
      %dma_wait3A_1125 = arith.constant 0 : i32
      %dma_wait3A_1126 = tpu.memref_slice %arg14[%dma_wait3A_1123, %dma_wait3A_1125] : memref<20x80xf32, #tpu.memory_space<vmem>> -> memref<1x80xf32, #tpu.memory_space<vmem>>
      %dma_wait3A_1127 = tpu.memref_squeeze %dma_wait3A_1126 : memref<1x80xf32, #tpu.memory_space<vmem>> -> memref<80xf32, #tpu.memory_space<vmem>>
      %dma_wait3A_1128 = arith.constant 0 : i32
      %dma_wait3A_1129 = tpu.memref_slice %arg16[%dma_wait3A_1124, %dma_wait3A_1128] : memref<20x80xi32, #tpu.memory_space<vmem>> -> memref<1x80xi32, #tpu.memory_space<vmem>>
      %dma_wait3A_1130 = tpu.memref_squeeze %dma_wait3A_1129 : memref<1x80xi32, #tpu.memory_space<vmem>> -> memref<80xi32, #tpu.memory_space<vmem>>
      %dma_wait3A_1131 = arith.constant 0 : i32
      %dma_wait3A_1132 = tpu.memref_slice %arg18[%dma_wait3A_1131] : memref<100096xf32, #tpu.memory_space<vmem_shared>> -> memref<100096xf32, #tpu.memory_space<vmem_shared>>
      tpu.wait_indirect_dma semaphore(%arg21 : memref<!tpu.dma_semaphore, #tpu.memory_space<semaphore_mem>>) src(%dma_wait3A_1127 : memref<80xf32, #tpu.memory_space<vmem>>) dst(%dma_wait3A_1132 : memref<100096xf32, #tpu.memory_space<vmem_shared>>)
      %dma_wait3A_1133 = arith.constant 0 : i32
      %dma_wait3A_1134 = arith.constant 0 : i32
      %dma_wait3A_1135 = arith.constant 0 : i32
      %dma_wait3A_1136 = tpu.memref_slice %arg15[%dma_wait3A_1133, %dma_wait3A_1135] : memref<20x80xf32, #tpu.memory_space<vmem>> -> memref<1x80xf32, #tpu.memory_space<vmem>>
      %dma_wait3A_1137 = tpu.memref_squeeze %dma_wait3A_1136 : memref<1x80xf32, #tpu.memory_space<vmem>> -> memref<80xf32, #tpu.memory_space<vmem>>
      %dma_wait3A_1138 = arith.constant 0 : i32
      %dma_wait3A_1139 = tpu.memref_slice %arg17[%dma_wait3A_1134, %dma_wait3A_1138] : memref<20x80xi32, #tpu.memory_space<vmem>> -> memref<1x80xi32, #tpu.memory_space<vmem>>
      %dma_wait3A_1140 = tpu.memref_squeeze %dma_wait3A_1139 : memref<1x80xi32, #tpu.memory_space<vmem>> -> memref<80xi32, #tpu.memory_space<vmem>>
      %dma_wait3A_1141 = arith.constant 0 : i32
      %dma_wait3A_1142 = tpu.memref_slice %arg18[%dma_wait3A_1141] : memref<100096xf32, #tpu.memory_space<vmem_shared>> -> memref<100096xf32, #tpu.memory_space<vmem_shared>>
      tpu.wait_indirect_dma semaphore(%arg21 : memref<!tpu.dma_semaphore, #tpu.memory_space<semaphore_mem>>) src(%dma_wait3A_1137 : memref<80xf32, #tpu.memory_space<vmem>>) dst(%dma_wait3A_1142 : memref<100096xf32, #tpu.memory_space<vmem_shared>>)
      %dma_wait3A_1143 = arith.constant 0 : i32
      %dma_wait3A_1144 = arith.constant 0 : i32
      %dma_wait3A_1145 = arith.constant 0 : i32
      %dma_wait3A_1146 = tpu.memref_slice %arg14[%dma_wait3A_1143, %dma_wait3A_1145] : memref<20x80xf32, #tpu.memory_space<vmem>> -> memref<1x80xf32, #tpu.memory_space<vmem>>
      %dma_wait3A_1147 = tpu.memref_squeeze %dma_wait3A_1146 : memref<1x80xf32, #tpu.memory_space<vmem>> -> memref<80xf32, #tpu.memory_space<vmem>>
      %dma_wait3A_1148 = arith.constant 0 : i32
      %dma_wait3A_1149 = tpu.memref_slice %arg16[%dma_wait3A_1144, %dma_wait3A_1148] : memref<20x80xi32, #tpu.memory_space<vmem>> -> memref<1x80xi32, #tpu.memory_space<vmem>>
      %dma_wait3A_1150 = tpu.memref_squeeze %dma_wait3A_1149 : memref<1x80xi32, #tpu.memory_space<vmem>> -> memref<80xi32, #tpu.memory_space<vmem>>
      %dma_wait3A_1151 = arith.constant 0 : i32
      %dma_wait3A_1152 = tpu.memref_slice %arg18[%dma_wait3A_1151] : memref<100096xf32, #tpu.memory_space<vmem_shared>> -> memref<100096xf32, #tpu.memory_space<vmem_shared>>
      tpu.wait_indirect_dma semaphore(%arg21 : memref<!tpu.dma_semaphore, #tpu.memory_space<semaphore_mem>>) src(%dma_wait3A_1147 : memref<80xf32, #tpu.memory_space<vmem>>) dst(%dma_wait3A_1152 : memref<100096xf32, #tpu.memory_space<vmem_shared>>)
      %dma_wait3A_1153 = arith.constant 0 : i32
      %dma_wait3A_1154 = arith.constant 0 : i32
      %dma_wait3A_1155 = arith.constant 0 : i32
      %dma_wait3A_1156 = tpu.memref_slice %arg15[%dma_wait3A_1153, %dma_wait3A_1155] : memref<20x80xf32, #tpu.memory_space<vmem>> -> memref<1x80xf32, #tpu.memory_space<vmem>>
      %dma_wait3A_1157 = tpu.memref_squeeze %dma_wait3A_1156 : memref<1x80xf32, #tpu.memory_space<vmem>> -> memref<80xf32, #tpu.memory_space<vmem>>
      %dma_wait3A_1158 = arith.constant 0 : i32
      %dma_wait3A_1159 = tpu.memref_slice %arg17[%dma_wait3A_1154, %dma_wait3A_1158] : memref<20x80xi32, #tpu.memory_space<vmem>> -> memref<1x80xi32, #tpu.memory_space<vmem>>
      %dma_wait3A_1160 = tpu.memref_squeeze %dma_wait3A_1159 : memref<1x80xi32, #tpu.memory_space<vmem>> -> memref<80xi32, #tpu.memory_space<vmem>>
      %dma_wait3A_1161 = arith.constant 0 : i32
      %dma_wait3A_1162 = tpu.memref_slice %arg18[%dma_wait3A_1161] : memref<100096xf32, #tpu.memory_space<vmem_shared>> -> memref<100096xf32, #tpu.memory_space<vmem_shared>>
      tpu.wait_indirect_dma semaphore(%arg21 : memref<!tpu.dma_semaphore, #tpu.memory_space<semaphore_mem>>) src(%dma_wait3A_1157 : memref<80xf32, #tpu.memory_space<vmem>>) dst(%dma_wait3A_1162 : memref<100096xf32, #tpu.memory_space<vmem_shared>>)
      %dma_wait3A_1163 = arith.constant 0 : i32
      %dma_wait3A_1164 = arith.constant 0 : i32
      %dma_wait3A_1165 = arith.constant 0 : i32
      %dma_wait3A_1166 = tpu.memref_slice %arg14[%dma_wait3A_1163, %dma_wait3A_1165] : memref<20x80xf32, #tpu.memory_space<vmem>> -> memref<1x80xf32, #tpu.memory_space<vmem>>
      %dma_wait3A_1167 = tpu.memref_squeeze %dma_wait3A_1166 : memref<1x80xf32, #tpu.memory_space<vmem>> -> memref<80xf32, #tpu.memory_space<vmem>>
      %dma_wait3A_1168 = arith.constant 0 : i32
      %dma_wait3A_1169 = tpu.memref_slice %arg16[%dma_wait3A_1164, %dma_wait3A_1168] : memref<20x80xi32, #tpu.memory_space<vmem>> -> memref<1x80xi32, #tpu.memory_space<vmem>>
      %dma_wait3A_1170 = tpu.memref_squeeze %dma_wait3A_1169 : memref<1x80xi32, #tpu.memory_space<vmem>> -> memref<80xi32, #tpu.memory_space<vmem>>
      %dma_wait3A_1171 = arith.constant 0 : i32
      %dma_wait3A_1172 = tpu.memref_slice %arg18[%dma_wait3A_1171] : memref<100096xf32, #tpu.memory_space<vmem_shared>> -> memref<100096xf32, #tpu.memory_space<vmem_shared>>
      tpu.wait_indirect_dma semaphore(%arg21 : memref<!tpu.dma_semaphore, #tpu.memory_space<semaphore_mem>>) src(%dma_wait3A_1167 : memref<80xf32, #tpu.memory_space<vmem>>) dst(%dma_wait3A_1172 : memref<100096xf32, #tpu.memory_space<vmem_shared>>)
      %dma_wait3A_1173 = arith.constant 0 : i32
      %dma_wait3A_1174 = arith.constant 0 : i32
      %dma_wait3A_1175 = arith.constant 0 : i32
      %dma_wait3A_1176 = tpu.memref_slice %arg15[%dma_wait3A_1173, %dma_wait3A_1175] : memref<20x80xf32, #tpu.memory_space<vmem>> -> memref<1x80xf32, #tpu.memory_space<vmem>>
      %dma_wait3A_1177 = tpu.memref_squeeze %dma_wait3A_1176 : memref<1x80xf32, #tpu.memory_space<vmem>> -> memref<80xf32, #tpu.memory_space<vmem>>
      %dma_wait3A_1178 = arith.constant 0 : i32
      %dma_wait3A_1179 = tpu.memref_slice %arg17[%dma_wait3A_1174, %dma_wait3A_1178] : memref<20x80xi32, #tpu.memory_space<vmem>> -> memref<1x80xi32, #tpu.memory_space<vmem>>
      %dma_wait3A_1180 = tpu.memref_squeeze %dma_wait3A_1179 : memref<1x80xi32, #tpu.memory_space<vmem>> -> memref<80xi32, #tpu.memory_space<vmem>>
      %dma_wait3A_1181 = arith.constant 0 : i32
      %dma_wait3A_1182 = tpu.memref_slice %arg18[%dma_wait3A_1181] : memref<100096xf32, #tpu.memory_space<vmem_shared>> -> memref<100096xf32, #tpu.memory_space<vmem_shared>>
      tpu.wait_indirect_dma semaphore(%arg21 : memref<!tpu.dma_semaphore, #tpu.memory_space<semaphore_mem>>) src(%dma_wait3A_1177 : memref<80xf32, #tpu.memory_space<vmem>>) dst(%dma_wait3A_1182 : memref<100096xf32, #tpu.memory_space<vmem_shared>>)
      %dma_wait3A_1183 = arith.constant 0 : i32
      %dma_wait3A_1184 = arith.constant 0 : i32
      %dma_wait3A_1185 = arith.constant 0 : i32
      %dma_wait3A_1186 = tpu.memref_slice %arg14[%dma_wait3A_1183, %dma_wait3A_1185] : memref<20x80xf32, #tpu.memory_space<vmem>> -> memref<1x80xf32, #tpu.memory_space<vmem>>
      %dma_wait3A_1187 = tpu.memref_squeeze %dma_wait3A_1186 : memref<1x80xf32, #tpu.memory_space<vmem>> -> memref<80xf32, #tpu.memory_space<vmem>>
      %dma_wait3A_1188 = arith.constant 0 : i32
      %dma_wait3A_1189 = tpu.memref_slice %arg16[%dma_wait3A_1184, %dma_wait3A_1188] : memref<20x80xi32, #tpu.memory_space<vmem>> -> memref<1x80xi32, #tpu.memory_space<vmem>>
      %dma_wait3A_1190 = tpu.memref_squeeze %dma_wait3A_1189 : memref<1x80xi32, #tpu.memory_space<vmem>> -> memref<80xi32, #tpu.memory_space<vmem>>
      %dma_wait3A_1191 = arith.constant 0 : i32
      %dma_wait3A_1192 = tpu.memref_slice %arg18[%dma_wait3A_1191] : memref<100096xf32, #tpu.memory_space<vmem_shared>> -> memref<100096xf32, #tpu.memory_space<vmem_shared>>
      tpu.wait_indirect_dma semaphore(%arg21 : memref<!tpu.dma_semaphore, #tpu.memory_space<semaphore_mem>>) src(%dma_wait3A_1187 : memref<80xf32, #tpu.memory_space<vmem>>) dst(%dma_wait3A_1192 : memref<100096xf32, #tpu.memory_space<vmem_shared>>)
      %dma_wait3A_1193 = arith.constant 0 : i32
      %dma_wait3A_1194 = arith.constant 0 : i32
      %dma_wait3A_1195 = arith.constant 0 : i32
      %dma_wait3A_1196 = tpu.memref_slice %arg15[%dma_wait3A_1193, %dma_wait3A_1195] : memref<20x80xf32, #tpu.memory_space<vmem>> -> memref<1x80xf32, #tpu.memory_space<vmem>>
      %dma_wait3A_1197 = tpu.memref_squeeze %dma_wait3A_1196 : memref<1x80xf32, #tpu.memory_space<vmem>> -> memref<80xf32, #tpu.memory_space<vmem>>
      %dma_wait3A_1198 = arith.constant 0 : i32
      %dma_wait3A_1199 = tpu.memref_slice %arg17[%dma_wait3A_1194, %dma_wait3A_1198] : memref<20x80xi32, #tpu.memory_space<vmem>> -> memref<1x80xi32, #tpu.memory_space<vmem>>
      %dma_wait3A_1200 = tpu.memref_squeeze %dma_wait3A_1199 : memref<1x80xi32, #tpu.memory_space<vmem>> -> memref<80xi32, #tpu.memory_space<vmem>>
      %dma_wait3A_1201 = arith.constant 0 : i32
      %dma_wait3A_1202 = tpu.memref_slice %arg18[%dma_wait3A_1201] : memref<100096xf32, #tpu.memory_space<vmem_shared>> -> memref<100096xf32, #tpu.memory_space<vmem_shared>>
      tpu.wait_indirect_dma semaphore(%arg21 : memref<!tpu.dma_semaphore, #tpu.memory_space<semaphore_mem>>) src(%dma_wait3A_1197 : memref<80xf32, #tpu.memory_space<vmem>>) dst(%dma_wait3A_1202 : memref<100096xf32, #tpu.memory_space<vmem_shared>>)
      %dma_wait3A_1203 = arith.constant 0 : i32
      %dma_wait3A_1204 = arith.constant 0 : i32
      %dma_wait3A_1205 = arith.constant 0 : i32
      %dma_wait3A_1206 = tpu.memref_slice %arg14[%dma_wait3A_1203, %dma_wait3A_1205] : memref<20x80xf32, #tpu.memory_space<vmem>> -> memref<1x80xf32, #tpu.memory_space<vmem>>
      %dma_wait3A_1207 = tpu.memref_squeeze %dma_wait3A_1206 : memref<1x80xf32, #tpu.memory_space<vmem>> -> memref<80xf32, #tpu.memory_space<vmem>>
      %dma_wait3A_1208 = arith.constant 0 : i32
      %dma_wait3A_1209 = tpu.memref_slice %arg16[%dma_wait3A_1204, %dma_wait3A_1208] : memref<20x80xi32, #tpu.memory_space<vmem>> -> memref<1x80xi32, #tpu.memory_space<vmem>>
      %dma_wait3A_1210 = tpu.memref_squeeze %dma_wait3A_1209 : memref<1x80xi32, #tpu.memory_space<vmem>> -> memref<80xi32, #tpu.memory_space<vmem>>
      %dma_wait3A_1211 = arith.constant 0 : i32
      %dma_wait3A_1212 = tpu.memref_slice %arg18[%dma_wait3A_1211] : memref<100096xf32, #tpu.memory_space<vmem_shared>> -> memref<100096xf32, #tpu.memory_space<vmem_shared>>
      tpu.wait_indirect_dma semaphore(%arg21 : memref<!tpu.dma_semaphore, #tpu.memory_space<semaphore_mem>>) src(%dma_wait3A_1207 : memref<80xf32, #tpu.memory_space<vmem>>) dst(%dma_wait3A_1212 : memref<100096xf32, #tpu.memory_space<vmem_shared>>)
      %dma_wait3A_1213 = arith.constant 0 : i32
      %dma_wait3A_1214 = arith.constant 0 : i32
      %dma_wait3A_1215 = arith.constant 0 : i32
      %dma_wait3A_1216 = tpu.memref_slice %arg15[%dma_wait3A_1213, %dma_wait3A_1215] : memref<20x80xf32, #tpu.memory_space<vmem>> -> memref<1x80xf32, #tpu.memory_space<vmem>>
      %dma_wait3A_1217 = tpu.memref_squeeze %dma_wait3A_1216 : memref<1x80xf32, #tpu.memory_space<vmem>> -> memref<80xf32, #tpu.memory_space<vmem>>
      %dma_wait3A_1218 = arith.constant 0 : i32
      %dma_wait3A_1219 = tpu.memref_slice %arg17[%dma_wait3A_1214, %dma_wait3A_1218] : memref<20x80xi32, #tpu.memory_space<vmem>> -> memref<1x80xi32, #tpu.memory_space<vmem>>
      %dma_wait3A_1220 = tpu.memref_squeeze %dma_wait3A_1219 : memref<1x80xi32, #tpu.memory_space<vmem>> -> memref<80xi32, #tpu.memory_space<vmem>>
      %dma_wait3A_1221 = arith.constant 0 : i32
      %dma_wait3A_1222 = tpu.memref_slice %arg18[%dma_wait3A_1221] : memref<100096xf32, #tpu.memory_space<vmem_shared>> -> memref<100096xf32, #tpu.memory_space<vmem_shared>>
      tpu.wait_indirect_dma semaphore(%arg21 : memref<!tpu.dma_semaphore, #tpu.memory_space<semaphore_mem>>) src(%dma_wait3A_1217 : memref<80xf32, #tpu.memory_space<vmem>>) dst(%dma_wait3A_1222 : memref<100096xf32, #tpu.memory_space<vmem_shared>>)
      %dma_wait3A_1223 = arith.constant 0 : i32
      %dma_wait3A_1224 = arith.constant 0 : i32
      %dma_wait3A_1225 = arith.constant 0 : i32
      %dma_wait3A_1226 = tpu.memref_slice %arg14[%dma_wait3A_1223, %dma_wait3A_1225] : memref<20x80xf32, #tpu.memory_space<vmem>> -> memref<1x80xf32, #tpu.memory_space<vmem>>
      %dma_wait3A_1227 = tpu.memref_squeeze %dma_wait3A_1226 : memref<1x80xf32, #tpu.memory_space<vmem>> -> memref<80xf32, #tpu.memory_space<vmem>>
      %dma_wait3A_1228 = arith.constant 0 : i32
      %dma_wait3A_1229 = tpu.memref_slice %arg16[%dma_wait3A_1224, %dma_wait3A_1228] : memref<20x80xi32, #tpu.memory_space<vmem>> -> memref<1x80xi32, #tpu.memory_space<vmem>>
      %dma_wait3A_1230 = tpu.memref_squeeze %dma_wait3A_1229 : memref<1x80xi32, #tpu.memory_space<vmem>> -> memref<80xi32, #tpu.memory_space<vmem>>
      %dma_wait3A_1231 = arith.constant 0 : i32
      %dma_wait3A_1232 = tpu.memref_slice %arg18[%dma_wait3A_1231] : memref<100096xf32, #tpu.memory_space<vmem_shared>> -> memref<100096xf32, #tpu.memory_space<vmem_shared>>
      tpu.wait_indirect_dma semaphore(%arg21 : memref<!tpu.dma_semaphore, #tpu.memory_space<semaphore_mem>>) src(%dma_wait3A_1227 : memref<80xf32, #tpu.memory_space<vmem>>) dst(%dma_wait3A_1232 : memref<100096xf32, #tpu.memory_space<vmem_shared>>)
      %dma_wait3A_1233 = arith.constant 0 : i32
      %dma_wait3A_1234 = arith.constant 0 : i32
      %dma_wait3A_1235 = arith.constant 0 : i32
      %dma_wait3A_1236 = tpu.memref_slice %arg15[%dma_wait3A_1233, %dma_wait3A_1235] : memref<20x80xf32, #tpu.memory_space<vmem>> -> memref<1x80xf32, #tpu.memory_space<vmem>>
      %dma_wait3A_1237 = tpu.memref_squeeze %dma_wait3A_1236 : memref<1x80xf32, #tpu.memory_space<vmem>> -> memref<80xf32, #tpu.memory_space<vmem>>
      %dma_wait3A_1238 = arith.constant 0 : i32
      %dma_wait3A_1239 = tpu.memref_slice %arg17[%dma_wait3A_1234, %dma_wait3A_1238] : memref<20x80xi32, #tpu.memory_space<vmem>> -> memref<1x80xi32, #tpu.memory_space<vmem>>
      %dma_wait3A_1240 = tpu.memref_squeeze %dma_wait3A_1239 : memref<1x80xi32, #tpu.memory_space<vmem>> -> memref<80xi32, #tpu.memory_space<vmem>>
      %dma_wait3A_1241 = arith.constant 0 : i32
      %dma_wait3A_1242 = tpu.memref_slice %arg18[%dma_wait3A_1241] : memref<100096xf32, #tpu.memory_space<vmem_shared>> -> memref<100096xf32, #tpu.memory_space<vmem_shared>>
      tpu.wait_indirect_dma semaphore(%arg21 : memref<!tpu.dma_semaphore, #tpu.memory_space<semaphore_mem>>) src(%dma_wait3A_1237 : memref<80xf32, #tpu.memory_space<vmem>>) dst(%dma_wait3A_1242 : memref<100096xf32, #tpu.memory_space<vmem_shared>>)
      %dma_wait3A_1243 = arith.constant 0 : i32
      %dma_wait3A_1244 = arith.constant 0 : i32
      %dma_wait3A_1245 = arith.constant 0 : i32
      %dma_wait3A_1246 = tpu.memref_slice %arg14[%dma_wait3A_1243, %dma_wait3A_1245] : memref<20x80xf32, #tpu.memory_space<vmem>> -> memref<1x80xf32, #tpu.memory_space<vmem>>
      %dma_wait3A_1247 = tpu.memref_squeeze %dma_wait3A_1246 : memref<1x80xf32, #tpu.memory_space<vmem>> -> memref<80xf32, #tpu.memory_space<vmem>>
      %dma_wait3A_1248 = arith.constant 0 : i32
      %dma_wait3A_1249 = tpu.memref_slice %arg16[%dma_wait3A_1244, %dma_wait3A_1248] : memref<20x80xi32, #tpu.memory_space<vmem>> -> memref<1x80xi32, #tpu.memory_space<vmem>>
      %dma_wait3A_1250 = tpu.memref_squeeze %dma_wait3A_1249 : memref<1x80xi32, #tpu.memory_space<vmem>> -> memref<80xi32, #tpu.memory_space<vmem>>
      %dma_wait3A_1251 = arith.constant 0 : i32
      %dma_wait3A_1252 = tpu.memref_slice %arg18[%dma_wait3A_1251] : memref<100096xf32, #tpu.memory_space<vmem_shared>> -> memref<100096xf32, #tpu.memory_space<vmem_shared>>
      tpu.wait_indirect_dma semaphore(%arg21 : memref<!tpu.dma_semaphore, #tpu.memory_space<semaphore_mem>>) src(%dma_wait3A_1247 : memref<80xf32, #tpu.memory_space<vmem>>) dst(%dma_wait3A_1252 : memref<100096xf32, #tpu.memory_space<vmem_shared>>)
      %dma_wait3A_1253 = arith.constant 0 : i32
      %dma_wait3A_1254 = arith.constant 0 : i32
      %dma_wait3A_1255 = arith.constant 0 : i32
      %dma_wait3A_1256 = tpu.memref_slice %arg15[%dma_wait3A_1253, %dma_wait3A_1255] : memref<20x80xf32, #tpu.memory_space<vmem>> -> memref<1x80xf32, #tpu.memory_space<vmem>>
      %dma_wait3A_1257 = tpu.memref_squeeze %dma_wait3A_1256 : memref<1x80xf32, #tpu.memory_space<vmem>> -> memref<80xf32, #tpu.memory_space<vmem>>
      %dma_wait3A_1258 = arith.constant 0 : i32
      %dma_wait3A_1259 = tpu.memref_slice %arg17[%dma_wait3A_1254, %dma_wait3A_1258] : memref<20x80xi32, #tpu.memory_space<vmem>> -> memref<1x80xi32, #tpu.memory_space<vmem>>
      %dma_wait3A_1260 = tpu.memref_squeeze %dma_wait3A_1259 : memref<1x80xi32, #tpu.memory_space<vmem>> -> memref<80xi32, #tpu.memory_space<vmem>>
      %dma_wait3A_1261 = arith.constant 0 : i32
      %dma_wait3A_1262 = tpu.memref_slice %arg18[%dma_wait3A_1261] : memref<100096xf32, #tpu.memory_space<vmem_shared>> -> memref<100096xf32, #tpu.memory_space<vmem_shared>>
      tpu.wait_indirect_dma semaphore(%arg21 : memref<!tpu.dma_semaphore, #tpu.memory_space<semaphore_mem>>) src(%dma_wait3A_1257 : memref<80xf32, #tpu.memory_space<vmem>>) dst(%dma_wait3A_1262 : memref<100096xf32, #tpu.memory_space<vmem_shared>>)
      %dma_wait3A_1263 = arith.constant 0 : i32
      %dma_wait3A_1264 = arith.constant 0 : i32
      %dma_wait3A_1265 = arith.constant 0 : i32
      %dma_wait3A_1266 = tpu.memref_slice %arg14[%dma_wait3A_1263, %dma_wait3A_1265] : memref<20x80xf32, #tpu.memory_space<vmem>> -> memref<1x80xf32, #tpu.memory_space<vmem>>
      %dma_wait3A_1267 = tpu.memref_squeeze %dma_wait3A_1266 : memref<1x80xf32, #tpu.memory_space<vmem>> -> memref<80xf32, #tpu.memory_space<vmem>>
      %dma_wait3A_1268 = arith.constant 0 : i32
      %dma_wait3A_1269 = tpu.memref_slice %arg16[%dma_wait3A_1264, %dma_wait3A_1268] : memref<20x80xi32, #tpu.memory_space<vmem>> -> memref<1x80xi32, #tpu.memory_space<vmem>>
      %dma_wait3A_1270 = tpu.memref_squeeze %dma_wait3A_1269 : memref<1x80xi32, #tpu.memory_space<vmem>> -> memref<80xi32, #tpu.memory_space<vmem>>
      %dma_wait3A_1271 = arith.constant 0 : i32
      %dma_wait3A_1272 = tpu.memref_slice %arg18[%dma_wait3A_1271] : memref<100096xf32, #tpu.memory_space<vmem_shared>> -> memref<100096xf32, #tpu.memory_space<vmem_shared>>
      tpu.wait_indirect_dma semaphore(%arg21 : memref<!tpu.dma_semaphore, #tpu.memory_space<semaphore_mem>>) src(%dma_wait3A_1267 : memref<80xf32, #tpu.memory_space<vmem>>) dst(%dma_wait3A_1272 : memref<100096xf32, #tpu.memory_space<vmem_shared>>)
      %dma_wait3A_1273 = arith.constant 0 : i32
      %dma_wait3A_1274 = arith.constant 0 : i32
      %dma_wait3A_1275 = arith.constant 0 : i32
      %dma_wait3A_1276 = tpu.memref_slice %arg15[%dma_wait3A_1273, %dma_wait3A_1275] : memref<20x80xf32, #tpu.memory_space<vmem>> -> memref<1x80xf32, #tpu.memory_space<vmem>>
      %dma_wait3A_1277 = tpu.memref_squeeze %dma_wait3A_1276 : memref<1x80xf32, #tpu.memory_space<vmem>> -> memref<80xf32, #tpu.memory_space<vmem>>
      %dma_wait3A_1278 = arith.constant 0 : i32
      %dma_wait3A_1279 = tpu.memref_slice %arg17[%dma_wait3A_1274, %dma_wait3A_1278] : memref<20x80xi32, #tpu.memory_space<vmem>> -> memref<1x80xi32, #tpu.memory_space<vmem>>
      %dma_wait3A_1280 = tpu.memref_squeeze %dma_wait3A_1279 : memref<1x80xi32, #tpu.memory_space<vmem>> -> memref<80xi32, #tpu.memory_space<vmem>>
      %dma_wait3A_1281 = arith.constant 0 : i32
      %dma_wait3A_1282 = tpu.memref_slice %arg18[%dma_wait3A_1281] : memref<100096xf32, #tpu.memory_space<vmem_shared>> -> memref<100096xf32, #tpu.memory_space<vmem_shared>>
      tpu.wait_indirect_dma semaphore(%arg21 : memref<!tpu.dma_semaphore, #tpu.memory_space<semaphore_mem>>) src(%dma_wait3A_1277 : memref<80xf32, #tpu.memory_space<vmem>>) dst(%dma_wait3A_1282 : memref<100096xf32, #tpu.memory_space<vmem_shared>>)
      %dma_wait3A_1283 = arith.constant 0 : i32
      %dma_wait3A_1284 = arith.constant 0 : i32
      %dma_wait3A_1285 = arith.constant 0 : i32
      %dma_wait3A_1286 = tpu.memref_slice %arg14[%dma_wait3A_1283, %dma_wait3A_1285] : memref<20x80xf32, #tpu.memory_space<vmem>> -> memref<1x80xf32, #tpu.memory_space<vmem>>
      %dma_wait3A_1287 = tpu.memref_squeeze %dma_wait3A_1286 : memref<1x80xf32, #tpu.memory_space<vmem>> -> memref<80xf32, #tpu.memory_space<vmem>>
      %dma_wait3A_1288 = arith.constant 0 : i32
      %dma_wait3A_1289 = tpu.memref_slice %arg16[%dma_wait3A_1284, %dma_wait3A_1288] : memref<20x80xi32, #tpu.memory_space<vmem>> -> memref<1x80xi32, #tpu.memory_space<vmem>>
      %dma_wait3A_1290 = tpu.memref_squeeze %dma_wait3A_1289 : memref<1x80xi32, #tpu.memory_space<vmem>> -> memref<80xi32, #tpu.memory_space<vmem>>
      %dma_wait3A_1291 = arith.constant 0 : i32
      %dma_wait3A_1292 = tpu.memref_slice %arg18[%dma_wait3A_1291] : memref<100096xf32, #tpu.memory_space<vmem_shared>> -> memref<100096xf32, #tpu.memory_space<vmem_shared>>
      tpu.wait_indirect_dma semaphore(%arg21 : memref<!tpu.dma_semaphore, #tpu.memory_space<semaphore_mem>>) src(%dma_wait3A_1287 : memref<80xf32, #tpu.memory_space<vmem>>) dst(%dma_wait3A_1292 : memref<100096xf32, #tpu.memory_space<vmem_shared>>)
      %dma_wait3A_1293 = arith.constant 0 : i32
      %dma_wait3A_1294 = arith.constant 0 : i32
      %dma_wait3A_1295 = arith.constant 0 : i32
      %dma_wait3A_1296 = tpu.memref_slice %arg15[%dma_wait3A_1293, %dma_wait3A_1295] : memref<20x80xf32, #tpu.memory_space<vmem>> -> memref<1x80xf32, #tpu.memory_space<vmem>>
      %dma_wait3A_1297 = tpu.memref_squeeze %dma_wait3A_1296 : memref<1x80xf32, #tpu.memory_space<vmem>> -> memref<80xf32, #tpu.memory_space<vmem>>
      %dma_wait3A_1298 = arith.constant 0 : i32
      %dma_wait3A_1299 = tpu.memref_slice %arg17[%dma_wait3A_1294, %dma_wait3A_1298] : memref<20x80xi32, #tpu.memory_space<vmem>> -> memref<1x80xi32, #tpu.memory_space<vmem>>
      %dma_wait3A_1300 = tpu.memref_squeeze %dma_wait3A_1299 : memref<1x80xi32, #tpu.memory_space<vmem>> -> memref<80xi32, #tpu.memory_space<vmem>>
      %dma_wait3A_1301 = arith.constant 0 : i32
      %dma_wait3A_1302 = tpu.memref_slice %arg18[%dma_wait3A_1301] : memref<100096xf32, #tpu.memory_space<vmem_shared>> -> memref<100096xf32, #tpu.memory_space<vmem_shared>>
      tpu.wait_indirect_dma semaphore(%arg21 : memref<!tpu.dma_semaphore, #tpu.memory_space<semaphore_mem>>) src(%dma_wait3A_1297 : memref<80xf32, #tpu.memory_space<vmem>>) dst(%dma_wait3A_1302 : memref<100096xf32, #tpu.memory_space<vmem_shared>>)
    }
    %scan3A_23 = arith.constant 62 : i32
    %dma_wait3A = arith.constant 0 : i32
    %dma_wait3A_24 = tpu.memref_slice %arg3[%dma_wait3A] : memref<6400000xi32, #tpu.memory_space<hbm>> -> memref<1600xi32, #tpu.memory_space<hbm>>
    %dma_wait3A_25 = arith.constant 0 : i32
    %dma_wait3A_26 = tpu.memref_slice %arg3[%dma_wait3A_25] : memref<6400000xi32, #tpu.memory_space<hbm>> -> memref<1600xi32, #tpu.memory_space<hbm>>
    tpu.wait_dma2 semaphore(%arg19 : memref<!tpu.dma_semaphore, #tpu.memory_space<semaphore_mem>>) src(%dma_wait3A_26 : memref<1600xi32, #tpu.memory_space<hbm>>) dst(%arg8 : memref<1600xi32, #tpu.memory_space<vmem>>)
    %dma_wait3A_27 = arith.constant 0 : i32
    %dma_wait3A_28 = tpu.memref_slice %arg4[%dma_wait3A_27] : memref<6400000xi32, #tpu.memory_space<hbm>> -> memref<1600xi32, #tpu.memory_space<hbm>>
    %dma_wait3A_29 = arith.constant 0 : i32
    %dma_wait3A_30 = tpu.memref_slice %arg4[%dma_wait3A_29] : memref<6400000xi32, #tpu.memory_space<hbm>> -> memref<1600xi32, #tpu.memory_space<hbm>>
    tpu.wait_dma2 semaphore(%arg19 : memref<!tpu.dma_semaphore, #tpu.memory_space<semaphore_mem>>) src(%dma_wait3A_30 : memref<1600xi32, #tpu.memory_space<hbm>>) dst(%arg9 : memref<1600xi32, #tpu.memory_space<vmem>>)
    %dma_wait3A_31 = arith.constant 0 : i32
    %dma_wait3A_32 = tpu.memref_slice %arg5[%dma_wait3A_31] : memref<6400000xf32, #tpu.memory_space<hbm>> -> memref<1600xf32, #tpu.memory_space<hbm>>
    %dma_wait3A_33 = arith.constant 0 : i32
    %dma_wait3A_34 = tpu.memref_slice %arg5[%dma_wait3A_33] : memref<6400000xf32, #tpu.memory_space<hbm>> -> memref<1600xf32, #tpu.memory_space<hbm>>
    tpu.wait_dma2 semaphore(%arg19 : memref<!tpu.dma_semaphore, #tpu.memory_space<semaphore_mem>>) src(%dma_wait3A_34 : memref<1600xf32, #tpu.memory_space<hbm>>) dst(%arg10 : memref<1600xf32, #tpu.memory_space<vmem>>)
    %scan3A_35 = arith.constant 0 : i32
    %scan3A_36 = arith.constant 0 : i32
    %scan3A_37 = arith.constant 20 : i32
    %scan3A_38 = arith.addi %scan3A_36, %scan3A_37 : i32
    %scan3A_39 = arith.constant 1 : i32
    scf.for %scan3A_449 = %scan3A_36 to %scan3A_38 step %scan3A_39  : i32 {
      %mul3A_450 = arith.constant 80 : i32
      %mul3A_451 = arith.muli %scan3A_449, %mul3A_450 : i32
      %add3A_452 = arith.constant 0 : i32
      %add3A_453 = arith.addi %mul3A_451, %add3A_452 : i32
      %get3A = arith.index_cast %add3A_453 : i32 to index
      %get3A_454 = tpu.vector_load %arg8[%get3A] {strides = array<i32>} : memref<1600xi32, #tpu.memory_space<vmem>>, vector<16xi32>,
      %get3A_455 = arith.index_cast %add3A_453 : i32 to index
      %get3A_456 = tpu.vector_load %arg9[%get3A_455] {strides = array<i32>} : memref<1600xi32, #tpu.memory_space<vmem>>, vector<16xi32>,
      %get3A_457 = arith.index_cast %add3A_453 : i32 to index
      %get3A_458 = tpu.vector_load %arg10[%get3A_457] {strides = array<i32>} : memref<1600xf32, #tpu.memory_space<vmem>>, vector<16xf32>,
      %gather3A = tpu.vector_load_idx %arg7[%get3A_454] : memref<100096xf32, #tpu.memory_space<vmem>>[vector<16xi32>], vector<16xf32>,
      %gather3A_459 = tpu.vector_load_idx %arg7[%get3A_456] : memref<100096xf32, #tpu.memory_space<vmem>>[vector<16xi32>], vector<16xf32>,
      %div3A = arith.constant 5.000000e-01 : f32
      %div3A_460 = vector.broadcast %div3A : f32 to vector<16xf32>
      %div3A_461 = arith.divf %div3A_460, %get3A_458 : vector<16xf32>
      %mul3A_462 = arith.mulf %gather3A_459, %div3A_461 : vector<16xf32>
      %swap3A = arith.index_cast %scan3A_449 : i32 to index
      %swap3A_463 = arith.constant 0 : index
      %swap3A_464 = tpu.vector_load %arg14[%swap3A, %swap3A_463] {strides = array<i32>} : memref<20x80xf32, #tpu.memory_space<vmem>>, vector<16xf32>,
      tpu.vector_store %arg14[%swap3A, %swap3A_463], %mul3A_462 {strides = array<i32>} : memref<20x80xf32, #tpu.memory_space<vmem>>, vector<16xf32>,
      %mul3A_465 = arith.mulf %gather3A, %div3A_461 : vector<16xf32>
      %swap3A_466 = arith.index_cast %scan3A_449 : i32 to index
      %swap3A_467 = arith.constant 0 : index
      %swap3A_468 = tpu.vector_load %arg15[%swap3A_466, %swap3A_467] {strides = array<i32>} : memref<20x80xf32, #tpu.memory_space<vmem>>, vector<16xf32>,
      tpu.vector_store %arg15[%swap3A_466, %swap3A_467], %mul3A_465 {strides = array<i32>} : memref<20x80xf32, #tpu.memory_space<vmem>>, vector<16xf32>,
      %swap3A_469 = arith.index_cast %scan3A_449 : i32 to index
      %swap3A_470 = arith.constant 0 : index
      %swap3A_471 = tpu.vector_load %arg16[%swap3A_469, %swap3A_470] {strides = array<i32>} : memref<20x80xi32, #tpu.memory_space<vmem>>, vector<16xi32>,
      tpu.vector_store %arg16[%swap3A_469, %swap3A_470], %get3A_454 {strides = array<i32>} : memref<20x80xi32, #tpu.memory_space<vmem>>, vector<16xi32>,
      %swap3A_472 = arith.index_cast %scan3A_449 : i32 to index
      %swap3A_473 = arith.constant 0 : index
      %swap3A_474 = tpu.vector_load %arg17[%swap3A_472, %swap3A_473] {strides = array<i32>} : memref<20x80xi32, #tpu.memory_space<vmem>>, vector<16xi32>,
      tpu.vector_store %arg17[%swap3A_472, %swap3A_473], %get3A_456 {strides = array<i32>} : memref<20x80xi32, #tpu.memory_space<vmem>>, vector<16xi32>,
      %mul3A_475 = arith.constant 80 : i32
      %mul3A_476 = arith.muli %scan3A_449, %mul3A_475 : i32
      %add3A_477 = arith.constant 16 : i32
      %add3A_478 = arith.addi %mul3A_476, %add3A_477 : i32
      %get3A_479 = arith.index_cast %add3A_478 : i32 to index
      %get3A_480 = tpu.vector_load %arg8[%get3A_479] {strides = array<i32>} : memref<1600xi32, #tpu.memory_space<vmem>>, vector<16xi32>,
      %get3A_481 = arith.index_cast %add3A_478 : i32 to index
      %get3A_482 = tpu.vector_load %arg9[%get3A_481] {strides = array<i32>} : memref<1600xi32, #tpu.memory_space<vmem>>, vector<16xi32>,
      %get3A_483 = arith.index_cast %add3A_478 : i32 to index
      %get3A_484 = tpu.vector_load %arg10[%get3A_483] {strides = array<i32>} : memref<1600xf32, #tpu.memory_space<vmem>>, vector<16xf32>,
      %gather3A_485 = tpu.vector_load_idx %arg7[%get3A_480] : memref<100096xf32, #tpu.memory_space<vmem>>[vector<16xi32>], vector<16xf32>,
      %gather3A_486 = tpu.vector_load_idx %arg7[%get3A_482] : memref<100096xf32, #tpu.memory_space<vmem>>[vector<16xi32>], vector<16xf32>,
      %div3A_487 = arith.constant 5.000000e-01 : f32
      %div3A_488 = vector.broadcast %div3A_487 : f32 to vector<16xf32>
      %div3A_489 = arith.divf %div3A_488, %get3A_484 : vector<16xf32>
      %mul3A_490 = arith.mulf %gather3A_486, %div3A_489 : vector<16xf32>
      %swap3A_491 = arith.index_cast %scan3A_449 : i32 to index
      %swap3A_492 = arith.constant 16 : index
      %swap3A_493 = tpu.vector_load %arg14[%swap3A_491, %swap3A_492] {strides = array<i32>} : memref<20x80xf32, #tpu.memory_space<vmem>>, vector<16xf32>,
      tpu.vector_store %arg14[%swap3A_491, %swap3A_492], %mul3A_490 {strides = array<i32>} : memref<20x80xf32, #tpu.memory_space<vmem>>, vector<16xf32>,
      %mul3A_494 = arith.mulf %gather3A_485, %div3A_489 : vector<16xf32>
      %swap3A_495 = arith.index_cast %scan3A_449 : i32 to index
      %swap3A_496 = arith.constant 16 : index
      %swap3A_497 = tpu.vector_load %arg15[%swap3A_495, %swap3A_496] {strides = array<i32>} : memref<20x80xf32, #tpu.memory_space<vmem>>, vector<16xf32>,
      tpu.vector_store %arg15[%swap3A_495, %swap3A_496], %mul3A_494 {strides = array<i32>} : memref<20x80xf32, #tpu.memory_space<vmem>>, vector<16xf32>,
      %swap3A_498 = arith.index_cast %scan3A_449 : i32 to index
      %swap3A_499 = arith.constant 16 : index
      %swap3A_500 = tpu.vector_load %arg16[%swap3A_498, %swap3A_499] {strides = array<i32>} : memref<20x80xi32, #tpu.memory_space<vmem>>, vector<16xi32>,
      tpu.vector_store %arg16[%swap3A_498, %swap3A_499], %get3A_480 {strides = array<i32>} : memref<20x80xi32, #tpu.memory_space<vmem>>, vector<16xi32>,
      %swap3A_501 = arith.index_cast %scan3A_449 : i32 to index
      %swap3A_502 = arith.constant 16 : index
      %swap3A_503 = tpu.vector_load %arg17[%swap3A_501, %swap3A_502] {strides = array<i32>} : memref<20x80xi32, #tpu.memory_space<vmem>>, vector<16xi32>,
      tpu.vector_store %arg17[%swap3A_501, %swap3A_502], %get3A_482 {strides = array<i32>} : memref<20x80xi32, #tpu.memory_space<vmem>>, vector<16xi32>,
      %mul3A_504 = arith.constant 80 : i32
      %mul3A_505 = arith.muli %scan3A_449, %mul3A_504 : i32
      %add3A_506 = arith.constant 32 : i32
      %add3A_507 = arith.addi %mul3A_505, %add3A_506 : i32
      %get3A_508 = arith.index_cast %add3A_507 : i32 to index
      %get3A_509 = tpu.vector_load %arg8[%get3A_508] {strides = array<i32>} : memref<1600xi32, #tpu.memory_space<vmem>>, vector<16xi32>,
      %get3A_510 = arith.index_cast %add3A_507 : i32 to index
      %get3A_511 = tpu.vector_load %arg9[%get3A_510] {strides = array<i32>} : memref<1600xi32, #tpu.memory_space<vmem>>, vector<16xi32>,
      %get3A_512 = arith.index_cast %add3A_507 : i32 to index
      %get3A_513 = tpu.vector_load %arg10[%get3A_512] {strides = array<i32>} : memref<1600xf32, #tpu.memory_space<vmem>>, vector<16xf32>,
      %gather3A_514 = tpu.vector_load_idx %arg7[%get3A_509] : memref<100096xf32, #tpu.memory_space<vmem>>[vector<16xi32>], vector<16xf32>,
      %gather3A_515 = tpu.vector_load_idx %arg7[%get3A_511] : memref<100096xf32, #tpu.memory_space<vmem>>[vector<16xi32>], vector<16xf32>,
      %div3A_516 = arith.constant 5.000000e-01 : f32
      %div3A_517 = vector.broadcast %div3A_516 : f32 to vector<16xf32>
      %div3A_518 = arith.divf %div3A_517, %get3A_513 : vector<16xf32>
      %mul3A_519 = arith.mulf %gather3A_515, %div3A_518 : vector<16xf32>
      %swap3A_520 = arith.index_cast %scan3A_449 : i32 to index
      %swap3A_521 = arith.constant 32 : index
      %swap3A_522 = tpu.vector_load %arg14[%swap3A_520, %swap3A_521] {strides = array<i32>} : memref<20x80xf32, #tpu.memory_space<vmem>>, vector<16xf32>,
      tpu.vector_store %arg14[%swap3A_520, %swap3A_521], %mul3A_519 {strides = array<i32>} : memref<20x80xf32, #tpu.memory_space<vmem>>, vector<16xf32>,
      %mul3A_523 = arith.mulf %gather3A_514, %div3A_518 : vector<16xf32>
      %swap3A_524 = arith.index_cast %scan3A_449 : i32 to index
      %swap3A_525 = arith.constant 32 : index
      %swap3A_526 = tpu.vector_load %arg15[%swap3A_524, %swap3A_525] {strides = array<i32>} : memref<20x80xf32, #tpu.memory_space<vmem>>, vector<16xf32>,
      tpu.vector_store %arg15[%swap3A_524, %swap3A_525], %mul3A_523 {strides = array<i32>} : memref<20x80xf32, #tpu.memory_space<vmem>>, vector<16xf32>,
      %swap3A_527 = arith.index_cast %scan3A_449 : i32 to index
      %swap3A_528 = arith.constant 32 : index
      %swap3A_529 = tpu.vector_load %arg16[%swap3A_527, %swap3A_528] {strides = array<i32>} : memref<20x80xi32, #tpu.memory_space<vmem>>, vector<16xi32>,
      tpu.vector_store %arg16[%swap3A_527, %swap3A_528], %get3A_509 {strides = array<i32>} : memref<20x80xi32, #tpu.memory_space<vmem>>, vector<16xi32>,
      %swap3A_530 = arith.index_cast %scan3A_449 : i32 to index
      %swap3A_531 = arith.constant 32 : index
      %swap3A_532 = tpu.vector_load %arg17[%swap3A_530, %swap3A_531] {strides = array<i32>} : memref<20x80xi32, #tpu.memory_space<vmem>>, vector<16xi32>,
      tpu.vector_store %arg17[%swap3A_530, %swap3A_531], %get3A_511 {strides = array<i32>} : memref<20x80xi32, #tpu.memory_space<vmem>>, vector<16xi32>,
      %mul3A_533 = arith.constant 80 : i32
      %mul3A_534 = arith.muli %scan3A_449, %mul3A_533 : i32
      %add3A_535 = arith.constant 48 : i32
      %add3A_536 = arith.addi %mul3A_534, %add3A_535 : i32
      %get3A_537 = arith.index_cast %add3A_536 : i32 to index
      %get3A_538 = tpu.vector_load %arg8[%get3A_537] {strides = array<i32>} : memref<1600xi32, #tpu.memory_space<vmem>>, vector<16xi32>,
      %get3A_539 = arith.index_cast %add3A_536 : i32 to index
      %get3A_540 = tpu.vector_load %arg9[%get3A_539] {strides = array<i32>} : memref<1600xi32, #tpu.memory_space<vmem>>, vector<16xi32>,
      %get3A_541 = arith.index_cast %add3A_536 : i32 to index
      %get3A_542 = tpu.vector_load %arg10[%get3A_541] {strides = array<i32>} : memref<1600xf32, #tpu.memory_space<vmem>>, vector<16xf32>,
      %gather3A_543 = tpu.vector_load_idx %arg7[%get3A_538] : memref<100096xf32, #tpu.memory_space<vmem>>[vector<16xi32>], vector<16xf32>,
      %gather3A_544 = tpu.vector_load_idx %arg7[%get3A_540] : memref<100096xf32, #tpu.memory_space<vmem>>[vector<16xi32>], vector<16xf32>,
      %div3A_545 = arith.constant 5.000000e-01 : f32
      %div3A_546 = vector.broadcast %div3A_545 : f32 to vector<16xf32>
      %div3A_547 = arith.divf %div3A_546, %get3A_542 : vector<16xf32>
      %mul3A_548 = arith.mulf %gather3A_544, %div3A_547 : vector<16xf32>
      %swap3A_549 = arith.index_cast %scan3A_449 : i32 to index
      %swap3A_550 = arith.constant 48 : index
      %swap3A_551 = tpu.vector_load %arg14[%swap3A_549, %swap3A_550] {strides = array<i32>} : memref<20x80xf32, #tpu.memory_space<vmem>>, vector<16xf32>,
      tpu.vector_store %arg14[%swap3A_549, %swap3A_550], %mul3A_548 {strides = array<i32>} : memref<20x80xf32, #tpu.memory_space<vmem>>, vector<16xf32>,
      %mul3A_552 = arith.mulf %gather3A_543, %div3A_547 : vector<16xf32>
      %swap3A_553 = arith.index_cast %scan3A_449 : i32 to index
      %swap3A_554 = arith.constant 48 : index
      %swap3A_555 = tpu.vector_load %arg15[%swap3A_553, %swap3A_554] {strides = array<i32>} : memref<20x80xf32, #tpu.memory_space<vmem>>, vector<16xf32>,
      tpu.vector_store %arg15[%swap3A_553, %swap3A_554], %mul3A_552 {strides = array<i32>} : memref<20x80xf32, #tpu.memory_space<vmem>>, vector<16xf32>,
      %swap3A_556 = arith.index_cast %scan3A_449 : i32 to index
      %swap3A_557 = arith.constant 48 : index
      %swap3A_558 = tpu.vector_load %arg16[%swap3A_556, %swap3A_557] {strides = array<i32>} : memref<20x80xi32, #tpu.memory_space<vmem>>, vector<16xi32>,
      tpu.vector_store %arg16[%swap3A_556, %swap3A_557], %get3A_538 {strides = array<i32>} : memref<20x80xi32, #tpu.memory_space<vmem>>, vector<16xi32>,
      %swap3A_559 = arith.index_cast %scan3A_449 : i32 to index
      %swap3A_560 = arith.constant 48 : index
      %swap3A_561 = tpu.vector_load %arg17[%swap3A_559, %swap3A_560] {strides = array<i32>} : memref<20x80xi32, #tpu.memory_space<vmem>>, vector<16xi32>,
      tpu.vector_store %arg17[%swap3A_559, %swap3A_560], %get3A_540 {strides = array<i32>} : memref<20x80xi32, #tpu.memory_space<vmem>>, vector<16xi32>,
      %mul3A_562 = arith.constant 80 : i32
      %mul3A_563 = arith.muli %scan3A_449, %mul3A_562 : i32
      %add3A_564 = arith.constant 64 : i32
      %add3A_565 = arith.addi %mul3A_563, %add3A_564 : i32
      %get3A_566 = arith.index_cast %add3A_565 : i32 to index
      %get3A_567 = tpu.vector_load %arg8[%get3A_566] {strides = array<i32>} : memref<1600xi32, #tpu.memory_space<vmem>>, vector<16xi32>,
      %get3A_568 = arith.index_cast %add3A_565 : i32 to index
      %get3A_569 = tpu.vector_load %arg9[%get3A_568] {strides = array<i32>} : memref<1600xi32, #tpu.memory_space<vmem>>, vector<16xi32>,
      %get3A_570 = arith.index_cast %add3A_565 : i32 to index
      %get3A_571 = tpu.vector_load %arg10[%get3A_570] {strides = array<i32>} : memref<1600xf32, #tpu.memory_space<vmem>>, vector<16xf32>,
      %gather3A_572 = tpu.vector_load_idx %arg7[%get3A_567] : memref<100096xf32, #tpu.memory_space<vmem>>[vector<16xi32>], vector<16xf32>,
      %gather3A_573 = tpu.vector_load_idx %arg7[%get3A_569] : memref<100096xf32, #tpu.memory_space<vmem>>[vector<16xi32>], vector<16xf32>,
      %div3A_574 = arith.constant 5.000000e-01 : f32
      %div3A_575 = vector.broadcast %div3A_574 : f32 to vector<16xf32>
      %div3A_576 = arith.divf %div3A_575, %get3A_571 : vector<16xf32>
      %mul3A_577 = arith.mulf %gather3A_573, %div3A_576 : vector<16xf32>
      %swap3A_578 = arith.index_cast %scan3A_449 : i32 to index
      %swap3A_579 = arith.constant 64 : index
      %swap3A_580 = tpu.vector_load %arg14[%swap3A_578, %swap3A_579] {strides = array<i32>} : memref<20x80xf32, #tpu.memory_space<vmem>>, vector<16xf32>,
      tpu.vector_store %arg14[%swap3A_578, %swap3A_579], %mul3A_577 {strides = array<i32>} : memref<20x80xf32, #tpu.memory_space<vmem>>, vector<16xf32>,
      %mul3A_581 = arith.mulf %gather3A_572, %div3A_576 : vector<16xf32>
      %swap3A_582 = arith.index_cast %scan3A_449 : i32 to index
      %swap3A_583 = arith.constant 64 : index
      %swap3A_584 = tpu.vector_load %arg15[%swap3A_582, %swap3A_583] {strides = array<i32>} : memref<20x80xf32, #tpu.memory_space<vmem>>, vector<16xf32>,
      tpu.vector_store %arg15[%swap3A_582, %swap3A_583], %mul3A_581 {strides = array<i32>} : memref<20x80xf32, #tpu.memory_space<vmem>>, vector<16xf32>,
      %swap3A_585 = arith.index_cast %scan3A_449 : i32 to index
      %swap3A_586 = arith.constant 64 : index
      %swap3A_587 = tpu.vector_load %arg16[%swap3A_585, %swap3A_586] {strides = array<i32>} : memref<20x80xi32, #tpu.memory_space<vmem>>, vector<16xi32>,
      tpu.vector_store %arg16[%swap3A_585, %swap3A_586], %get3A_567 {strides = array<i32>} : memref<20x80xi32, #tpu.memory_space<vmem>>, vector<16xi32>,
      %swap3A_588 = arith.index_cast %scan3A_449 : i32 to index
      %swap3A_589 = arith.constant 64 : index
      %swap3A_590 = tpu.vector_load %arg17[%swap3A_588, %swap3A_589] {strides = array<i32>} : memref<20x80xi32, #tpu.memory_space<vmem>>, vector<16xi32>,
      tpu.vector_store %arg17[%swap3A_588, %swap3A_589], %get3A_569 {strides = array<i32>} : memref<20x80xi32, #tpu.memory_space<vmem>>, vector<16xi32>,
      %dma_start3A_591 = arith.constant 0 : i32
      %dma_start3A_592 = tpu.memref_slice %arg14[%scan3A_449, %dma_start3A_591] : memref<20x80xf32, #tpu.memory_space<vmem>> -> memref<1x80xf32, #tpu.memory_space<vmem>>
      %dma_start3A_593 = tpu.memref_squeeze %dma_start3A_592 : memref<1x80xf32, #tpu.memory_space<vmem>> -> memref<80xf32, #tpu.memory_space<vmem>>
      %dma_start3A_594 = arith.constant 0 : i32
      %dma_start3A_595 = tpu.memref_slice %arg16[%scan3A_449, %dma_start3A_594] : memref<20x80xi32, #tpu.memory_space<vmem>> -> memref<1x80xi32, #tpu.memory_space<vmem>>
      %dma_start3A_596 = tpu.memref_squeeze %dma_start3A_595 : memref<1x80xi32, #tpu.memory_space<vmem>> -> memref<80xi32, #tpu.memory_space<vmem>>
      %dma_start3A_597 = arith.constant 0 : i32
      %dma_start3A_598 = tpu.memref_slice %arg18[%dma_start3A_597] : memref<100096xf32, #tpu.memory_space<vmem_shared>> -> memref<100096xf32, #tpu.memory_space<vmem_shared>>
      tpu.enqueue_indirect_dma source(%dma_start3A_593 : memref<80xf32, #tpu.memory_space<vmem>>) target(%dma_start3A_598 : memref<100096xf32, #tpu.memory_space<vmem_shared>>) offsets(%dma_start3A_596 : memref<80xi32, #tpu.memory_space<vmem>>) semaphore(%arg21 : memref<!tpu.dma_semaphore, #tpu.memory_space<semaphore_mem>>) {add = true}
      %dma_start3A_599 = arith.constant 0 : i32
      %dma_start3A_600 = tpu.memref_slice %arg15[%scan3A_449, %dma_start3A_599] : memref<20x80xf32, #tpu.memory_space<vmem>> -> memref<1x80xf32, #tpu.memory_space<vmem>>
      %dma_start3A_601 = tpu.memref_squeeze %dma_start3A_600 : memref<1x80xf32, #tpu.memory_space<vmem>> -> memref<80xf32, #tpu.memory_space<vmem>>
      %dma_start3A_602 = arith.constant 0 : i32
      %dma_start3A_603 = tpu.memref_slice %arg17[%scan3A_449, %dma_start3A_602] : memref<20x80xi32, #tpu.memory_space<vmem>> -> memref<1x80xi32, #tpu.memory_space<vmem>>
      %dma_start3A_604 = tpu.memref_squeeze %dma_start3A_603 : memref<1x80xi32, #tpu.memory_space<vmem>> -> memref<80xi32, #tpu.memory_space<vmem>>
      %dma_start3A_605 = arith.constant 0 : i32
      %dma_start3A_606 = tpu.memref_slice %arg18[%dma_start3A_605] : memref<100096xf32, #tpu.memory_space<vmem_shared>> -> memref<100096xf32, #tpu.memory_space<vmem_shared>>
      tpu.enqueue_indirect_dma source(%dma_start3A_601 : memref<80xf32, #tpu.memory_space<vmem>>) target(%dma_start3A_606 : memref<100096xf32, #tpu.memory_space<vmem_shared>>) offsets(%dma_start3A_604 : memref<80xi32, #tpu.memory_space<vmem>>) semaphore(%arg21 : memref<!tpu.dma_semaphore, #tpu.memory_space<semaphore_mem>>) {add = true}
    }
    %scan3A_40 = arith.constant 20 : i32
    %dma_wait3A_41 = arith.constant 0 : i32
    %dma_wait3A_42 = arith.constant 0 : i32
    %dma_wait3A_43 = arith.constant 0 : i32
    %dma_wait3A_44 = tpu.memref_slice %arg14[%dma_wait3A_41, %dma_wait3A_43] : memref<20x80xf32, #tpu.memory_space<vmem>> -> memref<1x80xf32, #tpu.memory_space<vmem>>
    %dma_wait3A_45 = tpu.memref_squeeze %dma_wait3A_44 : memref<1x80xf32, #tpu.memory_space<vmem>> -> memref<80xf32, #tpu.memory_space<vmem>>
    %dma_wait3A_46 = arith.constant 0 : i32
    %dma_wait3A_47 = tpu.memref_slice %arg16[%dma_wait3A_42, %dma_wait3A_46] : memref<20x80xi32, #tpu.memory_space<vmem>> -> memref<1x80xi32, #tpu.memory_space<vmem>>
    %dma_wait3A_48 = tpu.memref_squeeze %dma_wait3A_47 : memref<1x80xi32, #tpu.memory_space<vmem>> -> memref<80xi32, #tpu.memory_space<vmem>>
    %dma_wait3A_49 = arith.constant 0 : i32
    %dma_wait3A_50 = tpu.memref_slice %arg18[%dma_wait3A_49] : memref<100096xf32, #tpu.memory_space<vmem_shared>> -> memref<100096xf32, #tpu.memory_space<vmem_shared>>
    tpu.wait_indirect_dma semaphore(%arg21 : memref<!tpu.dma_semaphore, #tpu.memory_space<semaphore_mem>>) src(%dma_wait3A_45 : memref<80xf32, #tpu.memory_space<vmem>>) dst(%dma_wait3A_50 : memref<100096xf32, #tpu.memory_space<vmem_shared>>)
    %dma_wait3A_51 = arith.constant 0 : i32
    %dma_wait3A_52 = arith.constant 0 : i32
    %dma_wait3A_53 = arith.constant 0 : i32
    %dma_wait3A_54 = tpu.memref_slice %arg15[%dma_wait3A_51, %dma_wait3A_53] : memref<20x80xf32, #tpu.memory_space<vmem>> -> memref<1x80xf32, #tpu.memory_space<vmem>>
    %dma_wait3A_55 = tpu.memref_squeeze %dma_wait3A_54 : memref<1x80xf32, #tpu.memory_space<vmem>> -> memref<80xf32, #tpu.memory_space<vmem>>
    %dma_wait3A_56 = arith.constant 0 : i32
    %dma_wait3A_57 = tpu.memref_slice %arg17[%dma_wait3A_52, %dma_wait3A_56] : memref<20x80xi32, #tpu.memory_space<vmem>> -> memref<1x80xi32, #tpu.memory_space<vmem>>
    %dma_wait3A_58 = tpu.memref_squeeze %dma_wait3A_57 : memref<1x80xi32, #tpu.memory_space<vmem>> -> memref<80xi32, #tpu.memory_space<vmem>>
    %dma_wait3A_59 = arith.constant 0 : i32
    %dma_wait3A_60 = tpu.memref_slice %arg18[%dma_wait3A_59] : memref<100096xf32, #tpu.memory_space<vmem_shared>> -> memref<100096xf32, #tpu.memory_space<vmem_shared>>
    tpu.wait_indirect_dma semaphore(%arg21 : memref<!tpu.dma_semaphore, #tpu.memory_space<semaphore_mem>>) src(%dma_wait3A_55 : memref<80xf32, #tpu.memory_space<vmem>>) dst(%dma_wait3A_60 : memref<100096xf32, #tpu.memory_space<vmem_shared>>)
    %dma_wait3A_61 = arith.constant 0 : i32
    %dma_wait3A_62 = arith.constant 0 : i32
    %dma_wait3A_63 = arith.constant 0 : i32
    %dma_wait3A_64 = tpu.memref_slice %arg14[%dma_wait3A_61, %dma_wait3A_63] : memref<20x80xf32, #tpu.memory_space<vmem>> -> memref<1x80xf32, #tpu.memory_space<vmem>>
    %dma_wait3A_65 = tpu.memref_squeeze %dma_wait3A_64 : memref<1x80xf32, #tpu.memory_space<vmem>> -> memref<80xf32, #tpu.memory_space<vmem>>
    %dma_wait3A_66 = arith.constant 0 : i32
    %dma_wait3A_67 = tpu.memref_slice %arg16[%dma_wait3A_62, %dma_wait3A_66] : memref<20x80xi32, #tpu.memory_space<vmem>> -> memref<1x80xi32, #tpu.memory_space<vmem>>
    %dma_wait3A_68 = tpu.memref_squeeze %dma_wait3A_67 : memref<1x80xi32, #tpu.memory_space<vmem>> -> memref<80xi32, #tpu.memory_space<vmem>>
    %dma_wait3A_69 = arith.constant 0 : i32
    %dma_wait3A_70 = tpu.memref_slice %arg18[%dma_wait3A_69] : memref<100096xf32, #tpu.memory_space<vmem_shared>> -> memref<100096xf32, #tpu.memory_space<vmem_shared>>
    tpu.wait_indirect_dma semaphore(%arg21 : memref<!tpu.dma_semaphore, #tpu.memory_space<semaphore_mem>>) src(%dma_wait3A_65 : memref<80xf32, #tpu.memory_space<vmem>>) dst(%dma_wait3A_70 : memref<100096xf32, #tpu.memory_space<vmem_shared>>)
    %dma_wait3A_71 = arith.constant 0 : i32
    %dma_wait3A_72 = arith.constant 0 : i32
    %dma_wait3A_73 = arith.constant 0 : i32
    %dma_wait3A_74 = tpu.memref_slice %arg15[%dma_wait3A_71, %dma_wait3A_73] : memref<20x80xf32, #tpu.memory_space<vmem>> -> memref<1x80xf32, #tpu.memory_space<vmem>>
    %dma_wait3A_75 = tpu.memref_squeeze %dma_wait3A_74 : memref<1x80xf32, #tpu.memory_space<vmem>> -> memref<80xf32, #tpu.memory_space<vmem>>
    %dma_wait3A_76 = arith.constant 0 : i32
    %dma_wait3A_77 = tpu.memref_slice %arg17[%dma_wait3A_72, %dma_wait3A_76] : memref<20x80xi32, #tpu.memory_space<vmem>> -> memref<1x80xi32, #tpu.memory_space<vmem>>
    %dma_wait3A_78 = tpu.memref_squeeze %dma_wait3A_77 : memref<1x80xi32, #tpu.memory_space<vmem>> -> memref<80xi32, #tpu.memory_space<vmem>>
    %dma_wait3A_79 = arith.constant 0 : i32
    %dma_wait3A_80 = tpu.memref_slice %arg18[%dma_wait3A_79] : memref<100096xf32, #tpu.memory_space<vmem_shared>> -> memref<100096xf32, #tpu.memory_space<vmem_shared>>
    tpu.wait_indirect_dma semaphore(%arg21 : memref<!tpu.dma_semaphore, #tpu.memory_space<semaphore_mem>>) src(%dma_wait3A_75 : memref<80xf32, #tpu.memory_space<vmem>>) dst(%dma_wait3A_80 : memref<100096xf32, #tpu.memory_space<vmem_shared>>)
    %dma_wait3A_81 = arith.constant 0 : i32
    %dma_wait3A_82 = arith.constant 0 : i32
    %dma_wait3A_83 = arith.constant 0 : i32
    %dma_wait3A_84 = tpu.memref_slice %arg14[%dma_wait3A_81, %dma_wait3A_83] : memref<20x80xf32, #tpu.memory_space<vmem>> -> memref<1x80xf32, #tpu.memory_space<vmem>>
    %dma_wait3A_85 = tpu.memref_squeeze %dma_wait3A_84 : memref<1x80xf32, #tpu.memory_space<vmem>> -> memref<80xf32, #tpu.memory_space<vmem>>
    %dma_wait3A_86 = arith.constant 0 : i32
    %dma_wait3A_87 = tpu.memref_slice %arg16[%dma_wait3A_82, %dma_wait3A_86] : memref<20x80xi32, #tpu.memory_space<vmem>> -> memref<1x80xi32, #tpu.memory_space<vmem>>
    %dma_wait3A_88 = tpu.memref_squeeze %dma_wait3A_87 : memref<1x80xi32, #tpu.memory_space<vmem>> -> memref<80xi32, #tpu.memory_space<vmem>>
    %dma_wait3A_89 = arith.constant 0 : i32
    %dma_wait3A_90 = tpu.memref_slice %arg18[%dma_wait3A_89] : memref<100096xf32, #tpu.memory_space<vmem_shared>> -> memref<100096xf32, #tpu.memory_space<vmem_shared>>
    tpu.wait_indirect_dma semaphore(%arg21 : memref<!tpu.dma_semaphore, #tpu.memory_space<semaphore_mem>>) src(%dma_wait3A_85 : memref<80xf32, #tpu.memory_space<vmem>>) dst(%dma_wait3A_90 : memref<100096xf32, #tpu.memory_space<vmem_shared>>)
    %dma_wait3A_91 = arith.constant 0 : i32
    %dma_wait3A_92 = arith.constant 0 : i32
    %dma_wait3A_93 = arith.constant 0 : i32
    %dma_wait3A_94 = tpu.memref_slice %arg15[%dma_wait3A_91, %dma_wait3A_93] : memref<20x80xf32, #tpu.memory_space<vmem>> -> memref<1x80xf32, #tpu.memory_space<vmem>>
    %dma_wait3A_95 = tpu.memref_squeeze %dma_wait3A_94 : memref<1x80xf32, #tpu.memory_space<vmem>> -> memref<80xf32, #tpu.memory_space<vmem>>
    %dma_wait3A_96 = arith.constant 0 : i32
    %dma_wait3A_97 = tpu.memref_slice %arg17[%dma_wait3A_92, %dma_wait3A_96] : memref<20x80xi32, #tpu.memory_space<vmem>> -> memref<1x80xi32, #tpu.memory_space<vmem>>
    %dma_wait3A_98 = tpu.memref_squeeze %dma_wait3A_97 : memref<1x80xi32, #tpu.memory_space<vmem>> -> memref<80xi32, #tpu.memory_space<vmem>>
    %dma_wait3A_99 = arith.constant 0 : i32
    %dma_wait3A_100 = tpu.memref_slice %arg18[%dma_wait3A_99] : memref<100096xf32, #tpu.memory_space<vmem_shared>> -> memref<100096xf32, #tpu.memory_space<vmem_shared>>
    tpu.wait_indirect_dma semaphore(%arg21 : memref<!tpu.dma_semaphore, #tpu.memory_space<semaphore_mem>>) src(%dma_wait3A_95 : memref<80xf32, #tpu.memory_space<vmem>>) dst(%dma_wait3A_100 : memref<100096xf32, #tpu.memory_space<vmem_shared>>)
    %dma_wait3A_101 = arith.constant 0 : i32
    %dma_wait3A_102 = arith.constant 0 : i32
    %dma_wait3A_103 = arith.constant 0 : i32
    %dma_wait3A_104 = tpu.memref_slice %arg14[%dma_wait3A_101, %dma_wait3A_103] : memref<20x80xf32, #tpu.memory_space<vmem>> -> memref<1x80xf32, #tpu.memory_space<vmem>>
    %dma_wait3A_105 = tpu.memref_squeeze %dma_wait3A_104 : memref<1x80xf32, #tpu.memory_space<vmem>> -> memref<80xf32, #tpu.memory_space<vmem>>
    %dma_wait3A_106 = arith.constant 0 : i32
    %dma_wait3A_107 = tpu.memref_slice %arg16[%dma_wait3A_102, %dma_wait3A_106] : memref<20x80xi32, #tpu.memory_space<vmem>> -> memref<1x80xi32, #tpu.memory_space<vmem>>
    %dma_wait3A_108 = tpu.memref_squeeze %dma_wait3A_107 : memref<1x80xi32, #tpu.memory_space<vmem>> -> memref<80xi32, #tpu.memory_space<vmem>>
    %dma_wait3A_109 = arith.constant 0 : i32
    %dma_wait3A_110 = tpu.memref_slice %arg18[%dma_wait3A_109] : memref<100096xf32, #tpu.memory_space<vmem_shared>> -> memref<100096xf32, #tpu.memory_space<vmem_shared>>
    tpu.wait_indirect_dma semaphore(%arg21 : memref<!tpu.dma_semaphore, #tpu.memory_space<semaphore_mem>>) src(%dma_wait3A_105 : memref<80xf32, #tpu.memory_space<vmem>>) dst(%dma_wait3A_110 : memref<100096xf32, #tpu.memory_space<vmem_shared>>)
    %dma_wait3A_111 = arith.constant 0 : i32
    %dma_wait3A_112 = arith.constant 0 : i32
    %dma_wait3A_113 = arith.constant 0 : i32
    %dma_wait3A_114 = tpu.memref_slice %arg15[%dma_wait3A_111, %dma_wait3A_113] : memref<20x80xf32, #tpu.memory_space<vmem>> -> memref<1x80xf32, #tpu.memory_space<vmem>>
    %dma_wait3A_115 = tpu.memref_squeeze %dma_wait3A_114 : memref<1x80xf32, #tpu.memory_space<vmem>> -> memref<80xf32, #tpu.memory_space<vmem>>
    %dma_wait3A_116 = arith.constant 0 : i32
    %dma_wait3A_117 = tpu.memref_slice %arg17[%dma_wait3A_112, %dma_wait3A_116] : memref<20x80xi32, #tpu.memory_space<vmem>> -> memref<1x80xi32, #tpu.memory_space<vmem>>
    %dma_wait3A_118 = tpu.memref_squeeze %dma_wait3A_117 : memref<1x80xi32, #tpu.memory_space<vmem>> -> memref<80xi32, #tpu.memory_space<vmem>>
    %dma_wait3A_119 = arith.constant 0 : i32
    %dma_wait3A_120 = tpu.memref_slice %arg18[%dma_wait3A_119] : memref<100096xf32, #tpu.memory_space<vmem_shared>> -> memref<100096xf32, #tpu.memory_space<vmem_shared>>
    tpu.wait_indirect_dma semaphore(%arg21 : memref<!tpu.dma_semaphore, #tpu.memory_space<semaphore_mem>>) src(%dma_wait3A_115 : memref<80xf32, #tpu.memory_space<vmem>>) dst(%dma_wait3A_120 : memref<100096xf32, #tpu.memory_space<vmem_shared>>)
    %dma_wait3A_121 = arith.constant 0 : i32
    %dma_wait3A_122 = arith.constant 0 : i32
    %dma_wait3A_123 = arith.constant 0 : i32
    %dma_wait3A_124 = tpu.memref_slice %arg14[%dma_wait3A_121, %dma_wait3A_123] : memref<20x80xf32, #tpu.memory_space<vmem>> -> memref<1x80xf32, #tpu.memory_space<vmem>>
    %dma_wait3A_125 = tpu.memref_squeeze %dma_wait3A_124 : memref<1x80xf32, #tpu.memory_space<vmem>> -> memref<80xf32, #tpu.memory_space<vmem>>
    %dma_wait3A_126 = arith.constant 0 : i32
    %dma_wait3A_127 = tpu.memref_slice %arg16[%dma_wait3A_122, %dma_wait3A_126] : memref<20x80xi32, #tpu.memory_space<vmem>> -> memref<1x80xi32, #tpu.memory_space<vmem>>
    %dma_wait3A_128 = tpu.memref_squeeze %dma_wait3A_127 : memref<1x80xi32, #tpu.memory_space<vmem>> -> memref<80xi32, #tpu.memory_space<vmem>>
    %dma_wait3A_129 = arith.constant 0 : i32
    %dma_wait3A_130 = tpu.memref_slice %arg18[%dma_wait3A_129] : memref<100096xf32, #tpu.memory_space<vmem_shared>> -> memref<100096xf32, #tpu.memory_space<vmem_shared>>
    tpu.wait_indirect_dma semaphore(%arg21 : memref<!tpu.dma_semaphore, #tpu.memory_space<semaphore_mem>>) src(%dma_wait3A_125 : memref<80xf32, #tpu.memory_space<vmem>>) dst(%dma_wait3A_130 : memref<100096xf32, #tpu.memory_space<vmem_shared>>)
    %dma_wait3A_131 = arith.constant 0 : i32
    %dma_wait3A_132 = arith.constant 0 : i32
    %dma_wait3A_133 = arith.constant 0 : i32
    %dma_wait3A_134 = tpu.memref_slice %arg15[%dma_wait3A_131, %dma_wait3A_133] : memref<20x80xf32, #tpu.memory_space<vmem>> -> memref<1x80xf32, #tpu.memory_space<vmem>>
    %dma_wait3A_135 = tpu.memref_squeeze %dma_wait3A_134 : memref<1x80xf32, #tpu.memory_space<vmem>> -> memref<80xf32, #tpu.memory_space<vmem>>
    %dma_wait3A_136 = arith.constant 0 : i32
    %dma_wait3A_137 = tpu.memref_slice %arg17[%dma_wait3A_132, %dma_wait3A_136] : memref<20x80xi32, #tpu.memory_space<vmem>> -> memref<1x80xi32, #tpu.memory_space<vmem>>
    %dma_wait3A_138 = tpu.memref_squeeze %dma_wait3A_137 : memref<1x80xi32, #tpu.memory_space<vmem>> -> memref<80xi32, #tpu.memory_space<vmem>>
    %dma_wait3A_139 = arith.constant 0 : i32
    %dma_wait3A_140 = tpu.memref_slice %arg18[%dma_wait3A_139] : memref<100096xf32, #tpu.memory_space<vmem_shared>> -> memref<100096xf32, #tpu.memory_space<vmem_shared>>
    tpu.wait_indirect_dma semaphore(%arg21 : memref<!tpu.dma_semaphore, #tpu.memory_space<semaphore_mem>>) src(%dma_wait3A_135 : memref<80xf32, #tpu.memory_space<vmem>>) dst(%dma_wait3A_140 : memref<100096xf32, #tpu.memory_space<vmem_shared>>)
    %dma_wait3A_141 = arith.constant 0 : i32
    %dma_wait3A_142 = arith.constant 0 : i32
    %dma_wait3A_143 = arith.constant 0 : i32
    %dma_wait3A_144 = tpu.memref_slice %arg14[%dma_wait3A_141, %dma_wait3A_143] : memref<20x80xf32, #tpu.memory_space<vmem>> -> memref<1x80xf32, #tpu.memory_space<vmem>>
    %dma_wait3A_145 = tpu.memref_squeeze %dma_wait3A_144 : memref<1x80xf32, #tpu.memory_space<vmem>> -> memref<80xf32, #tpu.memory_space<vmem>>
    %dma_wait3A_146 = arith.constant 0 : i32
    %dma_wait3A_147 = tpu.memref_slice %arg16[%dma_wait3A_142, %dma_wait3A_146] : memref<20x80xi32, #tpu.memory_space<vmem>> -> memref<1x80xi32, #tpu.memory_space<vmem>>
    %dma_wait3A_148 = tpu.memref_squeeze %dma_wait3A_147 : memref<1x80xi32, #tpu.memory_space<vmem>> -> memref<80xi32, #tpu.memory_space<vmem>>
    %dma_wait3A_149 = arith.constant 0 : i32
    %dma_wait3A_150 = tpu.memref_slice %arg18[%dma_wait3A_149] : memref<100096xf32, #tpu.memory_space<vmem_shared>> -> memref<100096xf32, #tpu.memory_space<vmem_shared>>
    tpu.wait_indirect_dma semaphore(%arg21 : memref<!tpu.dma_semaphore, #tpu.memory_space<semaphore_mem>>) src(%dma_wait3A_145 : memref<80xf32, #tpu.memory_space<vmem>>) dst(%dma_wait3A_150 : memref<100096xf32, #tpu.memory_space<vmem_shared>>)
    %dma_wait3A_151 = arith.constant 0 : i32
    %dma_wait3A_152 = arith.constant 0 : i32
    %dma_wait3A_153 = arith.constant 0 : i32
    %dma_wait3A_154 = tpu.memref_slice %arg15[%dma_wait3A_151, %dma_wait3A_153] : memref<20x80xf32, #tpu.memory_space<vmem>> -> memref<1x80xf32, #tpu.memory_space<vmem>>
    %dma_wait3A_155 = tpu.memref_squeeze %dma_wait3A_154 : memref<1x80xf32, #tpu.memory_space<vmem>> -> memref<80xf32, #tpu.memory_space<vmem>>
    %dma_wait3A_156 = arith.constant 0 : i32
    %dma_wait3A_157 = tpu.memref_slice %arg17[%dma_wait3A_152, %dma_wait3A_156] : memref<20x80xi32, #tpu.memory_space<vmem>> -> memref<1x80xi32, #tpu.memory_space<vmem>>
    %dma_wait3A_158 = tpu.memref_squeeze %dma_wait3A_157 : memref<1x80xi32, #tpu.memory_space<vmem>> -> memref<80xi32, #tpu.memory_space<vmem>>
    %dma_wait3A_159 = arith.constant 0 : i32
    %dma_wait3A_160 = tpu.memref_slice %arg18[%dma_wait3A_159] : memref<100096xf32, #tpu.memory_space<vmem_shared>> -> memref<100096xf32, #tpu.memory_space<vmem_shared>>
    tpu.wait_indirect_dma semaphore(%arg21 : memref<!tpu.dma_semaphore, #tpu.memory_space<semaphore_mem>>) src(%dma_wait3A_155 : memref<80xf32, #tpu.memory_space<vmem>>) dst(%dma_wait3A_160 : memref<100096xf32, #tpu.memory_space<vmem_shared>>)
    %dma_wait3A_161 = arith.constant 0 : i32
    %dma_wait3A_162 = arith.constant 0 : i32
    %dma_wait3A_163 = arith.constant 0 : i32
    %dma_wait3A_164 = tpu.memref_slice %arg14[%dma_wait3A_161, %dma_wait3A_163] : memref<20x80xf32, #tpu.memory_space<vmem>> -> memref<1x80xf32, #tpu.memory_space<vmem>>
    %dma_wait3A_165 = tpu.memref_squeeze %dma_wait3A_164 : memref<1x80xf32, #tpu.memory_space<vmem>> -> memref<80xf32, #tpu.memory_space<vmem>>
    %dma_wait3A_166 = arith.constant 0 : i32
    %dma_wait3A_167 = tpu.memref_slice %arg16[%dma_wait3A_162, %dma_wait3A_166] : memref<20x80xi32, #tpu.memory_space<vmem>> -> memref<1x80xi32, #tpu.memory_space<vmem>>
    %dma_wait3A_168 = tpu.memref_squeeze %dma_wait3A_167 : memref<1x80xi32, #tpu.memory_space<vmem>> -> memref<80xi32, #tpu.memory_space<vmem>>
    %dma_wait3A_169 = arith.constant 0 : i32
    %dma_wait3A_170 = tpu.memref_slice %arg18[%dma_wait3A_169] : memref<100096xf32, #tpu.memory_space<vmem_shared>> -> memref<100096xf32, #tpu.memory_space<vmem_shared>>
    tpu.wait_indirect_dma semaphore(%arg21 : memref<!tpu.dma_semaphore, #tpu.memory_space<semaphore_mem>>) src(%dma_wait3A_165 : memref<80xf32, #tpu.memory_space<vmem>>) dst(%dma_wait3A_170 : memref<100096xf32, #tpu.memory_space<vmem_shared>>)
    %dma_wait3A_171 = arith.constant 0 : i32
    %dma_wait3A_172 = arith.constant 0 : i32
    %dma_wait3A_173 = arith.constant 0 : i32
    %dma_wait3A_174 = tpu.memref_slice %arg15[%dma_wait3A_171, %dma_wait3A_173] : memref<20x80xf32, #tpu.memory_space<vmem>> -> memref<1x80xf32, #tpu.memory_space<vmem>>
    %dma_wait3A_175 = tpu.memref_squeeze %dma_wait3A_174 : memref<1x80xf32, #tpu.memory_space<vmem>> -> memref<80xf32, #tpu.memory_space<vmem>>
    %dma_wait3A_176 = arith.constant 0 : i32
    %dma_wait3A_177 = tpu.memref_slice %arg17[%dma_wait3A_172, %dma_wait3A_176] : memref<20x80xi32, #tpu.memory_space<vmem>> -> memref<1x80xi32, #tpu.memory_space<vmem>>
    %dma_wait3A_178 = tpu.memref_squeeze %dma_wait3A_177 : memref<1x80xi32, #tpu.memory_space<vmem>> -> memref<80xi32, #tpu.memory_space<vmem>>
    %dma_wait3A_179 = arith.constant 0 : i32
    %dma_wait3A_180 = tpu.memref_slice %arg18[%dma_wait3A_179] : memref<100096xf32, #tpu.memory_space<vmem_shared>> -> memref<100096xf32, #tpu.memory_space<vmem_shared>>
    tpu.wait_indirect_dma semaphore(%arg21 : memref<!tpu.dma_semaphore, #tpu.memory_space<semaphore_mem>>) src(%dma_wait3A_175 : memref<80xf32, #tpu.memory_space<vmem>>) dst(%dma_wait3A_180 : memref<100096xf32, #tpu.memory_space<vmem_shared>>)
    %dma_wait3A_181 = arith.constant 0 : i32
    %dma_wait3A_182 = arith.constant 0 : i32
    %dma_wait3A_183 = arith.constant 0 : i32
    %dma_wait3A_184 = tpu.memref_slice %arg14[%dma_wait3A_181, %dma_wait3A_183] : memref<20x80xf32, #tpu.memory_space<vmem>> -> memref<1x80xf32, #tpu.memory_space<vmem>>
    %dma_wait3A_185 = tpu.memref_squeeze %dma_wait3A_184 : memref<1x80xf32, #tpu.memory_space<vmem>> -> memref<80xf32, #tpu.memory_space<vmem>>
    %dma_wait3A_186 = arith.constant 0 : i32
    %dma_wait3A_187 = tpu.memref_slice %arg16[%dma_wait3A_182, %dma_wait3A_186] : memref<20x80xi32, #tpu.memory_space<vmem>> -> memref<1x80xi32, #tpu.memory_space<vmem>>
    %dma_wait3A_188 = tpu.memref_squeeze %dma_wait3A_187 : memref<1x80xi32, #tpu.memory_space<vmem>> -> memref<80xi32, #tpu.memory_space<vmem>>
    %dma_wait3A_189 = arith.constant 0 : i32
    %dma_wait3A_190 = tpu.memref_slice %arg18[%dma_wait3A_189] : memref<100096xf32, #tpu.memory_space<vmem_shared>> -> memref<100096xf32, #tpu.memory_space<vmem_shared>>
    tpu.wait_indirect_dma semaphore(%arg21 : memref<!tpu.dma_semaphore, #tpu.memory_space<semaphore_mem>>) src(%dma_wait3A_185 : memref<80xf32, #tpu.memory_space<vmem>>) dst(%dma_wait3A_190 : memref<100096xf32, #tpu.memory_space<vmem_shared>>)
    %dma_wait3A_191 = arith.constant 0 : i32
    %dma_wait3A_192 = arith.constant 0 : i32
    %dma_wait3A_193 = arith.constant 0 : i32
    %dma_wait3A_194 = tpu.memref_slice %arg15[%dma_wait3A_191, %dma_wait3A_193] : memref<20x80xf32, #tpu.memory_space<vmem>> -> memref<1x80xf32, #tpu.memory_space<vmem>>
    %dma_wait3A_195 = tpu.memref_squeeze %dma_wait3A_194 : memref<1x80xf32, #tpu.memory_space<vmem>> -> memref<80xf32, #tpu.memory_space<vmem>>
    %dma_wait3A_196 = arith.constant 0 : i32
    %dma_wait3A_197 = tpu.memref_slice %arg17[%dma_wait3A_192, %dma_wait3A_196] : memref<20x80xi32, #tpu.memory_space<vmem>> -> memref<1x80xi32, #tpu.memory_space<vmem>>
    %dma_wait3A_198 = tpu.memref_squeeze %dma_wait3A_197 : memref<1x80xi32, #tpu.memory_space<vmem>> -> memref<80xi32, #tpu.memory_space<vmem>>
    %dma_wait3A_199 = arith.constant 0 : i32
    %dma_wait3A_200 = tpu.memref_slice %arg18[%dma_wait3A_199] : memref<100096xf32, #tpu.memory_space<vmem_shared>> -> memref<100096xf32, #tpu.memory_space<vmem_shared>>
    tpu.wait_indirect_dma semaphore(%arg21 : memref<!tpu.dma_semaphore, #tpu.memory_space<semaphore_mem>>) src(%dma_wait3A_195 : memref<80xf32, #tpu.memory_space<vmem>>) dst(%dma_wait3A_200 : memref<100096xf32, #tpu.memory_space<vmem_shared>>)
    %dma_wait3A_201 = arith.constant 0 : i32
    %dma_wait3A_202 = arith.constant 0 : i32
    %dma_wait3A_203 = arith.constant 0 : i32
    %dma_wait3A_204 = tpu.memref_slice %arg14[%dma_wait3A_201, %dma_wait3A_203] : memref<20x80xf32, #tpu.memory_space<vmem>> -> memref<1x80xf32, #tpu.memory_space<vmem>>
    %dma_wait3A_205 = tpu.memref_squeeze %dma_wait3A_204 : memref<1x80xf32, #tpu.memory_space<vmem>> -> memref<80xf32, #tpu.memory_space<vmem>>
    %dma_wait3A_206 = arith.constant 0 : i32
    %dma_wait3A_207 = tpu.memref_slice %arg16[%dma_wait3A_202, %dma_wait3A_206] : memref<20x80xi32, #tpu.memory_space<vmem>> -> memref<1x80xi32, #tpu.memory_space<vmem>>
    %dma_wait3A_208 = tpu.memref_squeeze %dma_wait3A_207 : memref<1x80xi32, #tpu.memory_space<vmem>> -> memref<80xi32, #tpu.memory_space<vmem>>
    %dma_wait3A_209 = arith.constant 0 : i32
    %dma_wait3A_210 = tpu.memref_slice %arg18[%dma_wait3A_209] : memref<100096xf32, #tpu.memory_space<vmem_shared>> -> memref<100096xf32, #tpu.memory_space<vmem_shared>>
    tpu.wait_indirect_dma semaphore(%arg21 : memref<!tpu.dma_semaphore, #tpu.memory_space<semaphore_mem>>) src(%dma_wait3A_205 : memref<80xf32, #tpu.memory_space<vmem>>) dst(%dma_wait3A_210 : memref<100096xf32, #tpu.memory_space<vmem_shared>>)
    %dma_wait3A_211 = arith.constant 0 : i32
    %dma_wait3A_212 = arith.constant 0 : i32
    %dma_wait3A_213 = arith.constant 0 : i32
    %dma_wait3A_214 = tpu.memref_slice %arg15[%dma_wait3A_211, %dma_wait3A_213] : memref<20x80xf32, #tpu.memory_space<vmem>> -> memref<1x80xf32, #tpu.memory_space<vmem>>
    %dma_wait3A_215 = tpu.memref_squeeze %dma_wait3A_214 : memref<1x80xf32, #tpu.memory_space<vmem>> -> memref<80xf32, #tpu.memory_space<vmem>>
    %dma_wait3A_216 = arith.constant 0 : i32
    %dma_wait3A_217 = tpu.memref_slice %arg17[%dma_wait3A_212, %dma_wait3A_216] : memref<20x80xi32, #tpu.memory_space<vmem>> -> memref<1x80xi32, #tpu.memory_space<vmem>>
    %dma_wait3A_218 = tpu.memref_squeeze %dma_wait3A_217 : memref<1x80xi32, #tpu.memory_space<vmem>> -> memref<80xi32, #tpu.memory_space<vmem>>
    %dma_wait3A_219 = arith.constant 0 : i32
    %dma_wait3A_220 = tpu.memref_slice %arg18[%dma_wait3A_219] : memref<100096xf32, #tpu.memory_space<vmem_shared>> -> memref<100096xf32, #tpu.memory_space<vmem_shared>>
    tpu.wait_indirect_dma semaphore(%arg21 : memref<!tpu.dma_semaphore, #tpu.memory_space<semaphore_mem>>) src(%dma_wait3A_215 : memref<80xf32, #tpu.memory_space<vmem>>) dst(%dma_wait3A_220 : memref<100096xf32, #tpu.memory_space<vmem_shared>>)
    %dma_wait3A_221 = arith.constant 0 : i32
    %dma_wait3A_222 = arith.constant 0 : i32
    %dma_wait3A_223 = arith.constant 0 : i32
    %dma_wait3A_224 = tpu.memref_slice %arg14[%dma_wait3A_221, %dma_wait3A_223] : memref<20x80xf32, #tpu.memory_space<vmem>> -> memref<1x80xf32, #tpu.memory_space<vmem>>
    %dma_wait3A_225 = tpu.memref_squeeze %dma_wait3A_224 : memref<1x80xf32, #tpu.memory_space<vmem>> -> memref<80xf32, #tpu.memory_space<vmem>>
    %dma_wait3A_226 = arith.constant 0 : i32
    %dma_wait3A_227 = tpu.memref_slice %arg16[%dma_wait3A_222, %dma_wait3A_226] : memref<20x80xi32, #tpu.memory_space<vmem>> -> memref<1x80xi32, #tpu.memory_space<vmem>>
    %dma_wait3A_228 = tpu.memref_squeeze %dma_wait3A_227 : memref<1x80xi32, #tpu.memory_space<vmem>> -> memref<80xi32, #tpu.memory_space<vmem>>
    %dma_wait3A_229 = arith.constant 0 : i32
    %dma_wait3A_230 = tpu.memref_slice %arg18[%dma_wait3A_229] : memref<100096xf32, #tpu.memory_space<vmem_shared>> -> memref<100096xf32, #tpu.memory_space<vmem_shared>>
    tpu.wait_indirect_dma semaphore(%arg21 : memref<!tpu.dma_semaphore, #tpu.memory_space<semaphore_mem>>) src(%dma_wait3A_225 : memref<80xf32, #tpu.memory_space<vmem>>) dst(%dma_wait3A_230 : memref<100096xf32, #tpu.memory_space<vmem_shared>>)
    %dma_wait3A_231 = arith.constant 0 : i32
    %dma_wait3A_232 = arith.constant 0 : i32
    %dma_wait3A_233 = arith.constant 0 : i32
    %dma_wait3A_234 = tpu.memref_slice %arg15[%dma_wait3A_231, %dma_wait3A_233] : memref<20x80xf32, #tpu.memory_space<vmem>> -> memref<1x80xf32, #tpu.memory_space<vmem>>
    %dma_wait3A_235 = tpu.memref_squeeze %dma_wait3A_234 : memref<1x80xf32, #tpu.memory_space<vmem>> -> memref<80xf32, #tpu.memory_space<vmem>>
    %dma_wait3A_236 = arith.constant 0 : i32
    %dma_wait3A_237 = tpu.memref_slice %arg17[%dma_wait3A_232, %dma_wait3A_236] : memref<20x80xi32, #tpu.memory_space<vmem>> -> memref<1x80xi32, #tpu.memory_space<vmem>>
    %dma_wait3A_238 = tpu.memref_squeeze %dma_wait3A_237 : memref<1x80xi32, #tpu.memory_space<vmem>> -> memref<80xi32, #tpu.memory_space<vmem>>
    %dma_wait3A_239 = arith.constant 0 : i32
    %dma_wait3A_240 = tpu.memref_slice %arg18[%dma_wait3A_239] : memref<100096xf32, #tpu.memory_space<vmem_shared>> -> memref<100096xf32, #tpu.memory_space<vmem_shared>>
    tpu.wait_indirect_dma semaphore(%arg21 : memref<!tpu.dma_semaphore, #tpu.memory_space<semaphore_mem>>) src(%dma_wait3A_235 : memref<80xf32, #tpu.memory_space<vmem>>) dst(%dma_wait3A_240 : memref<100096xf32, #tpu.memory_space<vmem_shared>>)
    %dma_wait3A_241 = arith.constant 0 : i32
    %dma_wait3A_242 = arith.constant 0 : i32
    %dma_wait3A_243 = arith.constant 0 : i32
    %dma_wait3A_244 = tpu.memref_slice %arg14[%dma_wait3A_241, %dma_wait3A_243] : memref<20x80xf32, #tpu.memory_space<vmem>> -> memref<1x80xf32, #tpu.memory_space<vmem>>
    %dma_wait3A_245 = tpu.memref_squeeze %dma_wait3A_244 : memref<1x80xf32, #tpu.memory_space<vmem>> -> memref<80xf32, #tpu.memory_space<vmem>>
    %dma_wait3A_246 = arith.constant 0 : i32
    %dma_wait3A_247 = tpu.memref_slice %arg16[%dma_wait3A_242, %dma_wait3A_246] : memref<20x80xi32, #tpu.memory_space<vmem>> -> memref<1x80xi32, #tpu.memory_space<vmem>>
    %dma_wait3A_248 = tpu.memref_squeeze %dma_wait3A_247 : memref<1x80xi32, #tpu.memory_space<vmem>> -> memref<80xi32, #tpu.memory_space<vmem>>
    %dma_wait3A_249 = arith.constant 0 : i32
    %dma_wait3A_250 = tpu.memref_slice %arg18[%dma_wait3A_249] : memref<100096xf32, #tpu.memory_space<vmem_shared>> -> memref<100096xf32, #tpu.memory_space<vmem_shared>>
    tpu.wait_indirect_dma semaphore(%arg21 : memref<!tpu.dma_semaphore, #tpu.memory_space<semaphore_mem>>) src(%dma_wait3A_245 : memref<80xf32, #tpu.memory_space<vmem>>) dst(%dma_wait3A_250 : memref<100096xf32, #tpu.memory_space<vmem_shared>>)
    %dma_wait3A_251 = arith.constant 0 : i32
    %dma_wait3A_252 = arith.constant 0 : i32
    %dma_wait3A_253 = arith.constant 0 : i32
    %dma_wait3A_254 = tpu.memref_slice %arg15[%dma_wait3A_251, %dma_wait3A_253] : memref<20x80xf32, #tpu.memory_space<vmem>> -> memref<1x80xf32, #tpu.memory_space<vmem>>
    %dma_wait3A_255 = tpu.memref_squeeze %dma_wait3A_254 : memref<1x80xf32, #tpu.memory_space<vmem>> -> memref<80xf32, #tpu.memory_space<vmem>>
    %dma_wait3A_256 = arith.constant 0 : i32
    %dma_wait3A_257 = tpu.memref_slice %arg17[%dma_wait3A_252, %dma_wait3A_256] : memref<20x80xi32, #tpu.memory_space<vmem>> -> memref<1x80xi32, #tpu.memory_space<vmem>>
    %dma_wait3A_258 = tpu.memref_squeeze %dma_wait3A_257 : memref<1x80xi32, #tpu.memory_space<vmem>> -> memref<80xi32, #tpu.memory_space<vmem>>
    %dma_wait3A_259 = arith.constant 0 : i32
    %dma_wait3A_260 = tpu.memref_slice %arg18[%dma_wait3A_259] : memref<100096xf32, #tpu.memory_space<vmem_shared>> -> memref<100096xf32, #tpu.memory_space<vmem_shared>>
    tpu.wait_indirect_dma semaphore(%arg21 : memref<!tpu.dma_semaphore, #tpu.memory_space<semaphore_mem>>) src(%dma_wait3A_255 : memref<80xf32, #tpu.memory_space<vmem>>) dst(%dma_wait3A_260 : memref<100096xf32, #tpu.memory_space<vmem_shared>>)
    %dma_wait3A_261 = arith.constant 0 : i32
    %dma_wait3A_262 = arith.constant 0 : i32
    %dma_wait3A_263 = arith.constant 0 : i32
    %dma_wait3A_264 = tpu.memref_slice %arg14[%dma_wait3A_261, %dma_wait3A_263] : memref<20x80xf32, #tpu.memory_space<vmem>> -> memref<1x80xf32, #tpu.memory_space<vmem>>
    %dma_wait3A_265 = tpu.memref_squeeze %dma_wait3A_264 : memref<1x80xf32, #tpu.memory_space<vmem>> -> memref<80xf32, #tpu.memory_space<vmem>>
    %dma_wait3A_266 = arith.constant 0 : i32
    %dma_wait3A_267 = tpu.memref_slice %arg16[%dma_wait3A_262, %dma_wait3A_266] : memref<20x80xi32, #tpu.memory_space<vmem>> -> memref<1x80xi32, #tpu.memory_space<vmem>>
    %dma_wait3A_268 = tpu.memref_squeeze %dma_wait3A_267 : memref<1x80xi32, #tpu.memory_space<vmem>> -> memref<80xi32, #tpu.memory_space<vmem>>
    %dma_wait3A_269 = arith.constant 0 : i32
    %dma_wait3A_270 = tpu.memref_slice %arg18[%dma_wait3A_269] : memref<100096xf32, #tpu.memory_space<vmem_shared>> -> memref<100096xf32, #tpu.memory_space<vmem_shared>>
    tpu.wait_indirect_dma semaphore(%arg21 : memref<!tpu.dma_semaphore, #tpu.memory_space<semaphore_mem>>) src(%dma_wait3A_265 : memref<80xf32, #tpu.memory_space<vmem>>) dst(%dma_wait3A_270 : memref<100096xf32, #tpu.memory_space<vmem_shared>>)
    %dma_wait3A_271 = arith.constant 0 : i32
    %dma_wait3A_272 = arith.constant 0 : i32
    %dma_wait3A_273 = arith.constant 0 : i32
    %dma_wait3A_274 = tpu.memref_slice %arg15[%dma_wait3A_271, %dma_wait3A_273] : memref<20x80xf32, #tpu.memory_space<vmem>> -> memref<1x80xf32, #tpu.memory_space<vmem>>
    %dma_wait3A_275 = tpu.memref_squeeze %dma_wait3A_274 : memref<1x80xf32, #tpu.memory_space<vmem>> -> memref<80xf32, #tpu.memory_space<vmem>>
    %dma_wait3A_276 = arith.constant 0 : i32
    %dma_wait3A_277 = tpu.memref_slice %arg17[%dma_wait3A_272, %dma_wait3A_276] : memref<20x80xi32, #tpu.memory_space<vmem>> -> memref<1x80xi32, #tpu.memory_space<vmem>>
    %dma_wait3A_278 = tpu.memref_squeeze %dma_wait3A_277 : memref<1x80xi32, #tpu.memory_space<vmem>> -> memref<80xi32, #tpu.memory_space<vmem>>
    %dma_wait3A_279 = arith.constant 0 : i32
    %dma_wait3A_280 = tpu.memref_slice %arg18[%dma_wait3A_279] : memref<100096xf32, #tpu.memory_space<vmem_shared>> -> memref<100096xf32, #tpu.memory_space<vmem_shared>>
    tpu.wait_indirect_dma semaphore(%arg21 : memref<!tpu.dma_semaphore, #tpu.memory_space<semaphore_mem>>) src(%dma_wait3A_275 : memref<80xf32, #tpu.memory_space<vmem>>) dst(%dma_wait3A_280 : memref<100096xf32, #tpu.memory_space<vmem_shared>>)
    %dma_wait3A_281 = arith.constant 0 : i32
    %dma_wait3A_282 = arith.constant 0 : i32
    %dma_wait3A_283 = arith.constant 0 : i32
    %dma_wait3A_284 = tpu.memref_slice %arg14[%dma_wait3A_281, %dma_wait3A_283] : memref<20x80xf32, #tpu.memory_space<vmem>> -> memref<1x80xf32, #tpu.memory_space<vmem>>
    %dma_wait3A_285 = tpu.memref_squeeze %dma_wait3A_284 : memref<1x80xf32, #tpu.memory_space<vmem>> -> memref<80xf32, #tpu.memory_space<vmem>>
    %dma_wait3A_286 = arith.constant 0 : i32
    %dma_wait3A_287 = tpu.memref_slice %arg16[%dma_wait3A_282, %dma_wait3A_286] : memref<20x80xi32, #tpu.memory_space<vmem>> -> memref<1x80xi32, #tpu.memory_space<vmem>>
    %dma_wait3A_288 = tpu.memref_squeeze %dma_wait3A_287 : memref<1x80xi32, #tpu.memory_space<vmem>> -> memref<80xi32, #tpu.memory_space<vmem>>
    %dma_wait3A_289 = arith.constant 0 : i32
    %dma_wait3A_290 = tpu.memref_slice %arg18[%dma_wait3A_289] : memref<100096xf32, #tpu.memory_space<vmem_shared>> -> memref<100096xf32, #tpu.memory_space<vmem_shared>>
    tpu.wait_indirect_dma semaphore(%arg21 : memref<!tpu.dma_semaphore, #tpu.memory_space<semaphore_mem>>) src(%dma_wait3A_285 : memref<80xf32, #tpu.memory_space<vmem>>) dst(%dma_wait3A_290 : memref<100096xf32, #tpu.memory_space<vmem_shared>>)
    %dma_wait3A_291 = arith.constant 0 : i32
    %dma_wait3A_292 = arith.constant 0 : i32
    %dma_wait3A_293 = arith.constant 0 : i32
    %dma_wait3A_294 = tpu.memref_slice %arg15[%dma_wait3A_291, %dma_wait3A_293] : memref<20x80xf32, #tpu.memory_space<vmem>> -> memref<1x80xf32, #tpu.memory_space<vmem>>
    %dma_wait3A_295 = tpu.memref_squeeze %dma_wait3A_294 : memref<1x80xf32, #tpu.memory_space<vmem>> -> memref<80xf32, #tpu.memory_space<vmem>>
    %dma_wait3A_296 = arith.constant 0 : i32
    %dma_wait3A_297 = tpu.memref_slice %arg17[%dma_wait3A_292, %dma_wait3A_296] : memref<20x80xi32, #tpu.memory_space<vmem>> -> memref<1x80xi32, #tpu.memory_space<vmem>>
    %dma_wait3A_298 = tpu.memref_squeeze %dma_wait3A_297 : memref<1x80xi32, #tpu.memory_space<vmem>> -> memref<80xi32, #tpu.memory_space<vmem>>
    %dma_wait3A_299 = arith.constant 0 : i32
    %dma_wait3A_300 = tpu.memref_slice %arg18[%dma_wait3A_299] : memref<100096xf32, #tpu.memory_space<vmem_shared>> -> memref<100096xf32, #tpu.memory_space<vmem_shared>>
    tpu.wait_indirect_dma semaphore(%arg21 : memref<!tpu.dma_semaphore, #tpu.memory_space<semaphore_mem>>) src(%dma_wait3A_295 : memref<80xf32, #tpu.memory_space<vmem>>) dst(%dma_wait3A_300 : memref<100096xf32, #tpu.memory_space<vmem_shared>>)
    %dma_wait3A_301 = arith.constant 0 : i32
    %dma_wait3A_302 = arith.constant 0 : i32
    %dma_wait3A_303 = arith.constant 0 : i32
    %dma_wait3A_304 = tpu.memref_slice %arg14[%dma_wait3A_301, %dma_wait3A_303] : memref<20x80xf32, #tpu.memory_space<vmem>> -> memref<1x80xf32, #tpu.memory_space<vmem>>
    %dma_wait3A_305 = tpu.memref_squeeze %dma_wait3A_304 : memref<1x80xf32, #tpu.memory_space<vmem>> -> memref<80xf32, #tpu.memory_space<vmem>>
    %dma_wait3A_306 = arith.constant 0 : i32
    %dma_wait3A_307 = tpu.memref_slice %arg16[%dma_wait3A_302, %dma_wait3A_306] : memref<20x80xi32, #tpu.memory_space<vmem>> -> memref<1x80xi32, #tpu.memory_space<vmem>>
    %dma_wait3A_308 = tpu.memref_squeeze %dma_wait3A_307 : memref<1x80xi32, #tpu.memory_space<vmem>> -> memref<80xi32, #tpu.memory_space<vmem>>
    %dma_wait3A_309 = arith.constant 0 : i32
    %dma_wait3A_310 = tpu.memref_slice %arg18[%dma_wait3A_309] : memref<100096xf32, #tpu.memory_space<vmem_shared>> -> memref<100096xf32, #tpu.memory_space<vmem_shared>>
    tpu.wait_indirect_dma semaphore(%arg21 : memref<!tpu.dma_semaphore, #tpu.memory_space<semaphore_mem>>) src(%dma_wait3A_305 : memref<80xf32, #tpu.memory_space<vmem>>) dst(%dma_wait3A_310 : memref<100096xf32, #tpu.memory_space<vmem_shared>>)
    %dma_wait3A_311 = arith.constant 0 : i32
    %dma_wait3A_312 = arith.constant 0 : i32
    %dma_wait3A_313 = arith.constant 0 : i32
    %dma_wait3A_314 = tpu.memref_slice %arg15[%dma_wait3A_311, %dma_wait3A_313] : memref<20x80xf32, #tpu.memory_space<vmem>> -> memref<1x80xf32, #tpu.memory_space<vmem>>
    %dma_wait3A_315 = tpu.memref_squeeze %dma_wait3A_314 : memref<1x80xf32, #tpu.memory_space<vmem>> -> memref<80xf32, #tpu.memory_space<vmem>>
    %dma_wait3A_316 = arith.constant 0 : i32
    %dma_wait3A_317 = tpu.memref_slice %arg17[%dma_wait3A_312, %dma_wait3A_316] : memref<20x80xi32, #tpu.memory_space<vmem>> -> memref<1x80xi32, #tpu.memory_space<vmem>>
    %dma_wait3A_318 = tpu.memref_squeeze %dma_wait3A_317 : memref<1x80xi32, #tpu.memory_space<vmem>> -> memref<80xi32, #tpu.memory_space<vmem>>
    %dma_wait3A_319 = arith.constant 0 : i32
    %dma_wait3A_320 = tpu.memref_slice %arg18[%dma_wait3A_319] : memref<100096xf32, #tpu.memory_space<vmem_shared>> -> memref<100096xf32, #tpu.memory_space<vmem_shared>>
    tpu.wait_indirect_dma semaphore(%arg21 : memref<!tpu.dma_semaphore, #tpu.memory_space<semaphore_mem>>) src(%dma_wait3A_315 : memref<80xf32, #tpu.memory_space<vmem>>) dst(%dma_wait3A_320 : memref<100096xf32, #tpu.memory_space<vmem_shared>>)
    %dma_wait3A_321 = arith.constant 0 : i32
    %dma_wait3A_322 = arith.constant 0 : i32
    %dma_wait3A_323 = arith.constant 0 : i32
    %dma_wait3A_324 = tpu.memref_slice %arg14[%dma_wait3A_321, %dma_wait3A_323] : memref<20x80xf32, #tpu.memory_space<vmem>> -> memref<1x80xf32, #tpu.memory_space<vmem>>
    %dma_wait3A_325 = tpu.memref_squeeze %dma_wait3A_324 : memref<1x80xf32, #tpu.memory_space<vmem>> -> memref<80xf32, #tpu.memory_space<vmem>>
    %dma_wait3A_326 = arith.constant 0 : i32
    %dma_wait3A_327 = tpu.memref_slice %arg16[%dma_wait3A_322, %dma_wait3A_326] : memref<20x80xi32, #tpu.memory_space<vmem>> -> memref<1x80xi32, #tpu.memory_space<vmem>>
    %dma_wait3A_328 = tpu.memref_squeeze %dma_wait3A_327 : memref<1x80xi32, #tpu.memory_space<vmem>> -> memref<80xi32, #tpu.memory_space<vmem>>
    %dma_wait3A_329 = arith.constant 0 : i32
    %dma_wait3A_330 = tpu.memref_slice %arg18[%dma_wait3A_329] : memref<100096xf32, #tpu.memory_space<vmem_shared>> -> memref<100096xf32, #tpu.memory_space<vmem_shared>>
    tpu.wait_indirect_dma semaphore(%arg21 : memref<!tpu.dma_semaphore, #tpu.memory_space<semaphore_mem>>) src(%dma_wait3A_325 : memref<80xf32, #tpu.memory_space<vmem>>) dst(%dma_wait3A_330 : memref<100096xf32, #tpu.memory_space<vmem_shared>>)
    %dma_wait3A_331 = arith.constant 0 : i32
    %dma_wait3A_332 = arith.constant 0 : i32
    %dma_wait3A_333 = arith.constant 0 : i32
    %dma_wait3A_334 = tpu.memref_slice %arg15[%dma_wait3A_331, %dma_wait3A_333] : memref<20x80xf32, #tpu.memory_space<vmem>> -> memref<1x80xf32, #tpu.memory_space<vmem>>
    %dma_wait3A_335 = tpu.memref_squeeze %dma_wait3A_334 : memref<1x80xf32, #tpu.memory_space<vmem>> -> memref<80xf32, #tpu.memory_space<vmem>>
    %dma_wait3A_336 = arith.constant 0 : i32
    %dma_wait3A_337 = tpu.memref_slice %arg17[%dma_wait3A_332, %dma_wait3A_336] : memref<20x80xi32, #tpu.memory_space<vmem>> -> memref<1x80xi32, #tpu.memory_space<vmem>>
    %dma_wait3A_338 = tpu.memref_squeeze %dma_wait3A_337 : memref<1x80xi32, #tpu.memory_space<vmem>> -> memref<80xi32, #tpu.memory_space<vmem>>
    %dma_wait3A_339 = arith.constant 0 : i32
    %dma_wait3A_340 = tpu.memref_slice %arg18[%dma_wait3A_339] : memref<100096xf32, #tpu.memory_space<vmem_shared>> -> memref<100096xf32, #tpu.memory_space<vmem_shared>>
    tpu.wait_indirect_dma semaphore(%arg21 : memref<!tpu.dma_semaphore, #tpu.memory_space<semaphore_mem>>) src(%dma_wait3A_335 : memref<80xf32, #tpu.memory_space<vmem>>) dst(%dma_wait3A_340 : memref<100096xf32, #tpu.memory_space<vmem_shared>>)
    %dma_wait3A_341 = arith.constant 0 : i32
    %dma_wait3A_342 = arith.constant 0 : i32
    %dma_wait3A_343 = arith.constant 0 : i32
    %dma_wait3A_344 = tpu.memref_slice %arg14[%dma_wait3A_341, %dma_wait3A_343] : memref<20x80xf32, #tpu.memory_space<vmem>> -> memref<1x80xf32, #tpu.memory_space<vmem>>
    %dma_wait3A_345 = tpu.memref_squeeze %dma_wait3A_344 : memref<1x80xf32, #tpu.memory_space<vmem>> -> memref<80xf32, #tpu.memory_space<vmem>>
    %dma_wait3A_346 = arith.constant 0 : i32
    %dma_wait3A_347 = tpu.memref_slice %arg16[%dma_wait3A_342, %dma_wait3A_346] : memref<20x80xi32, #tpu.memory_space<vmem>> -> memref<1x80xi32, #tpu.memory_space<vmem>>
    %dma_wait3A_348 = tpu.memref_squeeze %dma_wait3A_347 : memref<1x80xi32, #tpu.memory_space<vmem>> -> memref<80xi32, #tpu.memory_space<vmem>>
    %dma_wait3A_349 = arith.constant 0 : i32
    %dma_wait3A_350 = tpu.memref_slice %arg18[%dma_wait3A_349] : memref<100096xf32, #tpu.memory_space<vmem_shared>> -> memref<100096xf32, #tpu.memory_space<vmem_shared>>
    tpu.wait_indirect_dma semaphore(%arg21 : memref<!tpu.dma_semaphore, #tpu.memory_space<semaphore_mem>>) src(%dma_wait3A_345 : memref<80xf32, #tpu.memory_space<vmem>>) dst(%dma_wait3A_350 : memref<100096xf32, #tpu.memory_space<vmem_shared>>)
    %dma_wait3A_351 = arith.constant 0 : i32
    %dma_wait3A_352 = arith.constant 0 : i32
    %dma_wait3A_353 = arith.constant 0 : i32
    %dma_wait3A_354 = tpu.memref_slice %arg15[%dma_wait3A_351, %dma_wait3A_353] : memref<20x80xf32, #tpu.memory_space<vmem>> -> memref<1x80xf32, #tpu.memory_space<vmem>>
    %dma_wait3A_355 = tpu.memref_squeeze %dma_wait3A_354 : memref<1x80xf32, #tpu.memory_space<vmem>> -> memref<80xf32, #tpu.memory_space<vmem>>
    %dma_wait3A_356 = arith.constant 0 : i32
    %dma_wait3A_357 = tpu.memref_slice %arg17[%dma_wait3A_352, %dma_wait3A_356] : memref<20x80xi32, #tpu.memory_space<vmem>> -> memref<1x80xi32, #tpu.memory_space<vmem>>
    %dma_wait3A_358 = tpu.memref_squeeze %dma_wait3A_357 : memref<1x80xi32, #tpu.memory_space<vmem>> -> memref<80xi32, #tpu.memory_space<vmem>>
    %dma_wait3A_359 = arith.constant 0 : i32
    %dma_wait3A_360 = tpu.memref_slice %arg18[%dma_wait3A_359] : memref<100096xf32, #tpu.memory_space<vmem_shared>> -> memref<100096xf32, #tpu.memory_space<vmem_shared>>
    tpu.wait_indirect_dma semaphore(%arg21 : memref<!tpu.dma_semaphore, #tpu.memory_space<semaphore_mem>>) src(%dma_wait3A_355 : memref<80xf32, #tpu.memory_space<vmem>>) dst(%dma_wait3A_360 : memref<100096xf32, #tpu.memory_space<vmem_shared>>)
    %dma_wait3A_361 = arith.constant 0 : i32
    %dma_wait3A_362 = arith.constant 0 : i32
    %dma_wait3A_363 = arith.constant 0 : i32
    %dma_wait3A_364 = tpu.memref_slice %arg14[%dma_wait3A_361, %dma_wait3A_363] : memref<20x80xf32, #tpu.memory_space<vmem>> -> memref<1x80xf32, #tpu.memory_space<vmem>>
    %dma_wait3A_365 = tpu.memref_squeeze %dma_wait3A_364 : memref<1x80xf32, #tpu.memory_space<vmem>> -> memref<80xf32, #tpu.memory_space<vmem>>
    %dma_wait3A_366 = arith.constant 0 : i32
    %dma_wait3A_367 = tpu.memref_slice %arg16[%dma_wait3A_362, %dma_wait3A_366] : memref<20x80xi32, #tpu.memory_space<vmem>> -> memref<1x80xi32, #tpu.memory_space<vmem>>
    %dma_wait3A_368 = tpu.memref_squeeze %dma_wait3A_367 : memref<1x80xi32, #tpu.memory_space<vmem>> -> memref<80xi32, #tpu.memory_space<vmem>>
    %dma_wait3A_369 = arith.constant 0 : i32
    %dma_wait3A_370 = tpu.memref_slice %arg18[%dma_wait3A_369] : memref<100096xf32, #tpu.memory_space<vmem_shared>> -> memref<100096xf32, #tpu.memory_space<vmem_shared>>
    tpu.wait_indirect_dma semaphore(%arg21 : memref<!tpu.dma_semaphore, #tpu.memory_space<semaphore_mem>>) src(%dma_wait3A_365 : memref<80xf32, #tpu.memory_space<vmem>>) dst(%dma_wait3A_370 : memref<100096xf32, #tpu.memory_space<vmem_shared>>)
    %dma_wait3A_371 = arith.constant 0 : i32
    %dma_wait3A_372 = arith.constant 0 : i32
    %dma_wait3A_373 = arith.constant 0 : i32
    %dma_wait3A_374 = tpu.memref_slice %arg15[%dma_wait3A_371, %dma_wait3A_373] : memref<20x80xf32, #tpu.memory_space<vmem>> -> memref<1x80xf32, #tpu.memory_space<vmem>>
    %dma_wait3A_375 = tpu.memref_squeeze %dma_wait3A_374 : memref<1x80xf32, #tpu.memory_space<vmem>> -> memref<80xf32, #tpu.memory_space<vmem>>
    %dma_wait3A_376 = arith.constant 0 : i32
    %dma_wait3A_377 = tpu.memref_slice %arg17[%dma_wait3A_372, %dma_wait3A_376] : memref<20x80xi32, #tpu.memory_space<vmem>> -> memref<1x80xi32, #tpu.memory_space<vmem>>
    %dma_wait3A_378 = tpu.memref_squeeze %dma_wait3A_377 : memref<1x80xi32, #tpu.memory_space<vmem>> -> memref<80xi32, #tpu.memory_space<vmem>>
    %dma_wait3A_379 = arith.constant 0 : i32
    %dma_wait3A_380 = tpu.memref_slice %arg18[%dma_wait3A_379] : memref<100096xf32, #tpu.memory_space<vmem_shared>> -> memref<100096xf32, #tpu.memory_space<vmem_shared>>
    tpu.wait_indirect_dma semaphore(%arg21 : memref<!tpu.dma_semaphore, #tpu.memory_space<semaphore_mem>>) src(%dma_wait3A_375 : memref<80xf32, #tpu.memory_space<vmem>>) dst(%dma_wait3A_380 : memref<100096xf32, #tpu.memory_space<vmem_shared>>)
    %dma_wait3A_381 = arith.constant 0 : i32
    %dma_wait3A_382 = arith.constant 0 : i32
    %dma_wait3A_383 = arith.constant 0 : i32
    %dma_wait3A_384 = tpu.memref_slice %arg14[%dma_wait3A_381, %dma_wait3A_383] : memref<20x80xf32, #tpu.memory_space<vmem>> -> memref<1x80xf32, #tpu.memory_space<vmem>>
    %dma_wait3A_385 = tpu.memref_squeeze %dma_wait3A_384 : memref<1x80xf32, #tpu.memory_space<vmem>> -> memref<80xf32, #tpu.memory_space<vmem>>
    %dma_wait3A_386 = arith.constant 0 : i32
    %dma_wait3A_387 = tpu.memref_slice %arg16[%dma_wait3A_382, %dma_wait3A_386] : memref<20x80xi32, #tpu.memory_space<vmem>> -> memref<1x80xi32, #tpu.memory_space<vmem>>
    %dma_wait3A_388 = tpu.memref_squeeze %dma_wait3A_387 : memref<1x80xi32, #tpu.memory_space<vmem>> -> memref<80xi32, #tpu.memory_space<vmem>>
    %dma_wait3A_389 = arith.constant 0 : i32
    %dma_wait3A_390 = tpu.memref_slice %arg18[%dma_wait3A_389] : memref<100096xf32, #tpu.memory_space<vmem_shared>> -> memref<100096xf32, #tpu.memory_space<vmem_shared>>
    tpu.wait_indirect_dma semaphore(%arg21 : memref<!tpu.dma_semaphore, #tpu.memory_space<semaphore_mem>>) src(%dma_wait3A_385 : memref<80xf32, #tpu.memory_space<vmem>>) dst(%dma_wait3A_390 : memref<100096xf32, #tpu.memory_space<vmem_shared>>)
    %dma_wait3A_391 = arith.constant 0 : i32
    %dma_wait3A_392 = arith.constant 0 : i32
    %dma_wait3A_393 = arith.constant 0 : i32
    %dma_wait3A_394 = tpu.memref_slice %arg15[%dma_wait3A_391, %dma_wait3A_393] : memref<20x80xf32, #tpu.memory_space<vmem>> -> memref<1x80xf32, #tpu.memory_space<vmem>>
    %dma_wait3A_395 = tpu.memref_squeeze %dma_wait3A_394 : memref<1x80xf32, #tpu.memory_space<vmem>> -> memref<80xf32, #tpu.memory_space<vmem>>
    %dma_wait3A_396 = arith.constant 0 : i32
    %dma_wait3A_397 = tpu.memref_slice %arg17[%dma_wait3A_392, %dma_wait3A_396] : memref<20x80xi32, #tpu.memory_space<vmem>> -> memref<1x80xi32, #tpu.memory_space<vmem>>
    %dma_wait3A_398 = tpu.memref_squeeze %dma_wait3A_397 : memref<1x80xi32, #tpu.memory_space<vmem>> -> memref<80xi32, #tpu.memory_space<vmem>>
    %dma_wait3A_399 = arith.constant 0 : i32
    %dma_wait3A_400 = tpu.memref_slice %arg18[%dma_wait3A_399] : memref<100096xf32, #tpu.memory_space<vmem_shared>> -> memref<100096xf32, #tpu.memory_space<vmem_shared>>
    tpu.wait_indirect_dma semaphore(%arg21 : memref<!tpu.dma_semaphore, #tpu.memory_space<semaphore_mem>>) src(%dma_wait3A_395 : memref<80xf32, #tpu.memory_space<vmem>>) dst(%dma_wait3A_400 : memref<100096xf32, #tpu.memory_space<vmem_shared>>)
    %dma_wait3A_401 = arith.constant 0 : i32
    %dma_wait3A_402 = arith.constant 0 : i32
    %dma_wait3A_403 = arith.constant 0 : i32
    %dma_wait3A_404 = tpu.memref_slice %arg14[%dma_wait3A_401, %dma_wait3A_403] : memref<20x80xf32, #tpu.memory_space<vmem>> -> memref<1x80xf32, #tpu.memory_space<vmem>>
    %dma_wait3A_405 = tpu.memref_squeeze %dma_wait3A_404 : memref<1x80xf32, #tpu.memory_space<vmem>> -> memref<80xf32, #tpu.memory_space<vmem>>
    %dma_wait3A_406 = arith.constant 0 : i32
    %dma_wait3A_407 = tpu.memref_slice %arg16[%dma_wait3A_402, %dma_wait3A_406] : memref<20x80xi32, #tpu.memory_space<vmem>> -> memref<1x80xi32, #tpu.memory_space<vmem>>
    %dma_wait3A_408 = tpu.memref_squeeze %dma_wait3A_407 : memref<1x80xi32, #tpu.memory_space<vmem>> -> memref<80xi32, #tpu.memory_space<vmem>>
    %dma_wait3A_409 = arith.constant 0 : i32
    %dma_wait3A_410 = tpu.memref_slice %arg18[%dma_wait3A_409] : memref<100096xf32, #tpu.memory_space<vmem_shared>> -> memref<100096xf32, #tpu.memory_space<vmem_shared>>
    tpu.wait_indirect_dma semaphore(%arg21 : memref<!tpu.dma_semaphore, #tpu.memory_space<semaphore_mem>>) src(%dma_wait3A_405 : memref<80xf32, #tpu.memory_space<vmem>>) dst(%dma_wait3A_410 : memref<100096xf32, #tpu.memory_space<vmem_shared>>)
    %dma_wait3A_411 = arith.constant 0 : i32
    %dma_wait3A_412 = arith.constant 0 : i32
    %dma_wait3A_413 = arith.constant 0 : i32
    %dma_wait3A_414 = tpu.memref_slice %arg15[%dma_wait3A_411, %dma_wait3A_413] : memref<20x80xf32, #tpu.memory_space<vmem>> -> memref<1x80xf32, #tpu.memory_space<vmem>>
    %dma_wait3A_415 = tpu.memref_squeeze %dma_wait3A_414 : memref<1x80xf32, #tpu.memory_space<vmem>> -> memref<80xf32, #tpu.memory_space<vmem>>
    %dma_wait3A_416 = arith.constant 0 : i32
    %dma_wait3A_417 = tpu.memref_slice %arg17[%dma_wait3A_412, %dma_wait3A_416] : memref<20x80xi32, #tpu.memory_space<vmem>> -> memref<1x80xi32, #tpu.memory_space<vmem>>
    %dma_wait3A_418 = tpu.memref_squeeze %dma_wait3A_417 : memref<1x80xi32, #tpu.memory_space<vmem>> -> memref<80xi32, #tpu.memory_space<vmem>>
    %dma_wait3A_419 = arith.constant 0 : i32
    %dma_wait3A_420 = tpu.memref_slice %arg18[%dma_wait3A_419] : memref<100096xf32, #tpu.memory_space<vmem_shared>> -> memref<100096xf32, #tpu.memory_space<vmem_shared>>
    tpu.wait_indirect_dma semaphore(%arg21 : memref<!tpu.dma_semaphore, #tpu.memory_space<semaphore_mem>>) src(%dma_wait3A_415 : memref<80xf32, #tpu.memory_space<vmem>>) dst(%dma_wait3A_420 : memref<100096xf32, #tpu.memory_space<vmem_shared>>)
    %dma_wait3A_421 = arith.constant 0 : i32
    %dma_wait3A_422 = arith.constant 0 : i32
    %dma_wait3A_423 = arith.constant 0 : i32
    %dma_wait3A_424 = tpu.memref_slice %arg14[%dma_wait3A_421, %dma_wait3A_423] : memref<20x80xf32, #tpu.memory_space<vmem>> -> memref<1x80xf32, #tpu.memory_space<vmem>>
    %dma_wait3A_425 = tpu.memref_squeeze %dma_wait3A_424 : memref<1x80xf32, #tpu.memory_space<vmem>> -> memref<80xf32, #tpu.memory_space<vmem>>
    %dma_wait3A_426 = arith.constant 0 : i32
    %dma_wait3A_427 = tpu.memref_slice %arg16[%dma_wait3A_422, %dma_wait3A_426] : memref<20x80xi32, #tpu.memory_space<vmem>> -> memref<1x80xi32, #tpu.memory_space<vmem>>
    %dma_wait3A_428 = tpu.memref_squeeze %dma_wait3A_427 : memref<1x80xi32, #tpu.memory_space<vmem>> -> memref<80xi32, #tpu.memory_space<vmem>>
    %dma_wait3A_429 = arith.constant 0 : i32
    %dma_wait3A_430 = tpu.memref_slice %arg18[%dma_wait3A_429] : memref<100096xf32, #tpu.memory_space<vmem_shared>> -> memref<100096xf32, #tpu.memory_space<vmem_shared>>
    tpu.wait_indirect_dma semaphore(%arg21 : memref<!tpu.dma_semaphore, #tpu.memory_space<semaphore_mem>>) src(%dma_wait3A_425 : memref<80xf32, #tpu.memory_space<vmem>>) dst(%dma_wait3A_430 : memref<100096xf32, #tpu.memory_space<vmem_shared>>)
    %dma_wait3A_431 = arith.constant 0 : i32
    %dma_wait3A_432 = arith.constant 0 : i32
    %dma_wait3A_433 = arith.constant 0 : i32
    %dma_wait3A_434 = tpu.memref_slice %arg15[%dma_wait3A_431, %dma_wait3A_433] : memref<20x80xf32, #tpu.memory_space<vmem>> -> memref<1x80xf32, #tpu.memory_space<vmem>>
    %dma_wait3A_435 = tpu.memref_squeeze %dma_wait3A_434 : memref<1x80xf32, #tpu.memory_space<vmem>> -> memref<80xf32, #tpu.memory_space<vmem>>
    %dma_wait3A_436 = arith.constant 0 : i32
    %dma_wait3A_437 = tpu.memref_slice %arg17[%dma_wait3A_432, %dma_wait3A_436] : memref<20x80xi32, #tpu.memory_space<vmem>> -> memref<1x80xi32, #tpu.memory_space<vmem>>
    %dma_wait3A_438 = tpu.memref_squeeze %dma_wait3A_437 : memref<1x80xi32, #tpu.memory_space<vmem>> -> memref<80xi32, #tpu.memory_space<vmem>>
    %dma_wait3A_439 = arith.constant 0 : i32
    %dma_wait3A_440 = tpu.memref_slice %arg18[%dma_wait3A_439] : memref<100096xf32, #tpu.memory_space<vmem_shared>> -> memref<100096xf32, #tpu.memory_space<vmem_shared>>
    tpu.wait_indirect_dma semaphore(%arg21 : memref<!tpu.dma_semaphore, #tpu.memory_space<semaphore_mem>>) src(%dma_wait3A_435 : memref<80xf32, #tpu.memory_space<vmem>>) dst(%dma_wait3A_440 : memref<100096xf32, #tpu.memory_space<vmem_shared>>)
    %barrier3A_441 = arith.constant 0 : index
    tpu.barrier barrier_id(%barrier3A_441)
    %mul3A_442 = arith.constant 6256 : i32
    %mul3A_443 = arith.muli %arg1, %mul3A_442 : i32
    "tpu.region"() ({
      %run_scoped3A = tpu.sem_alloc : memref<!tpu.dma_semaphore, #tpu.memory_space<semaphore_mem>>
      %dma_start3A_449 = arith.constant 0 : i32
      %dma_start3A_450 = tpu.memref_slice %arg7[%dma_start3A_449] : memref<100096xf32, #tpu.memory_space<vmem>> -> memref<6256xf32, #tpu.memory_space<vmem>>
      %dma_start3A_451 = tpu.memref_slice %arg18[%mul3A_443] : memref<100096xf32, #tpu.memory_space<vmem_shared>> -> memref<6256xf32, #tpu.memory_space<vmem_shared>>
      %dma_start3A_452 = arith.constant 0 : i32
      %dma_start3A_453 = tpu.memref_slice %arg7[%dma_start3A_452] : memref<100096xf32, #tpu.memory_space<vmem>> -> memref<6256xf32, #tpu.memory_space<vmem>>
      %dma_start3A_454 = tpu.memref_slice %arg18[%mul3A_443] : memref<100096xf32, #tpu.memory_space<vmem_shared>> -> memref<6256xf32, #tpu.memory_space<vmem_shared>>
      tpu.enqueue_dma source(%dma_start3A_454 : memref<6256xf32, #tpu.memory_space<vmem_shared>>) target(%dma_start3A_453 : memref<6256xf32, #tpu.memory_space<vmem>>) target_semaphore(%run_scoped3A : memref<!tpu.dma_semaphore, #tpu.memory_space<semaphore_mem>>)
      %dma_wait3A_455 = arith.constant 0 : i32
      %dma_wait3A_456 = tpu.memref_slice %arg7[%dma_wait3A_455] : memref<100096xf32, #tpu.memory_space<vmem>> -> memref<6256xf32, #tpu.memory_space<vmem>>
      %dma_wait3A_457 = tpu.memref_slice %arg18[%mul3A_443] : memref<100096xf32, #tpu.memory_space<vmem_shared>> -> memref<6256xf32, #tpu.memory_space<vmem_shared>>
      %dma_wait3A_458 = arith.constant 0 : i32
      %dma_wait3A_459 = tpu.memref_slice %arg7[%dma_wait3A_458] : memref<100096xf32, #tpu.memory_space<vmem>> -> memref<6256xf32, #tpu.memory_space<vmem>>
      %dma_wait3A_460 = tpu.memref_slice %arg18[%mul3A_443] : memref<100096xf32, #tpu.memory_space<vmem_shared>> -> memref<6256xf32, #tpu.memory_space<vmem_shared>>
      tpu.wait_dma2 semaphore(%run_scoped3A : memref<!tpu.dma_semaphore, #tpu.memory_space<semaphore_mem>>) src(%dma_wait3A_460 : memref<6256xf32, #tpu.memory_space<vmem_shared>>) dst(%dma_wait3A_459 : memref<6256xf32, #tpu.memory_space<vmem>>)
      tpu.yield
    }) : () -> ()
    %mul3A_444 = arith.constant 100096 : i32
    %mul3A_445 = arith.muli %arg0, %mul3A_444 : i32
    %mul3A_446 = arith.constant 6256 : i32
    %mul3A_447 = arith.muli %arg1, %mul3A_446 : i32
    %add3A_448 = arith.addi %mul3A_445, %mul3A_447 : i32
    "tpu.region"() ({
      %run_scoped3A = tpu.sem_alloc : memref<!tpu.dma_semaphore, #tpu.memory_space<semaphore_mem>>
      %dma_start3A_449 = arith.constant 0 : i32
      %dma_start3A_450 = tpu.memref_slice %arg7[%dma_start3A_449] : memref<100096xf32, #tpu.memory_space<vmem>> -> memref<6256xf32, #tpu.memory_space<vmem>>
      %dma_start3A_451 = tpu.memref_slice %arg6[%add3A_448] : memref<200192xf32, #tpu.memory_space<hbm>> -> memref<6256xf32, #tpu.memory_space<hbm>>
      %dma_start3A_452 = tpu.memref_slice %arg6[%add3A_448] : memref<200192xf32, #tpu.memory_space<hbm>> -> memref<6256xf32, #tpu.memory_space<hbm>>
      %dma_start3A_453 = arith.constant 0 : i32
      %dma_start3A_454 = tpu.memref_slice %arg7[%dma_start3A_453] : memref<100096xf32, #tpu.memory_space<vmem>> -> memref<6256xf32, #tpu.memory_space<vmem>>
      tpu.enqueue_dma source(%dma_start3A_454 : memref<6256xf32, #tpu.memory_space<vmem>>) target(%dma_start3A_452 : memref<6256xf32, #tpu.memory_space<hbm>>) target_semaphore(%run_scoped3A : memref<!tpu.dma_semaphore, #tpu.memory_space<semaphore_mem>>)
      %dma_wait3A_455 = arith.constant 0 : i32
      %dma_wait3A_456 = tpu.memref_slice %arg7[%dma_wait3A_455] : memref<100096xf32, #tpu.memory_space<vmem>> -> memref<6256xf32, #tpu.memory_space<vmem>>
      %dma_wait3A_457 = tpu.memref_slice %arg6[%add3A_448] : memref<200192xf32, #tpu.memory_space<hbm>> -> memref<6256xf32, #tpu.memory_space<hbm>>
      %dma_wait3A_458 = tpu.memref_slice %arg6[%add3A_448] : memref<200192xf32, #tpu.memory_space<hbm>> -> memref<6256xf32, #tpu.memory_space<hbm>>
      %dma_wait3A_459 = arith.constant 0 : i32
      %dma_wait3A_460 = tpu.memref_slice %arg7[%dma_wait3A_459] : memref<100096xf32, #tpu.memory_space<vmem>> -> memref<6256xf32, #tpu.memory_space<vmem>>
      tpu.wait_dma2 semaphore(%run_scoped3A : memref<!tpu.dma_semaphore, #tpu.memory_space<semaphore_mem>>) src(%dma_wait3A_460 : memref<6256xf32, #tpu.memory_space<vmem>>) dst(%dma_wait3A_458 : memref<6256xf32, #tpu.memory_space<hbm>>)
      tpu.yield
    }) : () -> ()
    return
  }
}

</mosaic_0001>

<sc_bundles>
// kernel: kernel.3.cloned.1.call-start
scs
__scs_entry_jumppad:
0x0: {  	(pc) =	sbr.rel $0x88, $3  }
0x1: {  	(tag) =	ssettag $0x0;
	lr =	simm.s32 $0x1  }
0x2: {  	[smem:$0x3F9E] =	sst lr;
	_ =	strace $0xD0000000  }
0x3: {  	_ = 	snop  }
0x4: {  	_ = 	snop  }
0x5: {  	_ = 	snop  }
0x6: {  	_ = 	snop  }
0x7: {  	_ = 	snop  }
__scs_overlays_trampoline_lowered:
0x8: {  	[smem:$0x3FAD] =	sst s0  }
0x9: {  	[smem:$0x3FAE] =	sst s1  }
0xa: {  	[smem:$0x3FAF] =	sst s2  }
0xb: {  	[smem:$0x3FB0] =	sst s3  }
0xc: {  	[smem:$0x3FB1] =	sst s4  }
0xd: {  	[smem:$0x3FB2] =	sst s5  }
0xe: {  	[smem:$0x3FB3] =	sst s6  }
0xf: {  	[smem:$0x3FB4] =	sst s7  }
0x10: {  	[smem:$0x3FB5] =	sst s8  }
0x11: {  	[smem:$0x3FB6] =	sst s9;
	s0 =	simm.s32 @!p0 $0x0  }
0x12: {  	s1 =	sld [smem:$0x3F9C];
	s0 =	simm.s32 @p0 $0x1  }
0x13: {  	[smem:$0x3FB7] =	sst s0;
	s0 =	simm.s32 @!p1 $0x0  }
0x14: {  	s2 =	sld [smem:$0x3F9B];
	s0 =	simm.s32 @p1 $0x1  }
0x15: {  	[smem:$0x3FB8] =	sst s0;
	s0 =	simm.s32 @!p2 $0x0  }
0x16: {  	s3 =	sld [smem:$0x3FDB];
	s0 =	simm.s32 @p2 $0x1  }
0x17: {  	s4 =	simm.s32 $0x1BF5;
	[smem:$0x3FBA] =	sst s0  }
0x18: {  	s0 =	sld [smem:$0x3F9D];
	_ =	swait.ge [sflag:s4], $0x0  }
0x19: {  	s7 =	sld [smem:$0x3F9E]  }
0x1a: {  	s8 =	sadd.s32 $0xFFFFE003, lr  }
0x1b: {  	s9 =	sadd.s32 $0xFFFFFEF7, lr;
	s5 =	simm.s32 $0xFFFFFFFF;
	p2 =	slt.u32 s8, $0xFFFFF086  }
0x1c: {  	p1 =	slt.u32 s9, $0xF7A;
	s5 =	simm.s32 @!p2 $0x0  }
0x1d: {  	s5 =	simm.s32 @p1 $0x1;
	p0 =	seq.s32 s7, s2  }
0x1e: {  	s7 =	smul.u32 @!p0 $0xF7A, s2;
	p2 =	seq.s32 @!p0 s5, $0x0  }
0x1f: {  	s9 =	smul.u32 $0xF7A, s1;
	s8 =	simm.s32 @!p0 $0x1BF5;
	p2 =	por !p2, p0  }
0x20: {  	[sflag:s8] =	ssyncset.s32 @!p0 $0xFFFFF086;
	s6 =	sadd.s32 @!p0 s3, s7;
	s7 =	simm.s32 @!p0 $0x108  }
0x21: {  	s3 =	sadd.s32 s3, s9;
	s6 =	sadd.s32 @!p0 $0x88, s6;
	s7 =	simm.s32 @p2 $0x1082  }
0x22: {  	[simem:s7], [sflag:s8] =	dma.local @!p0 [hbm:s6], $0xF7A  }
0x23: {  	s9 =	sor.u32 $0xD0000000, s2;
	s6 =	simm.s32 $0x108;
	_ =	swait.ge @!p0 [sflag:s8], $0x0  }
0x24: {  	s3 =	sadd.s32 $0x88, s3;
	s6 =	simm.s32 @!p1 $0x1082;
	[sflag:s4] =	ssyncset.s32 $0xFFFFF086  }
0x25: {  	[simem:s6], [sflag:s4] =	dma.local [hbm:s3], $0xF7A  }
0x26: {  	[smem:$0x3F9E] =	sst s1;
	(tag) =	ssettag s2;
	_ =	strace s9  }
0x27: {  	s1 =	sld [smem:$0x3FAE]  }
0x28: {  	s2 =	sld [smem:$0x3FAF]  }
0x29: {  	s4 =	sld [smem:$0x3FB1]  }
0x2a: {  	p0 =	seq.s32 s5, $0x0;
	s5 =	sld [smem:$0x3FB2]  }
0x2b: {  	s6 =	sld [smem:$0x3FB3]  }
0x2c: {  	s7 =	sld [smem:$0x3FB4]  }
0x2d: {  	s3 =	simm.s32 $0x108;
	s8 =	sld [smem:$0x3FB5]  }
0x2e: {  	s3 =	simm.s32 @!p0 $0x1082;
	s9 =	sld [smem:$0x3FB6]  }
0x2f: {  	lr =	sadd.s32 s0, s3;
	s0 =	sld [smem:$0x3FAD]  }
0x30: {  	s3 =	sld [smem:$0x3FB0]  }
0x31: {  	[smem:$0x3FB9] =	sst s10  }
0x32: {  	s10 =	sld [smem:$0x3FB7];
	_ =	sdelay $0x3  }
0x33: {  	p0 =	seq.s32 s10, $0x1;
	s10 =	sld [smem:$0x3FB9];
	_ =	sdelay $0x3  }
0x34: {  	[smem:$0x3FB9] =	sst s10  }
0x35: {  	s10 =	sld [smem:$0x3FB8];
	_ =	sdelay $0x3  }
0x36: {  	p1 =	seq.s32 s10, $0x1;
	s10 =	sld [smem:$0x3FB9];
	_ =	sdelay $0x3  }
0x37: {  	[smem:$0x3FB9] =	sst s10  }
0x38: {  	s10 =	sld [smem:$0x3FBA]  }
0x39: {  	_ = 	snop;
	(pc) =	sbr.ind lr, $3  }
0x3a: {  	_ = 	snop  }
0x3b: {  	_ = 	snop  }
0x3c: {  	p2 =	seq.s32 s10, $0x1;
	s10 =	sld [smem:$0x3FB9]  }
0x3d: {  	_ =	shalt  }
0x3e: {  	_ =	shalt  }
0x3f: {  	_ =	shalt  }
0x40: {  	_ =	shalt  }
0x41: {  	_ =	shalt  }
0x42: {  	_ =	shalt  }
0x43: {  	_ =	shalt  }
0x44: {  	_ =	shalt  }
0x45: {  	_ =	shalt  }
0x46: {  	_ =	shalt  }
0x47: {  	_ =	shalt  }
0x48: {  	_ =	shalt  }
0x49: {  	_ =	shalt  }
0x4a: {  	_ =	shalt  }
0x4b: {  	_ =	shalt  }
0x4c: {  	_ =	shalt  }
0x4d: {  	_ =	shalt  }
0x4e: {  	_ =	shalt  }
0x4f: {  	_ =	shalt  }
0x50: {  	_ =	shalt  }
0x51: {  	_ =	shalt  }
0x52: {  	_ =	shalt  }
0x53: {  	_ =	shalt  }
0x54: {  	_ =	shalt  }
0x55: {  	_ =	shalt  }
0x56: {  	_ =	shalt  }
0x57: {  	_ =	shalt  }
0x58: {  	_ =	shalt  }
0x59: {  	_ =	shalt  }
0x5a: {  	_ =	shalt  }
0x5b: {  	_ =	shalt  }
0x5c: {  	_ =	shalt  }
0x5d: {  	_ =	shalt  }
0x5e: {  	_ =	shalt  }
0x5f: {  	_ =	shalt  }
0x60: {  	_ =	shalt  }
0x61: {  	_ =	shalt  }
0x62: {  	_ =	shalt  }
0x63: {  	_ =	shalt  }
0x64: {  	_ =	shalt  }
0x65: {  	_ =	shalt  }
0x66: {  	_ =	shalt  }
0x67: {  	_ =	shalt  }
0x68: {  	_ =	shalt  }
0x69: {  	_ =	shalt  }
0x6a: {  	_ =	shalt  }
0x6b: {  	_ =	shalt  }
0x6c: {  	_ =	shalt  }
0x6d: {  	_ =	shalt  }
0x6e: {  	_ =	shalt  }
0x6f: {  	_ =	shalt  }
0x70: {  	_ =	shalt  }
0x71: {  	_ =	shalt  }
0x72: {  	_ =	shalt  }
0x73: {  	_ =	shalt  }
0x74: {  	_ =	shalt  }
0x75: {  	_ =	shalt  }
0x76: {  	_ =	shalt  }
0x77: {  	_ =	shalt  }
0x78: {  	_ =	shalt  }
0x79: {  	_ =	shalt  }
0x7a: {  	_ =	shalt  }
0x7b: {  	_ =	shalt  }
0x7c: {  	_ =	shalt  }
0x7d: {  	_ =	shalt  }
0x7e: {  	_ =	shalt  }
0x7f: {  	_ =	shalt  }
0x80: {  	_ =	shalt  }
0x81: {  	_ =	shalt  }
0x82: {  	_ =	shalt  }
0x83: {  	_ =	shalt  }
0x84: {  	_ =	shalt  }
0x85: {  	_ =	shalt  }
0x86: {  	_ =	shalt  }
0x87: {  	_ =	shalt  }
.Lfunc_end0:
.L_simem_size_0:
called_computation_lowered:
.L_overlay_start_0:
0x88: {  	s2 =	sld [smem:$0x3FD9]  }
0x89: {  	s3 =	sld [smem:$0x3FFE];
	_ =	sdelay $0x1  }
0x8a: {  	s1 =	srdreg.scid  }
0x8b: {  	s0 =	sand.u32 $0x1, s1  }
0x8c: {  	s17 =	sshll.u32 s0, $0xA;
	s2 =	sadd.s32 s3, s2  }
0x8d: {  	s2 =	sadd.s32 s2, s17  }
0x8e: {  	[smem:$0x3FC5] =	sst s2  }
0x8f: {  	_ = 	snop  }
0x90: {  	s2 =	sld [smem:$0x3FC7];
	(tm) =	ssettm $0x1  }
0x91: {  	s18 =	sld [smem:$0x3FFB];
	_ =	sdelay $0x3  }
0x92: {  	_ =	strace s18  }
0x93: {  	s3 =	sld [smem:$0x3FFC];
	_ =	sdelay $0x3  }
0x94: {  	_ =	strace s3  }
0x95: {  	s3 =	sld [smem:$0x3FFD];
	_ =	sdelay $0x3  }
0x96: {  	_ =	strace s3  }
0x97: {  	_ =	strace $0x8FFFFFFF  }
0x98: {  	s19 =	sld [smem:$0x3FDB];
	_ =	sdelay $0x1  }
0x99: {  	s4 =	simm.s32 $_scs_section_size  }
0x9a: {  	s5 =	simm.s32 $_size__tile_overlayer_lowered;
	s6 =	simm.s32 $_tile_overlayer_lowered  }
0x9b: {  	s22 =	simm.s32 $0x1BFF;
	s21 =	sshll.u32 s6, $0x1;
	s3 =	sadd.s32 s4, s19  }
0x9c: {  	s7 =	simm.s32 $0x0;
	s20 =	sshll.u32 s5, $0x1;
	s5 =	sadd.s32 s21, s3  }
0x9d: {  	[timem:s7], [sflag:s22] =	dma.local [hbm:s5], s20  }
0x9e: {  	_ =	swait.ge [sflag:s22], s20  }
0x9f: {  	s4 =	ssub.s32 $0x0, s20;
	[sflag:s22] =	ssyncset.done $0x0  }
0xa0: {  	[sflag:s22] =	ssyncadd.s32 s4;
	_ =	sdelay $0x1  }
0xa1: {  	s23 =	simm.s32 $0x1B8B  }
0xa2: {  	_ =	swait.ge [sflag:s23], $0x1  }
0xa3: {  	[sflag:s23] =	ssyncset.done $0x0  }
0xa4: {  	s25 =	simm.s32 $0x1B8E;
	s24 =	sld [smem:$0x3FFE];
	[sflag:s23] =	ssyncadd.s32 $0xFFFFFFFF  }
0xa5: {  	s26 =	simm.s32 $execute0_lowered;
	[smem:$0x3FD2] =	sst s25  }
0xa6: {  	s5 =	sshll.u32 s26, $0x1;
	_ =	strace $0x80000046;
	[dreg:$0x1] =	wrdreg $0xFFFFFFFF  }
0xa7: {  	s28 =	simm.s32 $_size_execute0_lowered;
	s3 =	sadd.s32 s3, s5;
	[dreg:$0x0] =	wrdreg $0x0  }
0xa8: {  	s5 =	sshll.u32 s28, $0x1;
	[dreg:$0x2] =	wrdreg s3  }
0xa9: {  	[dreg:$0x3] =	wrdreg s5  }
0xaa: {  	[dreg:$0x4] =	wrdreg $0xC0  }
0xab: {  	_ =	task [dreg:s7], $0x5FFFF  }
0xac: {  	[dreg:$0x1] =	wrdreg $0xFFFFFFFF  }
0xad: {  	[dreg:$0x0] =	wrdreg $0x60  }
0xae: {  	[dreg:$0x2] =	wrdreg s24  }
0xaf: {  	[dreg:$0x3] =	wrdreg s2  }
0xb0: {  	[dreg:$0x4] =	wrdreg $0x1DE000  }
0xb1: {  	[dreg:$0x5] =	wrdreg $0x9  }
0xb2: {  	_ =	task.clear_ibuf [dreg:s7], $0x6FFFF;
	_ =	strace $0x90000046  }
0xb3: {  	s29 =	simm.s32 $0x9;
	_ =	strace $0x80000048  }
0xb4: {  	_ =	swait.ge [sflag:s29], $0x1  }
0xb5: {  	[sflag:s29] =	ssyncadd.s32 $0xFFFFFFFF  }
0xb6: {  	_ =	strace $0x90000048  }
0xb7: {  	_ =	sfence  }
0xb8: {  	s30 =	sld [smem:$0x0];
	_ =	sdelay $0x2  }
0xb9: {  	s31 =	sshll.u32 s1, $0xD;
	s1 =	sshrl.u32 s1, $0x2  }
0xba: {  	s3 =	sand.u32 $0x4000, s31;
	s1 =	sadd.s32 s1, s30  }
0xbb: {  	s0 =	sor.u32 s3, s0;
	s1 =	sshll.u32 s1, $0x11  }
0xbc: {  	s0 =	sor.u32 s1, s0  }
0xbd: {  	s0 =	sadd.s32 $0x8F2B, s0  }
0xbe: {  	[sflag:s0] =	ssyncadd.remote.s32 $0x1  }
0xbf: {  	_ =	sfence.sel $0xFFFF  }
0xc0: {  	[dreg:$0x0] =	wrdreg $0xFFFFFFFF;
	(pc) =	sbr.abs _section_cstart, $3  }
0xc1: {  	[dreg:$0x1] =	wrdreg $0xFFFFFFFF  }
0xc2: {  	_ =	task.clear_ibuf [dreg:s7], $0x2FFFF;
	_ =	strace $0x9FFFFFFF  }
0xc3: {  	(tm) =	ssettm $0x7FFFFFFF  }
tec
execute0_lowered:
.L_overlay_start_1:
0x0: {  	(tag) =	ssettag $0x1  }
0x1: {  	s0 =	rddreg [dreg:$0x0]  }
0x2: {  	s2 =	rddreg [dreg:$0x1]  }
0x3: {  	s3 =	rddreg [dreg:$0x2];
	s1 =	srdreg.scid  }
0x4: {  	s8 =	stileid.u32;
	s4 =	simm.s32 $0x0;
	s17 =	simm.s32 $0x18700  }
0x5: {  	s18 =	simm.s32 $0x18D80;
	s19 =	simm.s32 $0x19400;
	s20 =	simm.s32 $0x1  }
0x6: {  	s21 =	simm.s32 $0x19A80;
	s22 =	simm.s32 $0x1A100;
	s28 =	simm.s32 $0x0  }
0x7: {  	s29 =	simm.s32 $0x0;
	s1 =	sand.u32 $0x1, s1;
	s5 =	smul.u32 $0x1870, s8  }
0x8: {  	[smem:$0x7FF] =	sst s4;
	s9 =	sadd.s32 $0x187000, s0;
	s7 =	smul.u32 $0x18700, s1  }
0x9: {  	s6 =	sshll.u32 s1, $0x4;
	_ =	strace $0x80000047;
	[dreg:$0x4] =	wrdreg s9  }
0xa: {  	s1 =	ssub.s32 $0x2, s1;
	s8 =	sor.u32 s8, s6;
	s6 =	sadd.s32 $0xC3A00, s0  }
0xb: {  	s24 =	sshrl.u32 s1, $0x1;
	s23 =	sadd.s32 s5, s7;
	s8 =	smul.u32 $0x30D40, s8  }
0xc: {  	s7 =	sadd.s32 $0x400, s0;
	s1 =	ssub.s32 s1, s24;
	s5 =	sadd.s32 s5, s3  }
0xd: {  	s24 =	simm.s32 $0x50;
	s9 =	sshrl.u32 s23, $0x3;
	s31 =	smax.u32 s1, $0x1  }
0xe: {  	s23 =	simm.s32 $0x1A780;
	[dreg:$0x5] =	wrdreg s5;
	s10 =	sshrl.u32 s8, $0x3  }
0xf: {  	s0 =	sadd.s32 s9, s0;
	[dreg:$0xa] =	wrdreg s31;
	s25 =	sadd.s32 s6, s10  }
0x10: {  	s12 =	sadd.s32 $0x640, s8;
	s26 =	sadd.s32 s7, s10;
	[dreg:$0x6] =	wrdreg s25  }
0x11: {  	s13 =	sadd.s32 $0xC80, s8;
	s30 =	sadd.s32 s2, s10;
	[dreg:$0x7] =	wrdreg s26  }
0x12: {  	s8 =	simm.s32 $0x4;
	s0 =	sadd.s32 $0x18A200, s0;
	[dreg:$0x8] =	wrdreg s30  }
0x13: {  	v0 =	vimm.f32 $0.0e+00;
	[dreg:$0x9] =	wrdreg s0;
	s25 =	simm.s32 $0x3;
	s26 =	simm.s32 $0x2  }
.LBB2_1:
0x14: {  	s0 =	simm.s32 $0x40;
	s1 =	simm.s32 $0x0  }
.LBB2_2:
0x15: {  	p0 =	sne.s32 s0, $0x6180;
	[tilespmem:s1+$0x0] =	vst v0;
	s1 =	smov.u32 s0;
	s0 =	sadd.s32 $0x40, s0  }
.Ltmp0:
0x16: {  	(pc) =	sbr.rel @p0 .LBB2_2-.Ltmp0, $2  }
0x17: {  	_ =	sdelay $0x2  }
0x18: {  	s1 =	sshra.s32 s1, $0x2  }
0x19: {  	[tilespmem:s1+$0x0] =	vst v0  }
0x1a: {  	[spmem:s5] =	stream.linear.scatter [tilespmem:s29], [sflag:$0x4], $0x1870, $0x38;
	[tilespmem:$0x1F670] =	vst v63  }
0x1b: {  	_ =	swait.ge [sflag:s8], $0x1870  }
0x1c: {  	[sflag:s8] =	ssyncset.done $0x0  }
0x1d: {  	s0 =	rddreg [dreg:$0x4];
	[sflag:s8] =	ssyncadd.s32 $0xFFFFE790  }
0x1e: {  	[tilespmem:s29], [sflag:$0x4] =	stream.linear.gather [hbm4b:s0+s29], $0x18700, $0x38;
	[tilespmem:$0x1F670] =	vst v63  }
0x1f: {  	_ =	swait.ge [sflag:s8], $0x18700  }
0x20: {  	[sflag:s8] =	ssyncset.done $0x0  }
0x21: {  	[sflag:s8] =	ssyncadd.s32 $0xFFFE7900  }
0x22: {  	[bflag:$0x0] =	sbarrier.arrive $0xFFFF  }
0x23: {  	s15 =	rddreg [dreg:$0x6]  }
0x24: {  	[tilespmem:s17], [sflag:$0x1] =	stream.linear.gather [hbm4b:s15+s29], $0x640, $0x38;
	[tilespmem:$0x1F670] =	vst v63  }
0x25: {  	s16 =	rddreg [dreg:$0x7]  }
0x26: {  	[tilespmem:s18], [sflag:$0x1] =	stream.linear.gather [hbm4b:s16+s29], $0x640, $0x38;
	[tilespmem:$0x1F670] =	vst v63  }
0x27: {  	s30 =	simm.s32 $0x0;
	s31 =	rddreg [dreg:$0x8]  }
0x28: {  	[tilespmem:s19], [sflag:$0x1] =	stream.linear.gather [hbm4b:s31+s29], $0x640, $0x38;
	[tilespmem:$0x1F670] =	vst v63  }
.LBB2_4:
0x29: {  	_ =	swait.ge [sflag:s20], $0x640  }
0x2a: {  	[sflag:s20] =	ssyncset.done $0x0  }
0x2b: {  	[sflag:s20] =	ssyncadd.s32 $0xFFFFF9C0  }
0x2c: {  	_ =	swait.ge [sflag:s20], $0x640  }
0x2d: {  	s31 =	smul.u32 $0xC80, s30;
	[sflag:s20] =	ssyncset.done $0x0  }
0x2e: {  	[sflag:s20] =	ssyncadd.s32 $0xFFFFF9C0  }
0x2f: {  	s0 =	sadd.s32 s31, s12;
	_ =	swait.ge [sflag:s20], $0x640  }
0x30: {  	s0 =	sshrl.u32 s0, $0x3;
	[sflag:s20] =	ssyncset.done $0x0  }
0x31: {  	s1 =	sadd.s32 s6, s0;
	[sflag:s20] =	ssyncadd.s32 $0xFFFFF9C0  }
0x32: {  	[tilespmem:s21], [sflag:$0x2] =	stream.linear.gather [hbm4b:s1+s29], $0x640, $0x38;
	[tilespmem:$0x1F670] =	vst v63  }
0x33: {  	s16 =	sadd.s32 s7, s0  }
0x34: {  	[tilespmem:s22], [sflag:$0x2] =	stream.linear.gather [hbm4b:s16+s29], $0x640, $0x38;
	[tilespmem:$0x1F670] =	vst v63  }
0x35: {  	s0 =	sadd.s32 s2, s0  }
0x36: {  	[tilespmem:s23], [sflag:$0x2] =	stream.linear.gather [hbm4b:s0+s29], $0x640, $0x38;
	[tilespmem:$0x1F670] =	vst v63  }
0x37: {  	s0 =	simm.s32 $0x19420  }
0x38: {  	v1 =	vld [tilespmem:s0+$0xFFFFFFE0];
	_ =	sdelay $0x2  }
0x39: {  	s1 =	simm.s32 $0x18DA0  }
0x3a: {  	s5 =	simm.s32 $0x18720;
	v2 =	vld [tilespmem:s1+$0xFFFFFFE0]  }
0x3b: {  	v3 =	vld [tilespmem:s5+$0xFFFFFFE0];
	(erf) = vrcp.f32 v1;
	_ =	sdelay $0x6  }
0x3c: {  	v1 =	vld.idx.msk [tilespmem:v2+s4+$0x0], $0xffff  }
0x3d: {  	v4 =	vld.idx.msk [tilespmem:v3+s4+$0x0], $0xffff  }
0x3e: {  	v5 =	vpop (erf)  }
0x3f: {  	v5 =	vmul.f32 $5.000000000e-01, v5  }
0x40: {  	s9 =	simm.s32 $0x0  }
0x41: {  	[tilespmem:s9+$0x1D200] =	vst v2;
	v1 =	vmul.f32 v5, v1  }
0x42: {  	[tilespmem:s9+$0x1C600] =	vst v3;
	v2 =	vmul.f32 v5, v4  }
0x43: {  	[tilespmem:s9+$0x1AE00] =	vst v1  }
0x44: {  	[tilespmem:s9+$0x1BA00] =	vst v2  }
0x45: {  	v1 =	vld [tilespmem:s0+$0xFFFFFFF0];
	_ =	sdelay $0x3  }
0x46: {  	v2 =	vld [tilespmem:s1+$0xFFFFFFF0]  }
0x47: {  	v3 =	vld [tilespmem:s5+$0xFFFFFFF0];
	(erf) = vrcp.f32 v1;
	_ =	sdelay $0x6  }
0x48: {  	v1 =	vld.idx.msk [tilespmem:v2+s4+$0x0], $0xffff  }
0x49: {  	v56 =	vld.idx.msk [tilespmem:v3+s4+$0x0], $0xffff  }
0x4a: {  	v57 =	vpop (erf)  }
0x4b: {  	v5 =	vmul.f32 $5.000000000e-01, v57;
	_ =	sdelay $0x1  }
0x4c: {  	[tilespmem:s9+$0x1D210] =	vst v2;
	v1 =	vmul.f32 v5, v1  }
0x4d: {  	[tilespmem:s9+$0x1C610] =	vst v3;
	v2 =	vmul.f32 v5, v56  }
0x4e: {  	[tilespmem:s9+$0x1AE10] =	vst v1  }
0x4f: {  	[tilespmem:s9+$0x1BA10] =	vst v2  }
0x50: {  	v1 =	vld [tilespmem:s0+$0x0];
	_ =	sdelay $0x3  }
0x51: {  	v2 =	vld [tilespmem:s1+$0x0]  }
0x52: {  	v3 =	vld [tilespmem:s5+$0x0];
	(erf) = vrcp.f32 v1;
	_ =	sdelay $0x6  }
0x53: {  	v1 =	vld.idx.msk [tilespmem:v2+s4+$0x0], $0xffff  }
0x54: {  	v58 =	vld.idx.msk [tilespmem:v3+s4+$0x0], $0xffff  }
0x55: {  	v59 =	vpop (erf)  }
0x56: {  	v5 =	vmul.f32 $5.000000000e-01, v59;
	_ =	sdelay $0x1  }
0x57: {  	[tilespmem:s9+$0x1C620] =	vst v3;
	v1 =	vmul.f32 v5, v1  }
0x58: {  	[tilespmem:s9+$0x1D220] =	vst v2;
	v2 =	vmul.f32 v5, v58  }
0x59: {  	[tilespmem:s9+$0x1AE20] =	vst v1  }
0x5a: {  	[tilespmem:s9+$0x1BA20] =	vst v2  }
0x5b: {  	v1 =	vld [tilespmem:s0+$0x10];
	_ =	sdelay $0x3  }
0x5c: {  	v2 =	vld [tilespmem:s1+$0x10]  }
0x5d: {  	v3 =	vld [tilespmem:s5+$0x10];
	(erf) = vrcp.f32 v1;
	_ =	sdelay $0x6  }
0x5e: {  	v1 =	vld.idx.msk [tilespmem:v2+s4+$0x0], $0xffff  }
0x5f: {  	v60 =	vld.idx.msk [tilespmem:v3+s4+$0x0], $0xffff  }
0x60: {  	v61 =	vpop (erf)  }
0x61: {  	v5 =	vmul.f32 $5.000000000e-01, v61;
	_ =	sdelay $0x1  }
0x62: {  	[tilespmem:s9+$0x1C630] =	vst v3;
	v1 =	vmul.f32 v5, v1  }
0x63: {  	[tilespmem:s9+$0x1D230] =	vst v2;
	v2 =	vmul.f32 v5, v60  }
0x64: {  	[tilespmem:s9+$0x1AE30] =	vst v1  }
0x65: {  	[tilespmem:s9+$0x1BA30] =	vst v2  }
0x66: {  	v1 =	vld [tilespmem:s0+$0x20];
	_ =	sdelay $0x2  }
0x67: {  	v2 =	vld [tilespmem:s1+$0x20]  }
0x68: {  	v3 =	vld [tilespmem:s5+$0x20]  }
0x69: {  	(erf) = vrcp.f32 v1;
	_ =	sdelay $0x5  }
0x6a: {  	v1 =	vld.idx.msk [tilespmem:v2+s4+$0x0], $0xffff  }
0x6b: {  	v62 =	vld.idx.msk [tilespmem:v3+s4+$0x0], $0xffff;
	_ =	sdelay $0x1  }
0x6c: {  	v63 =	vpop (erf)  }
0x6d: {  	v5 =	vmul.f32 $5.000000000e-01, v63  }
0x6e: {  	s10 =	simm.s32 $0x200;
	s11 =	simm.s32 $0x1AE00;
	[tilespmem:s9+$0x1C640] =	vst v3  }
0x6f: {  	s14 =	simm.s32 $0x1C600;
	s15 =	simm.s32 $0x1BA00;
	s8 =	simm.s32 $0x1D200;
	[tilespmem:s9+$0x1D240] =	vst v2;
	v2 =	vmul.f32 v5, v1;
	v1 =	vmul.f32 v5, v62  }
.LBB2_5:
0x70: {  	s0 =	sadd.s32 $0x50, s0;
	s1 =	sadd.s32 $0x50, s1;
	s5 =	sadd.s32 $0x50, s5  }
0x71: {  	p0 =	sne.s32 s10, $0x2600;
	s16 =	smov.u32 s10;
	s10 =	sadd.s32 $0x200, s10;
	[tilespmem:s9+$0x1AE40] =	vst v2  }
0x72: {  	[tilespmem:s9+$0x1BA40] =	vst v1  }
0x73: {  	[spmem:s3] =	stream.indirect.scatter.add.f32 [tilespmem:s11], [sflag:$0x3], $0x1, s14, s24, $0xb8;
	[tilespmem:$0x1F670] =	vst v63  }
0x74: {  	_ = 	snop  }
0x75: {  	[spmem:s3] =	stream.indirect.scatter.add.f32 [tilespmem:s15], [sflag:$0x3], $0x1, s8, s24, $0xb8;
	[tilespmem:$0x1F670] =	vst v63  }
0x76: {  	v1 =	vld [tilespmem:s0+$0xFFFFFFE0];
	_ =	sdelay $0x1  }
0x77: {  	v2 =	vld [tilespmem:s5+$0xFFFFFFE0]  }
0x78: {  	v3 =	vld [tilespmem:s1+$0xFFFFFFE0];
	_ =	sdelay $0x1  }
0x79: {  	(erf) = vrcp.f32 v1;
	_ =	sdelay $0x4  }
0x7a: {  	v1 =	vld.idx.msk [tilespmem:v2+s4+$0x0], $0xffff  }
0x7b: {  	v4 =	vld.idx.msk [tilespmem:v3+s4+$0x0], $0xffff;
	_ =	sdelay $0x2  }
0x7c: {  	v5 =	vpop (erf)  }
0x7d: {  	v5 =	vmul.f32 $5.000000000e-01, v5  }
0x7e: {  	s9 =	sshra.s32 s16, $0x2  }
0x7f: {  	v4 =	vmul.f32 v5, v4;
	v1 =	vmul.f32 v5, v1;
	[tilespmem:s9+$0x1D200] =	vst v3  }
0x80: {  	[tilespmem:s9+$0x1C600] =	vst v2  }
0x81: {  	[tilespmem:s9+$0x1AE00] =	vst v4  }
0x82: {  	[tilespmem:s9+$0x1BA00] =	vst v1  }
0x83: {  	v1 =	vld [tilespmem:s0+$0xFFFFFFF0];
	_ =	sdelay $0x1  }
0x84: {  	v2 =	vld [tilespmem:s1+$0xFFFFFFF0]  }
0x85: {  	v3 =	vld [tilespmem:s5+$0xFFFFFFF0];
	_ =	sdelay $0x1  }
0x86: {  	(erf) = vrcp.f32 v1;
	_ =	sdelay $0x4  }
0x87: {  	v1 =	vld.idx.msk [tilespmem:v2+s4+$0x0], $0xffff  }
0x88: {  	v4 =	vld.idx.msk [tilespmem:v3+s4+$0x0], $0xffff;
	_ =	sdelay $0x2  }
0x89: {  	v5 =	vpop (erf)  }
0x8a: {  	v5 =	vmul.f32 $5.000000000e-01, v5;
	_ =	sdelay $0x1  }
0x8b: {  	v1 =	vmul.f32 v5, v1;
	v4 =	vmul.f32 v5, v4;
	[tilespmem:s9+$0x1D210] =	vst v2  }
0x8c: {  	[tilespmem:s9+$0x1C610] =	vst v3  }
0x8d: {  	[tilespmem:s9+$0x1AE10] =	vst v1  }
0x8e: {  	[tilespmem:s9+$0x1BA10] =	vst v4  }
0x8f: {  	v1 =	vld [tilespmem:s0+$0x0];
	_ =	sdelay $0x1  }
0x90: {  	v2 =	vld [tilespmem:s1+$0x0]  }
0x91: {  	v3 =	vld [tilespmem:s5+$0x0];
	_ =	sdelay $0x1  }
0x92: {  	(erf) = vrcp.f32 v1;
	_ =	sdelay $0x4  }
0x93: {  	v1 =	vld.idx.msk [tilespmem:v2+s4+$0x0], $0xffff  }
0x94: {  	v4 =	vld.idx.msk [tilespmem:v3+s4+$0x0], $0xffff  }
0x95: {  	[tilespmem:s9+$0x1C620] =	vst v3  }
0x96: {  	[tilespmem:s9+$0x1D220] =	vst v2  }
0x97: {  	v2 =	vpop (erf)  }
0x98: {  	v2 =	vmul.f32 $5.000000000e-01, v2;
	_ =	sdelay $0x1  }
0x99: {  	v1 =	vmul.f32 v2, v1;
	v2 =	vmul.f32 v2, v4;
	_ =	sdelay $0x1  }
0x9a: {  	[tilespmem:s9+$0x1AE20] =	vst v1  }
0x9b: {  	[tilespmem:s9+$0x1BA20] =	vst v2  }
0x9c: {  	v1 =	vld [tilespmem:s0+$0x10]  }
0x9d: {  	v2 =	vld [tilespmem:s1+$0x10];
	_ =	sdelay $0x1  }
0x9e: {  	v3 =	vld [tilespmem:s5+$0x10];
	_ =	sdelay $0x1  }
0x9f: {  	(erf) = vrcp.f32 v1;
	_ =	sdelay $0x4  }
0xa0: {  	v1 =	vld.idx.msk [tilespmem:v2+s4+$0x0], $0xffff  }
0xa1: {  	v4 =	vld.idx.msk [tilespmem:v3+s4+$0x0], $0xffff  }
0xa2: {  	[tilespmem:s9+$0x1C630] =	vst v3  }
0xa3: {  	[tilespmem:s9+$0x1D230] =	vst v2  }
0xa4: {  	v2 =	vpop (erf)  }
0xa5: {  	v2 =	vmul.f32 $5.000000000e-01, v2;
	_ =	sdelay $0x1  }
0xa6: {  	v1 =	vmul.f32 v2, v1;
	v2 =	vmul.f32 v2, v4;
	_ =	sdelay $0x1  }
0xa7: {  	[tilespmem:s9+$0x1AE30] =	vst v1  }
0xa8: {  	[tilespmem:s9+$0x1BA30] =	vst v2  }
0xa9: {  	v1 =	vld [tilespmem:s0+$0x20]  }
0xaa: {  	v2 =	vld [tilespmem:s1+$0x20]  }
0xab: {  	v3 =	vld [tilespmem:s5+$0x20];
	_ =	sdelay $0x2  }
0xac: {  	(erf) = vrcp.f32 v1;
	_ =	sdelay $0x3  }
0xad: {  	v1 =	vld.idx.msk [tilespmem:v2+s4+$0x0], $0xffff  }
0xae: {  	v4 =	vld.idx.msk [tilespmem:v3+s4+$0x0], $0xffff  }
0xaf: {  	[tilespmem:s9+$0x1C640] =	vst v3  }
0xb0: {  	[tilespmem:s9+$0x1D240] =	vst v2  }
.Ltmp1:
0xb1: {  	(pc) =	sbr.rel @p0 .LBB2_5-.Ltmp1, $3  }
0xb2: {  	v2 =	vpop (erf)  }
0xb3: {  	s11 =	sadd.s32 $0x1AE00, s9;
	s14 =	sadd.s32 $0x1C600, s9;
	v3 =	vmul.f32 $5.000000000e-01, v2;
	_ =	sdelay $0x1  }
0xb4: {  	s15 =	sadd.s32 $0x1BA00, s9;
	s8 =	sadd.s32 $0x1D200, s9;
	v2 =	vmul.f32 v3, v1;
	v1 =	vmul.f32 v3, v4  }
0xb5: {  	_ = 	snop  }
0xb6: {  	[tilespmem:s9+$0x1AE40] =	vst v2  }
0xb7: {  	[tilespmem:s9+$0x1BA40] =	vst v1  }
0xb8: {  	[spmem:s3] =	stream.indirect.scatter.add.f32 [tilespmem:s11], [sflag:$0x3], $0x1, s14, s24, $0xb8;
	[tilespmem:$0x1F670] =	vst v63  }
0xb9: {  	_ = 	snop  }
0xba: {  	[spmem:s3] =	stream.indirect.scatter.add.f32 [tilespmem:s15], [sflag:$0x3], $0x1, s8, s24, $0xb8;
	[tilespmem:$0x1F670] =	vst v63  }
0xbb: {  	_ =	swait.ge [sflag:s25], $0x50  }
0xbc: {  	[sflag:s25] =	ssyncset.done $0x0  }
0xbd: {  	[sflag:s25] =	ssyncadd.s32 $0xFFFFFFB0  }
0xbe: {  	_ =	swait.ge [sflag:s25], $0x50  }
0xbf: {  	[sflag:s25] =	ssyncset.done $0x0  }
0xc0: {  	[sflag:s25] =	ssyncadd.s32 $0xFFFFFFB0  }
0xc1: {  	_ =	swait.ge [sflag:s25], $0x50  }
0xc2: {  	[sflag:s25] =	ssyncset.done $0x0  }
0xc3: {  	[sflag:s25] =	ssyncadd.s32 $0xFFFFFFB0  }
0xc4: {  	_ =	swait.ge [sflag:s25], $0x50  }
0xc5: {  	[sflag:s25] =	ssyncset.done $0x0  }
0xc6: {  	[sflag:s25] =	ssyncadd.s32 $0xFFFFFFB0  }
0xc7: {  	_ =	swait.ge [sflag:s25], $0x50  }
0xc8: {  	[sflag:s25] =	ssyncset.done $0x0  }
0xc9: {  	[sflag:s25] =	ssyncadd.s32 $0xFFFFFFB0  }
0xca: {  	_ =	swait.ge [sflag:s25], $0x50  }
0xcb: {  	[sflag:s25] =	ssyncset.done $0x0  }
0xcc: {  	[sflag:s25] =	ssyncadd.s32 $0xFFFFFFB0  }
0xcd: {  	_ =	swait.ge [sflag:s25], $0x50  }
0xce: {  	[sflag:s25] =	ssyncset.done $0x0  }
0xcf: {  	[sflag:s25] =	ssyncadd.s32 $0xFFFFFFB0  }
0xd0: {  	_ =	swait.ge [sflag:s25], $0x50  }
0xd1: {  	[sflag:s25] =	ssyncset.done $0x0  }
0xd2: {  	[sflag:s25] =	ssyncadd.s32 $0xFFFFFFB0  }
0xd3: {  	_ =	swait.ge [sflag:s25], $0x50  }
0xd4: {  	[sflag:s25] =	ssyncset.done $0x0  }
0xd5: {  	[sflag:s25] =	ssyncadd.s32 $0xFFFFFFB0  }
0xd6: {  	_ =	swait.ge [sflag:s25], $0x50  }
0xd7: {  	[sflag:s25] =	ssyncset.done $0x0  }
0xd8: {  	[sflag:s25] =	ssyncadd.s32 $0xFFFFFFB0  }
0xd9: {  	_ =	swait.ge [sflag:s25], $0x50  }
0xda: {  	[sflag:s25] =	ssyncset.done $0x0  }
0xdb: {  	[sflag:s25] =	ssyncadd.s32 $0xFFFFFFB0  }
0xdc: {  	_ =	swait.ge [sflag:s25], $0x50  }
0xdd: {  	[sflag:s25] =	ssyncset.done $0x0  }
0xde: {  	[sflag:s25] =	ssyncadd.s32 $0xFFFFFFB0  }
0xdf: {  	_ =	swait.ge [sflag:s25], $0x50  }
0xe0: {  	[sflag:s25] =	ssyncset.done $0x0  }
0xe1: {  	[sflag:s25] =	ssyncadd.s32 $0xFFFFFFB0  }
0xe2: {  	_ =	swait.ge [sflag:s25], $0x50  }
0xe3: {  	[sflag:s25] =	ssyncset.done $0x0  }
0xe4: {  	[sflag:s25] =	ssyncadd.s32 $0xFFFFFFB0  }
0xe5: {  	_ =	swait.ge [sflag:s25], $0x50  }
0xe6: {  	[sflag:s25] =	ssyncset.done $0x0  }
0xe7: {  	[sflag:s25] =	ssyncadd.s32 $0xFFFFFFB0  }
0xe8: {  	_ =	swait.ge [sflag:s25], $0x50  }
0xe9: {  	[sflag:s25] =	ssyncset.done $0x0  }
0xea: {  	[sflag:s25] =	ssyncadd.s32 $0xFFFFFFB0  }
0xeb: {  	_ =	swait.ge [sflag:s25], $0x50  }
0xec: {  	[sflag:s25] =	ssyncset.done $0x0  }
0xed: {  	[sflag:s25] =	ssyncadd.s32 $0xFFFFFFB0  }
0xee: {  	_ =	swait.ge [sflag:s25], $0x50  }
0xef: {  	[sflag:s25] =	ssyncset.done $0x0  }
0xf0: {  	[sflag:s25] =	ssyncadd.s32 $0xFFFFFFB0  }
0xf1: {  	_ =	swait.ge [sflag:s25], $0x50  }
0xf2: {  	[sflag:s25] =	ssyncset.done $0x0  }
0xf3: {  	[sflag:s25] =	ssyncadd.s32 $0xFFFFFFB0  }
0xf4: {  	_ =	swait.ge [sflag:s25], $0x50  }
0xf5: {  	[sflag:s25] =	ssyncset.done $0x0  }
0xf6: {  	[sflag:s25] =	ssyncadd.s32 $0xFFFFFFB0  }
0xf7: {  	_ =	swait.ge [sflag:s25], $0x50  }
0xf8: {  	[sflag:s25] =	ssyncset.done $0x0  }
0xf9: {  	[sflag:s25] =	ssyncadd.s32 $0xFFFFFFB0  }
0xfa: {  	_ =	swait.ge [sflag:s25], $0x50  }
0xfb: {  	[sflag:s25] =	ssyncset.done $0x0  }
0xfc: {  	[sflag:s25] =	ssyncadd.s32 $0xFFFFFFB0  }
0xfd: {  	_ =	swait.ge [sflag:s25], $0x50  }
0xfe: {  	[sflag:s25] =	ssyncset.done $0x0  }
0xff: {  	[sflag:s25] =	ssyncadd.s32 $0xFFFFFFB0  }
0x100: {  	_ =	swait.ge [sflag:s25], $0x50  }
0x101: {  	[sflag:s25] =	ssyncset.done $0x0  }
0x102: {  	[sflag:s25] =	ssyncadd.s32 $0xFFFFFFB0  }
0x103: {  	_ =	swait.ge [sflag:s25], $0x50  }
0x104: {  	[sflag:s25] =	ssyncset.done $0x0  }
0x105: {  	[sflag:s25] =	ssyncadd.s32 $0xFFFFFFB0  }
0x106: {  	_ =	swait.ge [sflag:s25], $0x50  }
0x107: {  	[sflag:s25] =	ssyncset.done $0x0  }
0x108: {  	[sflag:s25] =	ssyncadd.s32 $0xFFFFFFB0  }
0x109: {  	_ =	swait.ge [sflag:s25], $0x50  }
0x10a: {  	[sflag:s25] =	ssyncset.done $0x0  }
0x10b: {  	[sflag:s25] =	ssyncadd.s32 $0xFFFFFFB0  }
0x10c: {  	_ =	swait.ge [sflag:s25], $0x50  }
0x10d: {  	[sflag:s25] =	ssyncset.done $0x0  }
0x10e: {  	[sflag:s25] =	ssyncadd.s32 $0xFFFFFFB0  }
0x10f: {  	_ =	swait.ge [sflag:s25], $0x50  }
0x110: {  	[sflag:s25] =	ssyncset.done $0x0  }
0x111: {  	[sflag:s25] =	ssyncadd.s32 $0xFFFFFFB0  }
0x112: {  	_ =	swait.ge [sflag:s25], $0x50  }
0x113: {  	[sflag:s25] =	ssyncset.done $0x0  }
0x114: {  	[sflag:s25] =	ssyncadd.s32 $0xFFFFFFB0  }
0x115: {  	_ =	swait.ge [sflag:s25], $0x50  }
0x116: {  	[sflag:s25] =	ssyncset.done $0x0  }
0x117: {  	[sflag:s25] =	ssyncadd.s32 $0xFFFFFFB0  }
0x118: {  	_ =	swait.ge [sflag:s25], $0x50  }
0x119: {  	[sflag:s25] =	ssyncset.done $0x0  }
0x11a: {  	[sflag:s25] =	ssyncadd.s32 $0xFFFFFFB0  }
0x11b: {  	_ =	swait.ge [sflag:s25], $0x50  }
0x11c: {  	[sflag:s25] =	ssyncset.done $0x0  }
0x11d: {  	[sflag:s25] =	ssyncadd.s32 $0xFFFFFFB0  }
0x11e: {  	_ =	swait.ge [sflag:s25], $0x50  }
0x11f: {  	[sflag:s25] =	ssyncset.done $0x0  }
0x120: {  	[sflag:s25] =	ssyncadd.s32 $0xFFFFFFB0  }
0x121: {  	_ =	swait.ge [sflag:s25], $0x50  }
0x122: {  	[sflag:s25] =	ssyncset.done $0x0  }
0x123: {  	[sflag:s25] =	ssyncadd.s32 $0xFFFFFFB0  }
0x124: {  	_ =	swait.ge [sflag:s25], $0x50  }
0x125: {  	[sflag:s25] =	ssyncset.done $0x0  }
0x126: {  	[sflag:s25] =	ssyncadd.s32 $0xFFFFFFB0  }
0x127: {  	_ =	swait.ge [sflag:s25], $0x50  }
0x128: {  	[sflag:s25] =	ssyncset.done $0x0  }
0x129: {  	[sflag:s25] =	ssyncadd.s32 $0xFFFFFFB0  }
0x12a: {  	_ =	swait.ge [sflag:s25], $0x50  }
0x12b: {  	[sflag:s25] =	ssyncset.done $0x0  }
0x12c: {  	[sflag:s25] =	ssyncadd.s32 $0xFFFFFFB0  }
0x12d: {  	_ =	swait.ge [sflag:s25], $0x50  }
0x12e: {  	[sflag:s25] =	ssyncset.done $0x0  }
0x12f: {  	[sflag:s25] =	ssyncadd.s32 $0xFFFFFFB0  }
0x130: {  	_ =	swait.ge [sflag:s25], $0x50  }
0x131: {  	[sflag:s25] =	ssyncset.done $0x0  }
0x132: {  	[sflag:s25] =	ssyncadd.s32 $0xFFFFFFB0  }
0x133: {  	_ =	swait.ge [sflag:s26], $0x640  }
0x134: {  	[sflag:s26] =	ssyncset.done $0x0  }
0x135: {  	[sflag:s26] =	ssyncadd.s32 $0xFFFFF9C0  }
0x136: {  	_ =	swait.ge [sflag:s26], $0x640  }
0x137: {  	[sflag:s26] =	ssyncset.done $0x0  }
0x138: {  	[sflag:s26] =	ssyncadd.s32 $0xFFFFF9C0  }
0x139: {  	s0 =	sadd.s32 s31, s13;
	_ =	swait.ge [sflag:s26], $0x640  }
0x13a: {  	s0 =	sshrl.u32 s0, $0x3;
	[sflag:s26] =	ssyncset.done $0x0  }
0x13b: {  	s5 =	simm.s32 $0x0;
	s1 =	sadd.s32 s6, s0;
	[sflag:s26] =	ssyncadd.s32 $0xFFFFF9C0  }
0x13c: {  	[tilespmem:s17], [sflag:$0x1] =	stream.linear.gather [hbm4b:s1+s5], $0x640, $0x38;
	[tilespmem:$0x1F670] =	vst v63  }
0x13d: {  	s31 =	sadd.s32 s7, s0  }
0x13e: {  	[tilespmem:s18], [sflag:$0x1] =	stream.linear.gather [hbm4b:s31+s5], $0x640, $0x38;
	[tilespmem:$0x1F670] =	vst v63  }
0x13f: {  	s0 =	sadd.s32 s2, s0  }
0x140: {  	[tilespmem:s19], [sflag:$0x1] =	stream.linear.gather [hbm4b:s0+s5], $0x640, $0x38;
	[tilespmem:$0x1F670] =	vst v63  }
0x141: {  	s0 =	simm.s32 $0x1A7A0  }
0x142: {  	v1 =	vld [tilespmem:s0+$0xFFFFFFE0];
	_ =	sdelay $0x2  }
0x143: {  	s1 =	simm.s32 $0x1A120  }
0x144: {  	s5 =	simm.s32 $0x19AA0;
	v2 =	vld [tilespmem:s1+$0xFFFFFFE0]  }
0x145: {  	v3 =	vld [tilespmem:s5+$0xFFFFFFE0];
	(erf) = vrcp.f32 v1;
	_ =	sdelay $0x6  }
0x146: {  	v1 =	vld.idx.msk [tilespmem:v2+s4+$0x0], $0xffff  }
0x147: {  	v4 =	vld.idx.msk [tilespmem:v3+s4+$0x0], $0xffff  }
0x148: {  	v5 =	vpop (erf)  }
0x149: {  	v5 =	vmul.f32 $5.000000000e-01, v5  }
0x14a: {  	s9 =	simm.s32 $0x0  }
0x14b: {  	[tilespmem:s9+$0x1D200] =	vst v2;
	v1 =	vmul.f32 v5, v1  }
0x14c: {  	[tilespmem:s9+$0x1C600] =	vst v3;
	v2 =	vmul.f32 v5, v4  }
0x14d: {  	[tilespmem:s9+$0x1AE00] =	vst v1  }
0x14e: {  	[tilespmem:s9+$0x1BA00] =	vst v2  }
0x14f: {  	v1 =	vld [tilespmem:s0+$0xFFFFFFF0];
	_ =	sdelay $0x3  }
0x150: {  	v2 =	vld [tilespmem:s1+$0xFFFFFFF0]  }
0x151: {  	v3 =	vld [tilespmem:s5+$0xFFFFFFF0];
	(erf) = vrcp.f32 v1;
	_ =	sdelay $0x6  }
0x152: {  	v1 =	vld.idx.msk [tilespmem:v2+s4+$0x0], $0xffff  }
0x153: {  	v56 =	vld.idx.msk [tilespmem:v3+s4+$0x0], $0xffff  }
0x154: {  	v57 =	vpop (erf)  }
0x155: {  	v5 =	vmul.f32 $5.000000000e-01, v57;
	_ =	sdelay $0x1  }
0x156: {  	[tilespmem:s9+$0x1D210] =	vst v2;
	v1 =	vmul.f32 v5, v1  }
0x157: {  	[tilespmem:s9+$0x1C610] =	vst v3;
	v2 =	vmul.f32 v5, v56  }
0x158: {  	[tilespmem:s9+$0x1AE10] =	vst v1  }
0x159: {  	[tilespmem:s9+$0x1BA10] =	vst v2  }
0x15a: {  	v1 =	vld [tilespmem:s0+$0x0];
	_ =	sdelay $0x3  }
0x15b: {  	v2 =	vld [tilespmem:s1+$0x0]  }
0x15c: {  	v3 =	vld [tilespmem:s5+$0x0];
	(erf) = vrcp.f32 v1;
	_ =	sdelay $0x6  }
0x15d: {  	v1 =	vld.idx.msk [tilespmem:v2+s4+$0x0], $0xffff  }
0x15e: {  	v58 =	vld.idx.msk [tilespmem:v3+s4+$0x0], $0xffff  }
0x15f: {  	v59 =	vpop (erf)  }
0x160: {  	v5 =	vmul.f32 $5.000000000e-01, v59;
	_ =	sdelay $0x1  }
0x161: {  	[tilespmem:s9+$0x1C620] =	vst v3;
	v1 =	vmul.f32 v5, v1  }
0x162: {  	[tilespmem:s9+$0x1D220] =	vst v2;
	v2 =	vmul.f32 v5, v58  }
0x163: {  	[tilespmem:s9+$0x1AE20] =	vst v1  }
0x164: {  	[tilespmem:s9+$0x1BA20] =	vst v2  }
0x165: {  	v1 =	vld [tilespmem:s0+$0x10];
	_ =	sdelay $0x3  }
0x166: {  	v2 =	vld [tilespmem:s1+$0x10]  }
0x167: {  	v3 =	vld [tilespmem:s5+$0x10];
	(erf) = vrcp.f32 v1;
	_ =	sdelay $0x6  }
0x168: {  	v1 =	vld.idx.msk [tilespmem:v2+s4+$0x0], $0xffff  }
0x169: {  	v60 =	vld.idx.msk [tilespmem:v3+s4+$0x0], $0xffff  }
0x16a: {  	v61 =	vpop (erf)  }
0x16b: {  	v5 =	vmul.f32 $5.000000000e-01, v61;
	_ =	sdelay $0x1  }
0x16c: {  	[tilespmem:s9+$0x1C630] =	vst v3;
	v1 =	vmul.f32 v5, v1  }
0x16d: {  	[tilespmem:s9+$0x1D230] =	vst v2;
	v2 =	vmul.f32 v5, v60  }
0x16e: {  	[tilespmem:s9+$0x1AE30] =	vst v1  }
0x16f: {  	[tilespmem:s9+$0x1BA30] =	vst v2  }
0x170: {  	v1 =	vld [tilespmem:s0+$0x20];
	_ =	sdelay $0x2  }
0x171: {  	v2 =	vld [tilespmem:s1+$0x20]  }
0x172: {  	v3 =	vld [tilespmem:s5+$0x20]  }
0x173: {  	(erf) = vrcp.f32 v1;
	_ =	sdelay $0x5  }
0x174: {  	v1 =	vld.idx.msk [tilespmem:v2+s4+$0x0], $0xffff  }
0x175: {  	v62 =	vld.idx.msk [tilespmem:v3+s4+$0x0], $0xffff;
	_ =	sdelay $0x1  }
0x176: {  	v63 =	vpop (erf)  }
0x177: {  	v5 =	vmul.f32 $5.000000000e-01, v63  }
0x178: {  	s10 =	simm.s32 $0x200;
	s11 =	simm.s32 $0x1AE00;
	[tilespmem:s9+$0x1C640] =	vst v3  }
0x179: {  	s14 =	simm.s32 $0x1C600;
	s15 =	simm.s32 $0x1BA00;
	s8 =	simm.s32 $0x1D200;
	[tilespmem:s9+$0x1D240] =	vst v2;
	v2 =	vmul.f32 v5, v1;
	v1 =	vmul.f32 v5, v62  }
.LBB2_7:
0x17a: {  	s0 =	sadd.s32 $0x50, s0;
	s1 =	sadd.s32 $0x50, s1;
	s5 =	sadd.s32 $0x50, s5  }
0x17b: {  	p0 =	sne.s32 s10, $0x2600;
	s16 =	smov.u32 s10;
	s10 =	sadd.s32 $0x200, s10;
	[tilespmem:s9+$0x1AE40] =	vst v2  }
0x17c: {  	[tilespmem:s9+$0x1BA40] =	vst v1  }
0x17d: {  	[spmem:s3] =	stream.indirect.scatter.add.f32 [tilespmem:s11], [sflag:$0x3], $0x1, s14, s24, $0xb8;
	[tilespmem:$0x1F670] =	vst v63  }
0x17e: {  	_ = 	snop  }
0x17f: {  	[spmem:s3] =	stream.indirect.scatter.add.f32 [tilespmem:s15], [sflag:$0x3], $0x1, s8, s24, $0xb8;
	[tilespmem:$0x1F670] =	vst v63  }
0x180: {  	v1 =	vld [tilespmem:s0+$0xFFFFFFE0];
	_ =	sdelay $0x1  }
0x181: {  	v2 =	vld [tilespmem:s5+$0xFFFFFFE0]  }
0x182: {  	v3 =	vld [tilespmem:s1+$0xFFFFFFE0];
	_ =	sdelay $0x1  }
0x183: {  	(erf) = vrcp.f32 v1;
	_ =	sdelay $0x4  }
0x184: {  	v1 =	vld.idx.msk [tilespmem:v2+s4+$0x0], $0xffff  }
0x185: {  	v4 =	vld.idx.msk [tilespmem:v3+s4+$0x0], $0xffff;
	_ =	sdelay $0x2  }
0x186: {  	v5 =	vpop (erf)  }
0x187: {  	v5 =	vmul.f32 $5.000000000e-01, v5  }
0x188: {  	s9 =	sshra.s32 s16, $0x2  }
0x189: {  	v4 =	vmul.f32 v5, v4;
	v1 =	vmul.f32 v5, v1;
	[tilespmem:s9+$0x1D200] =	vst v3  }
0x18a: {  	[tilespmem:s9+$0x1C600] =	vst v2  }
0x18b: {  	[tilespmem:s9+$0x1AE00] =	vst v4  }
0x18c: {  	[tilespmem:s9+$0x1BA00] =	vst v1  }
0x18d: {  	v1 =	vld [tilespmem:s0+$0xFFFFFFF0];
	_ =	sdelay $0x1  }
0x18e: {  	v2 =	vld [tilespmem:s1+$0xFFFFFFF0]  }
0x18f: {  	v3 =	vld [tilespmem:s5+$0xFFFFFFF0];
	_ =	sdelay $0x1  }
0x190: {  	(erf) = vrcp.f32 v1;
	_ =	sdelay $0x4  }
0x191: {  	v1 =	vld.idx.msk [tilespmem:v2+s4+$0x0], $0xffff  }
0x192: {  	v4 =	vld.idx.msk [tilespmem:v3+s4+$0x0], $0xffff;
	_ =	sdelay $0x2  }
0x193: {  	v5 =	vpop (erf)  }
0x194: {  	v5 =	vmul.f32 $5.000000000e-01, v5;
	_ =	sdelay $0x1  }
0x195: {  	v1 =	vmul.f32 v5, v1;
	v4 =	vmul.f32 v5, v4;
	[tilespmem:s9+$0x1D210] =	vst v2  }
0x196: {  	[tilespmem:s9+$0x1C610] =	vst v3  }
0x197: {  	[tilespmem:s9+$0x1AE10] =	vst v1  }
0x198: {  	[tilespmem:s9+$0x1BA10] =	vst v4  }
0x199: {  	v1 =	vld [tilespmem:s0+$0x0];
	_ =	sdelay $0x1  }
0x19a: {  	v2 =	vld [tilespmem:s1+$0x0]  }
0x19b: {  	v3 =	vld [tilespmem:s5+$0x0];
	_ =	sdelay $0x1  }
0x19c: {  	(erf) = vrcp.f32 v1;
	_ =	sdelay $0x4  }
0x19d: {  	v1 =	vld.idx.msk [tilespmem:v2+s4+$0x0], $0xffff  }
0x19e: {  	v4 =	vld.idx.msk [tilespmem:v3+s4+$0x0], $0xffff  }
0x19f: {  	[tilespmem:s9+$0x1C620] =	vst v3  }
0x1a0: {  	[tilespmem:s9+$0x1D220] =	vst v2  }
0x1a1: {  	v2 =	vpop (erf)  }
0x1a2: {  	v2 =	vmul.f32 $5.000000000e-01, v2;
	_ =	sdelay $0x1  }
0x1a3: {  	v1 =	vmul.f32 v2, v1;
	v2 =	vmul.f32 v2, v4;
	_ =	sdelay $0x1  }
0x1a4: {  	[tilespmem:s9+$0x1AE20] =	vst v1  }
0x1a5: {  	[tilespmem:s9+$0x1BA20] =	vst v2  }
0x1a6: {  	v1 =	vld [tilespmem:s0+$0x10]  }
0x1a7: {  	v2 =	vld [tilespmem:s1+$0x10];
	_ =	sdelay $0x1  }
0x1a8: {  	v3 =	vld [tilespmem:s5+$0x10];
	_ =	sdelay $0x1  }
0x1a9: {  	(erf) = vrcp.f32 v1;
	_ =	sdelay $0x4  }
0x1aa: {  	v1 =	vld.idx.msk [tilespmem:v2+s4+$0x0], $0xffff  }
0x1ab: {  	v4 =	vld.idx.msk [tilespmem:v3+s4+$0x0], $0xffff  }
0x1ac: {  	[tilespmem:s9+$0x1C630] =	vst v3  }
0x1ad: {  	[tilespmem:s9+$0x1D230] =	vst v2  }
0x1ae: {  	v2 =	vpop (erf)  }
0x1af: {  	v2 =	vmul.f32 $5.000000000e-01, v2;
	_ =	sdelay $0x1  }
0x1b0: {  	v1 =	vmul.f32 v2, v1;
	v2 =	vmul.f32 v2, v4;
	_ =	sdelay $0x1  }
0x1b1: {  	[tilespmem:s9+$0x1AE30] =	vst v1  }
0x1b2: {  	[tilespmem:s9+$0x1BA30] =	vst v2  }
0x1b3: {  	v1 =	vld [tilespmem:s0+$0x20]  }
0x1b4: {  	v2 =	vld [tilespmem:s1+$0x20]  }
0x1b5: {  	v3 =	vld [tilespmem:s5+$0x20];
	_ =	sdelay $0x2  }
0x1b6: {  	(erf) = vrcp.f32 v1;
	_ =	sdelay $0x3  }
0x1b7: {  	v1 =	vld.idx.msk [tilespmem:v2+s4+$0x0], $0xffff  }
0x1b8: {  	v4 =	vld.idx.msk [tilespmem:v3+s4+$0x0], $0xffff  }
0x1b9: {  	[tilespmem:s9+$0x1C640] =	vst v3  }
0x1ba: {  	[tilespmem:s9+$0x1D240] =	vst v2  }
.Ltmp2:
0x1bb: {  	(pc) =	sbr.rel @p0 .LBB2_7-.Ltmp2, $3  }
0x1bc: {  	v2 =	vpop (erf)  }
0x1bd: {  	s11 =	sadd.s32 $0x1AE00, s9;
	s14 =	sadd.s32 $0x1C600, s9;
	v3 =	vmul.f32 $5.000000000e-01, v2;
	_ =	sdelay $0x1  }
0x1be: {  	s15 =	sadd.s32 $0x1BA00, s9;
	s8 =	sadd.s32 $0x1D200, s9;
	v2 =	vmul.f32 v3, v1;
	v1 =	vmul.f32 v3, v4  }
0x1bf: {  	_ = 	snop  }
0x1c0: {  	[tilespmem:s9+$0x1AE40] =	vst v2  }
0x1c1: {  	[tilespmem:s9+$0x1BA40] =	vst v1  }
0x1c2: {  	[spmem:s3] =	stream.indirect.scatter.add.f32 [tilespmem:s11], [sflag:$0x3], $0x1, s14, s24, $0xb8;
	[tilespmem:$0x1F670] =	vst v63  }
0x1c3: {  	_ = 	snop  }
0x1c4: {  	[spmem:s3] =	stream.indirect.scatter.add.f32 [tilespmem:s15], [sflag:$0x3], $0x1, s8, s24, $0xb8;
	[tilespmem:$0x1F670] =	vst v63  }
0x1c5: {  	_ =	swait.ge [sflag:s25], $0x50  }
0x1c6: {  	[sflag:s25] =	ssyncset.done $0x0  }
0x1c7: {  	[sflag:s25] =	ssyncadd.s32 $0xFFFFFFB0  }
0x1c8: {  	_ =	swait.ge [sflag:s25], $0x50  }
0x1c9: {  	[sflag:s25] =	ssyncset.done $0x0  }
0x1ca: {  	[sflag:s25] =	ssyncadd.s32 $0xFFFFFFB0  }
0x1cb: {  	_ =	swait.ge [sflag:s25], $0x50  }
0x1cc: {  	[sflag:s25] =	ssyncset.done $0x0  }
0x1cd: {  	[sflag:s25] =	ssyncadd.s32 $0xFFFFFFB0  }
0x1ce: {  	_ =	swait.ge [sflag:s25], $0x50  }
0x1cf: {  	[sflag:s25] =	ssyncset.done $0x0  }
0x1d0: {  	[sflag:s25] =	ssyncadd.s32 $0xFFFFFFB0  }
0x1d1: {  	_ =	swait.ge [sflag:s25], $0x50  }
0x1d2: {  	[sflag:s25] =	ssyncset.done $0x0  }
0x1d3: {  	[sflag:s25] =	ssyncadd.s32 $0xFFFFFFB0  }
0x1d4: {  	_ =	swait.ge [sflag:s25], $0x50  }
0x1d5: {  	[sflag:s25] =	ssyncset.done $0x0  }
0x1d6: {  	[sflag:s25] =	ssyncadd.s32 $0xFFFFFFB0  }
0x1d7: {  	_ =	swait.ge [sflag:s25], $0x50  }
0x1d8: {  	[sflag:s25] =	ssyncset.done $0x0  }
0x1d9: {  	[sflag:s25] =	ssyncadd.s32 $0xFFFFFFB0  }
0x1da: {  	_ =	swait.ge [sflag:s25], $0x50  }
0x1db: {  	[sflag:s25] =	ssyncset.done $0x0  }
0x1dc: {  	[sflag:s25] =	ssyncadd.s32 $0xFFFFFFB0  }
0x1dd: {  	_ =	swait.ge [sflag:s25], $0x50  }
0x1de: {  	[sflag:s25] =	ssyncset.done $0x0  }
0x1df: {  	[sflag:s25] =	ssyncadd.s32 $0xFFFFFFB0  }
0x1e0: {  	_ =	swait.ge [sflag:s25], $0x50  }
0x1e1: {  	[sflag:s25] =	ssyncset.done $0x0  }
0x1e2: {  	[sflag:s25] =	ssyncadd.s32 $0xFFFFFFB0  }
0x1e3: {  	_ =	swait.ge [sflag:s25], $0x50  }
0x1e4: {  	[sflag:s25] =	ssyncset.done $0x0  }
0x1e5: {  	[sflag:s25] =	ssyncadd.s32 $0xFFFFFFB0  }
0x1e6: {  	_ =	swait.ge [sflag:s25], $0x50  }
0x1e7: {  	[sflag:s25] =	ssyncset.done $0x0  }
0x1e8: {  	[sflag:s25] =	ssyncadd.s32 $0xFFFFFFB0  }
0x1e9: {  	_ =	swait.ge [sflag:s25], $0x50  }
0x1ea: {  	[sflag:s25] =	ssyncset.done $0x0  }
0x1eb: {  	[sflag:s25] =	ssyncadd.s32 $0xFFFFFFB0  }
0x1ec: {  	_ =	swait.ge [sflag:s25], $0x50  }
0x1ed: {  	[sflag:s25] =	ssyncset.done $0x0  }
0x1ee: {  	[sflag:s25] =	ssyncadd.s32 $0xFFFFFFB0  }
0x1ef: {  	_ =	swait.ge [sflag:s25], $0x50  }
0x1f0: {  	[sflag:s25] =	ssyncset.done $0x0  }
0x1f1: {  	[sflag:s25] =	ssyncadd.s32 $0xFFFFFFB0  }
0x1f2: {  	_ =	swait.ge [sflag:s25], $0x50  }
0x1f3: {  	[sflag:s25] =	ssyncset.done $0x0  }
0x1f4: {  	[sflag:s25] =	ssyncadd.s32 $0xFFFFFFB0  }
0x1f5: {  	_ =	swait.ge [sflag:s25], $0x50  }
0x1f6: {  	[sflag:s25] =	ssyncset.done $0x0  }
0x1f7: {  	[sflag:s25] =	ssyncadd.s32 $0xFFFFFFB0  }
0x1f8: {  	_ =	swait.ge [sflag:s25], $0x50  }
0x1f9: {  	[sflag:s25] =	ssyncset.done $0x0  }
0x1fa: {  	[sflag:s25] =	ssyncadd.s32 $0xFFFFFFB0  }
0x1fb: {  	_ =	swait.ge [sflag:s25], $0x50  }
0x1fc: {  	[sflag:s25] =	ssyncset.done $0x0  }
0x1fd: {  	[sflag:s25] =	ssyncadd.s32 $0xFFFFFFB0  }
0x1fe: {  	_ =	swait.ge [sflag:s25], $0x50  }
0x1ff: {  	[sflag:s25] =	ssyncset.done $0x0  }
0x200: {  	[sflag:s25] =	ssyncadd.s32 $0xFFFFFFB0  }
0x201: {  	_ =	swait.ge [sflag:s25], $0x50  }
0x202: {  	[sflag:s25] =	ssyncset.done $0x0  }
0x203: {  	[sflag:s25] =	ssyncadd.s32 $0xFFFFFFB0  }
0x204: {  	_ =	swait.ge [sflag:s25], $0x50  }
0x205: {  	[sflag:s25] =	ssyncset.done $0x0  }
0x206: {  	[sflag:s25] =	ssyncadd.s32 $0xFFFFFFB0  }
0x207: {  	_ =	swait.ge [sflag:s25], $0x50  }
0x208: {  	[sflag:s25] =	ssyncset.done $0x0  }
0x209: {  	[sflag:s25] =	ssyncadd.s32 $0xFFFFFFB0  }
0x20a: {  	_ =	swait.ge [sflag:s25], $0x50  }
0x20b: {  	[sflag:s25] =	ssyncset.done $0x0  }
0x20c: {  	[sflag:s25] =	ssyncadd.s32 $0xFFFFFFB0  }
0x20d: {  	_ =	swait.ge [sflag:s25], $0x50  }
0x20e: {  	[sflag:s25] =	ssyncset.done $0x0  }
0x20f: {  	[sflag:s25] =	ssyncadd.s32 $0xFFFFFFB0  }
0x210: {  	_ =	swait.ge [sflag:s25], $0x50  }
0x211: {  	[sflag:s25] =	ssyncset.done $0x0  }
0x212: {  	[sflag:s25] =	ssyncadd.s32 $0xFFFFFFB0  }
0x213: {  	_ =	swait.ge [sflag:s25], $0x50  }
0x214: {  	[sflag:s25] =	ssyncset.done $0x0  }
0x215: {  	[sflag:s25] =	ssyncadd.s32 $0xFFFFFFB0  }
0x216: {  	_ =	swait.ge [sflag:s25], $0x50  }
0x217: {  	[sflag:s25] =	ssyncset.done $0x0  }
0x218: {  	[sflag:s25] =	ssyncadd.s32 $0xFFFFFFB0  }
0x219: {  	_ =	swait.ge [sflag:s25], $0x50  }
0x21a: {  	[sflag:s25] =	ssyncset.done $0x0  }
0x21b: {  	[sflag:s25] =	ssyncadd.s32 $0xFFFFFFB0  }
0x21c: {  	_ =	swait.ge [sflag:s25], $0x50  }
0x21d: {  	[sflag:s25] =	ssyncset.done $0x0  }
0x21e: {  	[sflag:s25] =	ssyncadd.s32 $0xFFFFFFB0  }
0x21f: {  	_ =	swait.ge [sflag:s25], $0x50  }
0x220: {  	[sflag:s25] =	ssyncset.done $0x0  }
0x221: {  	[sflag:s25] =	ssyncadd.s32 $0xFFFFFFB0  }
0x222: {  	_ =	swait.ge [sflag:s25], $0x50  }
0x223: {  	[sflag:s25] =	ssyncset.done $0x0  }
0x224: {  	[sflag:s25] =	ssyncadd.s32 $0xFFFFFFB0  }
0x225: {  	_ =	swait.ge [sflag:s25], $0x50  }
0x226: {  	[sflag:s25] =	ssyncset.done $0x0  }
0x227: {  	[sflag:s25] =	ssyncadd.s32 $0xFFFFFFB0  }
0x228: {  	_ =	swait.ge [sflag:s25], $0x50  }
0x229: {  	[sflag:s25] =	ssyncset.done $0x0  }
0x22a: {  	[sflag:s25] =	ssyncadd.s32 $0xFFFFFFB0  }
0x22b: {  	_ =	swait.ge [sflag:s25], $0x50  }
0x22c: {  	[sflag:s25] =	ssyncset.done $0x0  }
0x22d: {  	[sflag:s25] =	ssyncadd.s32 $0xFFFFFFB0  }
0x22e: {  	_ =	swait.ge [sflag:s25], $0x50  }
0x22f: {  	[sflag:s25] =	ssyncset.done $0x0  }
0x230: {  	[sflag:s25] =	ssyncadd.s32 $0xFFFFFFB0  }
0x231: {  	_ =	swait.ge [sflag:s25], $0x50  }
0x232: {  	[sflag:s25] =	ssyncset.done $0x0  }
0x233: {  	[sflag:s25] =	ssyncadd.s32 $0xFFFFFFB0  }
0x234: {  	_ =	swait.ge [sflag:s25], $0x50  }
0x235: {  	[sflag:s25] =	ssyncset.done $0x0  }
0x236: {  	s30 =	sadd.s32 $0x1, s30;
	[sflag:s25] =	ssyncadd.s32 $0xFFFFFFB0  }
0x237: {  	p0 =	sne.s32 s30, $0x3E;
	_ =	swait.ge [sflag:s25], $0x50  }
.Ltmp3:
0x238: {  	[sflag:s25] =	ssyncset.done $0x0;
	(pc) =	sbr.rel @p0 .LBB2_4-.Ltmp3, $4  }
0x239: {  	[sflag:s25] =	ssyncadd.s32 $0xFFFFFFB0  }
0x23a: {  	_ =	swait.ge [sflag:s25], $0x50  }
0x23b: {  	[sflag:s25] =	ssyncset.done $0x0  }
0x23c: {  	[sflag:s25] =	ssyncadd.s32 $0xFFFFFFB0  }
0x23d: {  	_ =	swait.ge [sflag:s20], $0x640  }
0x23e: {  	[sflag:s20] =	ssyncset.done $0x0  }
0x23f: {  	[sflag:s20] =	ssyncadd.s32 $0xFFFFF9C0  }
0x240: {  	_ =	swait.ge [sflag:s20], $0x640  }
0x241: {  	[sflag:s20] =	ssyncset.done $0x0  }
0x242: {  	[sflag:s20] =	ssyncadd.s32 $0xFFFFF9C0  }
0x243: {  	_ =	swait.ge [sflag:s20], $0x640  }
0x244: {  	[sflag:s20] =	ssyncset.done $0x0  }
0x245: {  	s0 =	simm.s32 $0x19420;
	[sflag:s20] =	ssyncadd.s32 $0xFFFFF9C0  }
0x246: {  	v1 =	vld [tilespmem:s0+$0xFFFFFFE0];
	_ =	sdelay $0x2  }
0x247: {  	s1 =	simm.s32 $0x18DA0  }
0x248: {  	s5 =	simm.s32 $0x18720;
	v2 =	vld [tilespmem:s1+$0xFFFFFFE0]  }
0x249: {  	v3 =	vld [tilespmem:s5+$0xFFFFFFE0];
	(erf) = vrcp.f32 v1;
	_ =	sdelay $0x6  }
0x24a: {  	v1 =	vld.idx.msk [tilespmem:v2+s4+$0x0], $0xffff  }
0x24b: {  	v4 =	vld.idx.msk [tilespmem:v3+s4+$0x0], $0xffff  }
0x24c: {  	v5 =	vpop (erf)  }
0x24d: {  	v5 =	vmul.f32 $5.000000000e-01, v5  }
0x24e: {  	s9 =	simm.s32 $0x0  }
0x24f: {  	[tilespmem:s9+$0x1D200] =	vst v2;
	v1 =	vmul.f32 v5, v1  }
0x250: {  	[tilespmem:s9+$0x1C600] =	vst v3;
	v2 =	vmul.f32 v5, v4  }
0x251: {  	[tilespmem:s9+$0x1AE00] =	vst v1  }
0x252: {  	[tilespmem:s9+$0x1BA00] =	vst v2  }
0x253: {  	v1 =	vld [tilespmem:s0+$0xFFFFFFF0];
	_ =	sdelay $0x3  }
0x254: {  	v2 =	vld [tilespmem:s1+$0xFFFFFFF0]  }
0x255: {  	v3 =	vld [tilespmem:s5+$0xFFFFFFF0];
	(erf) = vrcp.f32 v1;
	_ =	sdelay $0x6  }
0x256: {  	v1 =	vld.idx.msk [tilespmem:v2+s4+$0x0], $0xffff  }
0x257: {  	v56 =	vld.idx.msk [tilespmem:v3+s4+$0x0], $0xffff  }
0x258: {  	v57 =	vpop (erf)  }
0x259: {  	v5 =	vmul.f32 $5.000000000e-01, v57;
	_ =	sdelay $0x1  }
0x25a: {  	[tilespmem:s9+$0x1D210] =	vst v2;
	v1 =	vmul.f32 v5, v1  }
0x25b: {  	[tilespmem:s9+$0x1C610] =	vst v3;
	v2 =	vmul.f32 v5, v56  }
0x25c: {  	[tilespmem:s9+$0x1AE10] =	vst v1  }
0x25d: {  	[tilespmem:s9+$0x1BA10] =	vst v2  }
0x25e: {  	v1 =	vld [tilespmem:s0+$0x0];
	_ =	sdelay $0x3  }
0x25f: {  	v2 =	vld [tilespmem:s1+$0x0]  }
0x260: {  	v3 =	vld [tilespmem:s5+$0x0];
	(erf) = vrcp.f32 v1;
	_ =	sdelay $0x6  }
0x261: {  	v1 =	vld.idx.msk [tilespmem:v2+s4+$0x0], $0xffff  }
0x262: {  	v58 =	vld.idx.msk [tilespmem:v3+s4+$0x0], $0xffff  }
0x263: {  	v59 =	vpop (erf)  }
0x264: {  	v5 =	vmul.f32 $5.000000000e-01, v59;
	_ =	sdelay $0x1  }
0x265: {  	[tilespmem:s9+$0x1C620] =	vst v3;
	v1 =	vmul.f32 v5, v1  }
0x266: {  	[tilespmem:s9+$0x1D220] =	vst v2;
	v2 =	vmul.f32 v5, v58  }
0x267: {  	[tilespmem:s9+$0x1AE20] =	vst v1  }
0x268: {  	[tilespmem:s9+$0x1BA20] =	vst v2  }
0x269: {  	v1 =	vld [tilespmem:s0+$0x10];
	_ =	sdelay $0x3  }
0x26a: {  	v2 =	vld [tilespmem:s1+$0x10]  }
0x26b: {  	v3 =	vld [tilespmem:s5+$0x10];
	(erf) = vrcp.f32 v1;
	_ =	sdelay $0x6  }
0x26c: {  	v1 =	vld.idx.msk [tilespmem:v2+s4+$0x0], $0xffff  }
0x26d: {  	v60 =	vld.idx.msk [tilespmem:v3+s4+$0x0], $0xffff  }
0x26e: {  	v61 =	vpop (erf)  }
0x26f: {  	v5 =	vmul.f32 $5.000000000e-01, v61;
	_ =	sdelay $0x1  }
0x270: {  	[tilespmem:s9+$0x1C630] =	vst v3;
	v1 =	vmul.f32 v5, v1  }
0x271: {  	[tilespmem:s9+$0x1D230] =	vst v2;
	v2 =	vmul.f32 v5, v60  }
0x272: {  	[tilespmem:s9+$0x1AE30] =	vst v1  }
0x273: {  	[tilespmem:s9+$0x1BA30] =	vst v2  }
0x274: {  	v1 =	vld [tilespmem:s0+$0x20];
	_ =	sdelay $0x2  }
0x275: {  	v2 =	vld [tilespmem:s1+$0x20]  }
0x276: {  	v3 =	vld [tilespmem:s5+$0x20]  }
0x277: {  	(erf) = vrcp.f32 v1;
	_ =	sdelay $0x5  }
0x278: {  	v1 =	vld.idx.msk [tilespmem:v2+s4+$0x0], $0xffff  }
0x279: {  	v62 =	vld.idx.msk [tilespmem:v3+s4+$0x0], $0xffff;
	_ =	sdelay $0x1  }
0x27a: {  	v63 =	vpop (erf)  }
0x27b: {  	v5 =	vmul.f32 $5.000000000e-01, v63  }
0x27c: {  	s10 =	simm.s32 $0x200;
	s11 =	simm.s32 $0x1AE00;
	[tilespmem:s9+$0x1C640] =	vst v3  }
0x27d: {  	s14 =	simm.s32 $0x1C600;
	s15 =	simm.s32 $0x1BA00;
	s8 =	simm.s32 $0x1D200;
	[tilespmem:s9+$0x1D240] =	vst v2;
	v2 =	vmul.f32 v5, v1;
	v1 =	vmul.f32 v5, v62  }
.LBB2_10:
0x27e: {  	s0 =	sadd.s32 $0x50, s0;
	s1 =	sadd.s32 $0x50, s1;
	s5 =	sadd.s32 $0x50, s5  }
0x27f: {  	p0 =	sne.s32 s10, $0x2600;
	s16 =	smov.u32 s10;
	s10 =	sadd.s32 $0x200, s10;
	[tilespmem:s9+$0x1AE40] =	vst v2  }
0x280: {  	[tilespmem:s9+$0x1BA40] =	vst v1  }
0x281: {  	[spmem:s3] =	stream.indirect.scatter.add.f32 [tilespmem:s11], [sflag:$0x3], $0x1, s14, s24, $0xb8;
	[tilespmem:$0x1F670] =	vst v63  }
0x282: {  	_ = 	snop  }
0x283: {  	[spmem:s3] =	stream.indirect.scatter.add.f32 [tilespmem:s15], [sflag:$0x3], $0x1, s8, s24, $0xb8;
	[tilespmem:$0x1F670] =	vst v63  }
0x284: {  	v1 =	vld [tilespmem:s0+$0xFFFFFFE0];
	_ =	sdelay $0x1  }
0x285: {  	v2 =	vld [tilespmem:s5+$0xFFFFFFE0]  }
0x286: {  	v3 =	vld [tilespmem:s1+$0xFFFFFFE0];
	_ =	sdelay $0x1  }
0x287: {  	(erf) = vrcp.f32 v1;
	_ =	sdelay $0x4  }
0x288: {  	v1 =	vld.idx.msk [tilespmem:v2+s4+$0x0], $0xffff  }
0x289: {  	v4 =	vld.idx.msk [tilespmem:v3+s4+$0x0], $0xffff;
	_ =	sdelay $0x2  }
0x28a: {  	v5 =	vpop (erf)  }
0x28b: {  	v5 =	vmul.f32 $5.000000000e-01, v5  }
0x28c: {  	s9 =	sshra.s32 s16, $0x2  }
0x28d: {  	v4 =	vmul.f32 v5, v4;
	v1 =	vmul.f32 v5, v1;
	[tilespmem:s9+$0x1D200] =	vst v3  }
0x28e: {  	[tilespmem:s9+$0x1C600] =	vst v2  }
0x28f: {  	[tilespmem:s9+$0x1AE00] =	vst v4  }
0x290: {  	[tilespmem:s9+$0x1BA00] =	vst v1  }
0x291: {  	v1 =	vld [tilespmem:s0+$0xFFFFFFF0];
	_ =	sdelay $0x1  }
0x292: {  	v2 =	vld [tilespmem:s1+$0xFFFFFFF0]  }
0x293: {  	v3 =	vld [tilespmem:s5+$0xFFFFFFF0];
	_ =	sdelay $0x1  }
0x294: {  	(erf) = vrcp.f32 v1;
	_ =	sdelay $0x4  }
0x295: {  	v1 =	vld.idx.msk [tilespmem:v2+s4+$0x0], $0xffff  }
0x296: {  	v4 =	vld.idx.msk [tilespmem:v3+s4+$0x0], $0xffff;
	_ =	sdelay $0x2  }
0x297: {  	v5 =	vpop (erf)  }
0x298: {  	v5 =	vmul.f32 $5.000000000e-01, v5;
	_ =	sdelay $0x1  }
0x299: {  	v1 =	vmul.f32 v5, v1;
	v4 =	vmul.f32 v5, v4;
	[tilespmem:s9+$0x1D210] =	vst v2  }
0x29a: {  	[tilespmem:s9+$0x1C610] =	vst v3  }
0x29b: {  	[tilespmem:s9+$0x1AE10] =	vst v1  }
0x29c: {  	[tilespmem:s9+$0x1BA10] =	vst v4  }
0x29d: {  	v1 =	vld [tilespmem:s0+$0x0];
	_ =	sdelay $0x1  }
0x29e: {  	v2 =	vld [tilespmem:s1+$0x0]  }
0x29f: {  	v3 =	vld [tilespmem:s5+$0x0];
	_ =	sdelay $0x1  }
0x2a0: {  	(erf) = vrcp.f32 v1;
	_ =	sdelay $0x4  }
0x2a1: {  	v1 =	vld.idx.msk [tilespmem:v2+s4+$0x0], $0xffff  }
0x2a2: {  	v4 =	vld.idx.msk [tilespmem:v3+s4+$0x0], $0xffff  }
0x2a3: {  	[tilespmem:s9+$0x1C620] =	vst v3  }
0x2a4: {  	[tilespmem:s9+$0x1D220] =	vst v2  }
0x2a5: {  	v2 =	vpop (erf)  }
0x2a6: {  	v2 =	vmul.f32 $5.000000000e-01, v2;
	_ =	sdelay $0x1  }
0x2a7: {  	v1 =	vmul.f32 v2, v1;
	v2 =	vmul.f32 v2, v4;
	_ =	sdelay $0x1  }
0x2a8: {  	[tilespmem:s9+$0x1AE20] =	vst v1  }
0x2a9: {  	[tilespmem:s9+$0x1BA20] =	vst v2  }
0x2aa: {  	v1 =	vld [tilespmem:s0+$0x10]  }
0x2ab: {  	v2 =	vld [tilespmem:s1+$0x10];
	_ =	sdelay $0x1  }
0x2ac: {  	v3 =	vld [tilespmem:s5+$0x10];
	_ =	sdelay $0x1  }
0x2ad: {  	(erf) = vrcp.f32 v1;
	_ =	sdelay $0x4  }
0x2ae: {  	v1 =	vld.idx.msk [tilespmem:v2+s4+$0x0], $0xffff  }
0x2af: {  	v4 =	vld.idx.msk [tilespmem:v3+s4+$0x0], $0xffff  }
0x2b0: {  	[tilespmem:s9+$0x1C630] =	vst v3  }
0x2b1: {  	[tilespmem:s9+$0x1D230] =	vst v2  }
0x2b2: {  	v2 =	vpop (erf)  }
0x2b3: {  	v2 =	vmul.f32 $5.000000000e-01, v2;
	_ =	sdelay $0x1  }
0x2b4: {  	v1 =	vmul.f32 v2, v1;
	v2 =	vmul.f32 v2, v4;
	_ =	sdelay $0x1  }
0x2b5: {  	[tilespmem:s9+$0x1AE30] =	vst v1  }
0x2b6: {  	[tilespmem:s9+$0x1BA30] =	vst v2  }
0x2b7: {  	v1 =	vld [tilespmem:s0+$0x20]  }
0x2b8: {  	v2 =	vld [tilespmem:s1+$0x20]  }
0x2b9: {  	v3 =	vld [tilespmem:s5+$0x20];
	_ =	sdelay $0x2  }
0x2ba: {  	(erf) = vrcp.f32 v1;
	_ =	sdelay $0x3  }
0x2bb: {  	v1 =	vld.idx.msk [tilespmem:v2+s4+$0x0], $0xffff  }
0x2bc: {  	v4 =	vld.idx.msk [tilespmem:v3+s4+$0x0], $0xffff  }
0x2bd: {  	[tilespmem:s9+$0x1C640] =	vst v3  }
0x2be: {  	[tilespmem:s9+$0x1D240] =	vst v2  }
.Ltmp4:
0x2bf: {  	(pc) =	sbr.rel @p0 .LBB2_10-.Ltmp4, $3  }
0x2c0: {  	v2 =	vpop (erf)  }
0x2c1: {  	s11 =	sadd.s32 $0x1AE00, s9;
	s14 =	sadd.s32 $0x1C600, s9;
	v3 =	vmul.f32 $5.000000000e-01, v2;
	_ =	sdelay $0x1  }
0x2c2: {  	s15 =	sadd.s32 $0x1BA00, s9;
	s8 =	sadd.s32 $0x1D200, s9;
	v2 =	vmul.f32 v3, v1;
	v1 =	vmul.f32 v3, v4  }
0x2c3: {  	_ = 	snop  }
0x2c4: {  	[tilespmem:s9+$0x1AE40] =	vst v2  }
0x2c5: {  	[tilespmem:s9+$0x1BA40] =	vst v1  }
0x2c6: {  	[spmem:s3] =	stream.indirect.scatter.add.f32 [tilespmem:s11], [sflag:$0x3], $0x1, s14, s24, $0xb8;
	[tilespmem:$0x1F670] =	vst v63  }
0x2c7: {  	_ = 	snop  }
0x2c8: {  	[spmem:s3] =	stream.indirect.scatter.add.f32 [tilespmem:s15], [sflag:$0x3], $0x1, s8, s24, $0xb8;
	[tilespmem:$0x1F670] =	vst v63  }
0x2c9: {  	_ =	swait.ge [sflag:s25], $0x50  }
0x2ca: {  	[sflag:s25] =	ssyncset.done $0x0  }
0x2cb: {  	[sflag:s25] =	ssyncadd.s32 $0xFFFFFFB0  }
0x2cc: {  	_ =	swait.ge [sflag:s25], $0x50  }
0x2cd: {  	[sflag:s25] =	ssyncset.done $0x0  }
0x2ce: {  	[sflag:s25] =	ssyncadd.s32 $0xFFFFFFB0  }
0x2cf: {  	_ =	swait.ge [sflag:s25], $0x50  }
0x2d0: {  	[sflag:s25] =	ssyncset.done $0x0  }
0x2d1: {  	[sflag:s25] =	ssyncadd.s32 $0xFFFFFFB0  }
0x2d2: {  	_ =	swait.ge [sflag:s25], $0x50  }
0x2d3: {  	[sflag:s25] =	ssyncset.done $0x0  }
0x2d4: {  	[sflag:s25] =	ssyncadd.s32 $0xFFFFFFB0  }
0x2d5: {  	_ =	swait.ge [sflag:s25], $0x50  }
0x2d6: {  	[sflag:s25] =	ssyncset.done $0x0  }
0x2d7: {  	[sflag:s25] =	ssyncadd.s32 $0xFFFFFFB0  }
0x2d8: {  	_ =	swait.ge [sflag:s25], $0x50  }
0x2d9: {  	[sflag:s25] =	ssyncset.done $0x0  }
0x2da: {  	[sflag:s25] =	ssyncadd.s32 $0xFFFFFFB0  }
0x2db: {  	_ =	swait.ge [sflag:s25], $0x50  }
0x2dc: {  	[sflag:s25] =	ssyncset.done $0x0  }
0x2dd: {  	[sflag:s25] =	ssyncadd.s32 $0xFFFFFFB0  }
0x2de: {  	_ =	swait.ge [sflag:s25], $0x50  }
0x2df: {  	[sflag:s25] =	ssyncset.done $0x0  }
0x2e0: {  	[sflag:s25] =	ssyncadd.s32 $0xFFFFFFB0  }
0x2e1: {  	_ =	swait.ge [sflag:s25], $0x50  }
0x2e2: {  	[sflag:s25] =	ssyncset.done $0x0  }
0x2e3: {  	[sflag:s25] =	ssyncadd.s32 $0xFFFFFFB0  }
0x2e4: {  	_ =	swait.ge [sflag:s25], $0x50  }
0x2e5: {  	[sflag:s25] =	ssyncset.done $0x0  }
0x2e6: {  	[sflag:s25] =	ssyncadd.s32 $0xFFFFFFB0  }
0x2e7: {  	_ =	swait.ge [sflag:s25], $0x50  }
0x2e8: {  	[sflag:s25] =	ssyncset.done $0x0  }
0x2e9: {  	[sflag:s25] =	ssyncadd.s32 $0xFFFFFFB0  }
0x2ea: {  	_ =	swait.ge [sflag:s25], $0x50  }
0x2eb: {  	[sflag:s25] =	ssyncset.done $0x0  }
0x2ec: {  	[sflag:s25] =	ssyncadd.s32 $0xFFFFFFB0  }
0x2ed: {  	_ =	swait.ge [sflag:s25], $0x50  }
0x2ee: {  	[sflag:s25] =	ssyncset.done $0x0  }
0x2ef: {  	[sflag:s25] =	ssyncadd.s32 $0xFFFFFFB0  }
0x2f0: {  	_ =	swait.ge [sflag:s25], $0x50  }
0x2f1: {  	[sflag:s25] =	ssyncset.done $0x0  }
0x2f2: {  	[sflag:s25] =	ssyncadd.s32 $0xFFFFFFB0  }
0x2f3: {  	_ =	swait.ge [sflag:s25], $0x50  }
0x2f4: {  	[sflag:s25] =	ssyncset.done $0x0  }
0x2f5: {  	[sflag:s25] =	ssyncadd.s32 $0xFFFFFFB0  }
0x2f6: {  	_ =	swait.ge [sflag:s25], $0x50  }
0x2f7: {  	[sflag:s25] =	ssyncset.done $0x0  }
0x2f8: {  	[sflag:s25] =	ssyncadd.s32 $0xFFFFFFB0  }
0x2f9: {  	_ =	swait.ge [sflag:s25], $0x50  }
0x2fa: {  	[sflag:s25] =	ssyncset.done $0x0  }
0x2fb: {  	[sflag:s25] =	ssyncadd.s32 $0xFFFFFFB0  }
0x2fc: {  	_ =	swait.ge [sflag:s25], $0x50  }
0x2fd: {  	[sflag:s25] =	ssyncset.done $0x0  }
0x2fe: {  	[sflag:s25] =	ssyncadd.s32 $0xFFFFFFB0  }
0x2ff: {  	_ =	swait.ge [sflag:s25], $0x50  }
0x300: {  	[sflag:s25] =	ssyncset.done $0x0  }
0x301: {  	[sflag:s25] =	ssyncadd.s32 $0xFFFFFFB0  }
0x302: {  	_ =	swait.ge [sflag:s25], $0x50  }
0x303: {  	[sflag:s25] =	ssyncset.done $0x0  }
0x304: {  	[sflag:s25] =	ssyncadd.s32 $0xFFFFFFB0  }
0x305: {  	_ =	swait.ge [sflag:s25], $0x50  }
0x306: {  	[sflag:s25] =	ssyncset.done $0x0  }
0x307: {  	[sflag:s25] =	ssyncadd.s32 $0xFFFFFFB0  }
0x308: {  	_ =	swait.ge [sflag:s25], $0x50  }
0x309: {  	[sflag:s25] =	ssyncset.done $0x0  }
0x30a: {  	[sflag:s25] =	ssyncadd.s32 $0xFFFFFFB0  }
0x30b: {  	_ =	swait.ge [sflag:s25], $0x50  }
0x30c: {  	[sflag:s25] =	ssyncset.done $0x0  }
0x30d: {  	[sflag:s25] =	ssyncadd.s32 $0xFFFFFFB0  }
0x30e: {  	_ =	swait.ge [sflag:s25], $0x50  }
0x30f: {  	[sflag:s25] =	ssyncset.done $0x0  }
0x310: {  	[sflag:s25] =	ssyncadd.s32 $0xFFFFFFB0  }
0x311: {  	_ =	swait.ge [sflag:s25], $0x50  }
0x312: {  	[sflag:s25] =	ssyncset.done $0x0  }
0x313: {  	[sflag:s25] =	ssyncadd.s32 $0xFFFFFFB0  }
0x314: {  	_ =	swait.ge [sflag:s25], $0x50  }
0x315: {  	[sflag:s25] =	ssyncset.done $0x0  }
0x316: {  	[sflag:s25] =	ssyncadd.s32 $0xFFFFFFB0  }
0x317: {  	_ =	swait.ge [sflag:s25], $0x50  }
0x318: {  	[sflag:s25] =	ssyncset.done $0x0  }
0x319: {  	[sflag:s25] =	ssyncadd.s32 $0xFFFFFFB0  }
0x31a: {  	_ =	swait.ge [sflag:s25], $0x50  }
0x31b: {  	[sflag:s25] =	ssyncset.done $0x0  }
0x31c: {  	[sflag:s25] =	ssyncadd.s32 $0xFFFFFFB0  }
0x31d: {  	_ =	swait.ge [sflag:s25], $0x50  }
0x31e: {  	[sflag:s25] =	ssyncset.done $0x0  }
0x31f: {  	[sflag:s25] =	ssyncadd.s32 $0xFFFFFFB0  }
0x320: {  	_ =	swait.ge [sflag:s25], $0x50  }
0x321: {  	[sflag:s25] =	ssyncset.done $0x0  }
0x322: {  	[sflag:s25] =	ssyncadd.s32 $0xFFFFFFB0  }
0x323: {  	_ =	swait.ge [sflag:s25], $0x50  }
0x324: {  	[sflag:s25] =	ssyncset.done $0x0  }
0x325: {  	[sflag:s25] =	ssyncadd.s32 $0xFFFFFFB0  }
0x326: {  	_ =	swait.ge [sflag:s25], $0x50  }
0x327: {  	[sflag:s25] =	ssyncset.done $0x0  }
0x328: {  	[sflag:s25] =	ssyncadd.s32 $0xFFFFFFB0  }
0x329: {  	_ =	swait.ge [sflag:s25], $0x50  }
0x32a: {  	[sflag:s25] =	ssyncset.done $0x0  }
0x32b: {  	[sflag:s25] =	ssyncadd.s32 $0xFFFFFFB0  }
0x32c: {  	_ =	swait.ge [sflag:s25], $0x50  }
0x32d: {  	[sflag:s25] =	ssyncset.done $0x0  }
0x32e: {  	[sflag:s25] =	ssyncadd.s32 $0xFFFFFFB0  }
0x32f: {  	_ =	swait.ge [sflag:s25], $0x50  }
0x330: {  	[sflag:s25] =	ssyncset.done $0x0  }
0x331: {  	[sflag:s25] =	ssyncadd.s32 $0xFFFFFFB0  }
0x332: {  	_ =	swait.ge [sflag:s25], $0x50  }
0x333: {  	[sflag:s25] =	ssyncset.done $0x0  }
0x334: {  	[sflag:s25] =	ssyncadd.s32 $0xFFFFFFB0  }
0x335: {  	_ =	swait.ge [sflag:s25], $0x50  }
0x336: {  	[sflag:s25] =	ssyncset.done $0x0  }
0x337: {  	[sflag:s25] =	ssyncadd.s32 $0xFFFFFFB0  }
0x338: {  	_ =	swait.ge [sflag:s25], $0x50  }
0x339: {  	[sflag:s25] =	ssyncset.done $0x0  }
0x33a: {  	[sflag:s25] =	ssyncadd.s32 $0xFFFFFFB0  }
0x33b: {  	_ =	swait.ge [sflag:s25], $0x50  }
0x33c: {  	[sflag:s25] =	ssyncset.done $0x0  }
0x33d: {  	[sflag:s25] =	ssyncadd.s32 $0xFFFFFFB0  }
0x33e: {  	_ =	swait.ge [sflag:s25], $0x50  }
0x33f: {  	[sflag:s25] =	ssyncset.done $0x0  }
0x340: {  	[sflag:s25] =	ssyncadd.s32 $0xFFFFFFB0  }
0x341: {  	[bflag:$0x0] =	sbarrier.arrive $0xFFFF  }
0x342: {  	s8 =	simm.s32 $0x4;
	s5 =	rddreg [dreg:$0x5]  }
0x343: {  	[tilespmem:s4], [sflag:$0x4] =	stream.linear.gather [spmem:s5], $0x1870, $0x38;
	[tilespmem:$0x1F670] =	vst v63  }
0x344: {  	_ =	swait.ge [sflag:s8], $0x1870  }
0x345: {  	[sflag:s8] =	ssyncset.done $0x0  }
0x346: {  	s0 =	rddreg [dreg:$0x9];
	[sflag:s8] =	ssyncadd.s32 $0xFFFFE790  }
0x347: {  	[hbm4b:s0+s4] =	stream.linear.scatter [tilespmem:s4], [sflag:$0x4], $0x1870, $0x38;
	[tilespmem:$0x1F670] =	vst v63  }
0x348: {  	_ =	swait.ge [sflag:s8], $0x1870  }
0x349: {  	s28 =	sadd.s32 $0x1, s28;
	s31 =	rddreg [dreg:$0xa]  }
0x34a: {  	p0 =	sne.s32 s28, s31  }
.Ltmp5:
0x34b: {  	_ = 	snop;
	(pc) =	sbr.rel @p0 .LBB2_1-.Ltmp5, $3  }
0x34c: {  	_ =	sdelay $0x1  }
0x34d: {  	[sflag:s8] =	ssyncset.done $0x0  }
0x34e: {  	[sflag:s8] =	ssyncadd.s32 $0xFFFFE790  }
0x34f: {  	_ =	sfence.sel $0x180000  }
0x350: {  	[bflag:$0x0] =	sbarrier.arrive $0xFFFF  }
0x351: {  	_ =	strace $0x90000047  }
0x352: {  	s0 =	stileid.u32;
	[bflag:$0x2] =	sbarrier.arrive $0xFFFF  }
0x353: {  	p0 =	sne.s32 s0, $0x0;
	s0 =	rddreg [dreg:$0x3]  }
0x354: {  	s0 =	sadd.s32 @!p0 $0x100000, s0  }
0x355: {  	[sflag:s0] =	ssyncadd.tile.s32 @!p0 $0x1;
	_ =	shalt  }
.Lfunc_end2:
_tile_overlayer_lowered:
.L_overlay_start_2:
0x356: {  	(tag) =	ssettag $0x2  }
0x357: {  	s0 =	rddreg [dreg:$0x0];
	s2 =	stileid.u32  }
0x358: {  	s1 =	rddreg [dreg:$0x1];
	p0 =	sne.s32 s2, $0x0  }
0x359: {  	s3 =	rddreg [dreg:$0x2];
	[bflag:$0x3] =	sbarrier.arrive $0xFFFF;
	s2 =	simm.s32 @!p0 $0x1C04  }
0x35a: {  	[timem:s3], [sflag:s2] =	dma.local @!p0 [hbm:s0], s1  }
0x35b: {  	s0 =	simm.s32 @!p0 $0x4  }
0x35c: {  	_ =	swait.ge @!p0 [sflag:s0], s1  }
0x35d: {  	s1 =	ssub.s32 @!p0 $0x0, s1;
	[sflag:s0] =	ssyncset.done @!p0 $0x0  }
0x35e: {  	[sflag:s0] =	ssyncadd.s32 @!p0 s1  }
0x35f: {  	[bflag:$0x3] =	sbarrier.arrive $0xFFFF  }
0x360: {  	_ =	shalt  }

</sc_bundles>
